<compile_context>
chip_gen: v7x
topology: tpu7x:2x2x1
jax: 0.10.2.dev20260603
libtpu: 0.0.44.dev20260713+nightly
codegen_flags: <defaults>
</compile_context>

<pallas_src>
import jax
import jax.numpy as jnp
from jax import lax
from jax.experimental import pallas as pl
from jax.experimental.pallas import tpu as pltpu
from jax.experimental.pallas import tpu_sc as plsc

T, B, D = 197, 32, 384
E = 8
K = 2
CAP = 49
CP = 56
H = D * 4
GH = D // 4
BA = 4
NBA = B // BA


def _route_one(xb, gw1, gb1, gw2, gb2, s_lt_t):
    g = jax.lax.dot_general(gw1, xb, (((1,), (1,)), ((), ())),
                            preferred_element_type=jnp.float32)
    g = jnp.maximum(g + gb1, 0.0)
    logits = jax.lax.dot_general(gw2, g, (((1,), (0,)), ((), ())),
                                 preferred_element_type=jnp.float32)
    logits = logits + gb2
    m = jnp.max(logits, axis=0, keepdims=True)
    p = jnp.exp(logits - m)
    gating = p / jnp.sum(p, axis=0, keepdims=True)

    ge = gating[:, None, :]
    gf = gating[None, :, :]
    f_lt_e = (jax.lax.broadcasted_iota(jnp.int32, (E, E, T), 1)
              < jax.lax.broadcasted_iota(jnp.int32, (E, E, T), 0))
    rank_e = (jnp.sum((gf > ge).astype(jnp.int32), axis=1)
              + jnp.sum(((gf == ge) & f_lt_e).astype(jnp.int32), axis=1))
    chosen = gating * (rank_e < K).astype(jnp.float32)

    ct = jnp.transpose(chosen)
    ones_t = jnp.ones((T, 1), jnp.float32)
    cols = []
    for e in range(E):
        vs = jnp.broadcast_to(chosen[e:e + 1, :], (T, T))
        vt = jnp.broadcast_to(ct[:, e:e + 1], (T, T))
        ahead = ((vs > vt) | ((vs == vt) & s_lt_t)).astype(jnp.float32)
        cols.append(jax.lax.dot_general(ahead, ones_t, (((1,), (0,)), ((), ())),
                                        preferred_element_type=jnp.float32))
    rank_t = jnp.concatenate(cols, axis=1)
    rank_c = jnp.transpose(rank_t)
    sel = rank_c < float(CAP)
    slot = jnp.where(sel, rank_c, 1000.0).astype(jnp.int32)
    fw = chosen * sel.astype(jnp.float32)

    c_iota = jax.lax.broadcasted_iota(jnp.int32, (E, CP, T), 1)
    p8 = (slot[:, None, :] == c_iota).astype(jnp.float32)
    t_row = jax.lax.broadcasted_iota(jnp.int32, (1, T), 1).astype(jnp.float32)
    tok = jax.lax.dot_general(t_row, p8.reshape(E * CP, T),
                              (((1,), (1,)), ((), ())),
                              preferred_element_type=jnp.float32)
    return slot, fw, tok


def _routing_kernel(x_ref, gw1_ref, gb1_ref, gw2_ref, gb2_ref,
                    slot_ref, fw_ref, tok_ref):
    s_lt_t = (jax.lax.broadcasted_iota(jnp.int32, (T, T), 1)
              < jax.lax.broadcasted_iota(jnp.int32, (T, T), 0))
    gw1 = gw1_ref[...]
    gb1 = gb1_ref[...]
    gw2 = gw2_ref[...]
    gb2 = gb2_ref[...]
    for bl in range(BA):
        b_glob = pl.program_id(0) * BA + bl
        xb = x_ref[:, bl * D:(bl + 1) * D]
        slot, fw, tok = _route_one(xb, gw1, gb1, gw2, gb2, s_lt_t)
        slot_ref[bl * E:(bl + 1) * E] = slot.reshape(E, 1, T)
        fw_ref[bl * E:(bl + 1) * E] = fw.reshape(E, 1, T)
        tok_ref[bl] = tok.astype(jnp.int32) * B + b_glob


def _sc_gather_kernel(x_hbm, idx_hbm, xg_hbm, idx_v, rows0, rows1, gsem, wsem):
    info = plsc.get_sparse_core_info()
    wid = lax.axis_index("s") * info.num_cores + lax.axis_index("c")
    bufs = (rows0, rows1)
    pltpu.sync_copy(idx_hbm.at[wid, 0], idx_v)

    def gather(e, buf):
        return pltpu.async_copy(x_hbm.at[idx_v.at[pl.ds(e * CP, CP)]],
                                buf, gsem)

    g = gather(0, bufs[0])
    wprev = None
    for e in range(E):
        g.wait()
        w = pltpu.async_copy(bufs[e % 2], xg_hbm.at[wid, e], wsem)
        if wprev is not None:
            wprev.wait()
        if e + 1 < E:
            g = gather(e + 1, bufs[(e + 1) % 2])
        wprev = w
    wprev.wait()


def _sc_gather(xflat, tok):
    mesh = plsc.VectorSubcoreMesh(core_axis_name="c", subcore_axis_name="s")
    return pl.kernel(
        _sc_gather_kernel,
        mesh=mesh,
        out_type=jax.ShapeDtypeStruct((B, E, CP, D), jnp.float32),
        scratch_types=[
            pltpu.VMEM((E * CP,), jnp.int32),
            pltpu.VMEM((CP, D), jnp.float32),
            pltpu.VMEM((CP, D), jnp.float32),
            pltpu.SemaphoreType.DMA,
            pltpu.SemaphoreType.DMA,
        ],
    )(xflat, tok)


def _ffn_kernel(xg_ref, wfc_ref, bfc_ref, wpj_ref, bpj_ref, y_ref):
    xg = xg_ref[...].reshape(B * CP, D).astype(jnp.bfloat16)
    h = jax.lax.dot_general(xg, wfc_ref[0].astype(jnp.bfloat16),
                            (((1,), (1,)), ((), ())),
                            preferred_element_type=jnp.float32)
    h = jnp.maximum(h + bfc_ref[0], 0.0)
    y = jax.lax.dot_general(h.astype(jnp.bfloat16),
                            wpj_ref[0].astype(jnp.bfloat16),
                            (((1,), (1,)), ((), ())),
                            preferred_element_type=jnp.float32)
    y = y + bpj_ref[0]
    y_ref[...] = y.astype(jnp.bfloat16).reshape(B, 1, CP, D)


def _combine_kernel(y_ref, slot_ref, fw_ref, x_ref, out_ref):
    c_iota = jax.lax.broadcasted_iota(jnp.int32, (E, CP, T), 1)
    for bl in range(BA):
        slot = slot_ref[bl * E:(bl + 1) * E]
        fw = fw_ref[bl * E:(bl + 1) * E]
        w2t = jnp.where(slot == c_iota, fw, 0.0).astype(jnp.bfloat16)
        yb = y_ref[bl].reshape(E * CP, D)
        acc = jax.lax.dot_general(w2t.reshape(E * CP, T), yb,
                                  (((0,), (0,)), ((), ())),
                                  preferred_element_type=jnp.float32)
        out_ref[:, bl * D:(bl + 1) * D] = acc - x_ref[:, bl * D:(bl + 1) * D]


@jax.jit
def kernel(x, gW1, gb1, gW2, gb2, Wfc, bfc, Wproj, bproj):
    x2 = x.reshape(T, B * D)
    gb1c = gb1.reshape(GH, 1)
    gb2c = gb2.reshape(E, 1)
    bfc3 = bfc.reshape(E, 1, H)
    bpj3 = bproj.reshape(E, 1, D)

    slot, fw, tok = pl.pallas_call(
        _routing_kernel,
        grid=(NBA,),
        in_specs=[
            pl.BlockSpec((T, BA * D), lambda b: (0, b)),
            pl.BlockSpec((GH, D), lambda b: (0, 0)),
            pl.BlockSpec((GH, 1), lambda b: (0, 0)),
            pl.BlockSpec((E, GH), lambda b: (0, 0)),
            pl.BlockSpec((E, 1), lambda b: (0, 0)),
        ],
        out_specs=[
            pl.BlockSpec((BA * E, 1, T), lambda b: (b, 0, 0)),
            pl.BlockSpec((BA * E, 1, T), lambda b: (b, 0, 0)),
            pl.BlockSpec((BA, 1, E * CP), lambda b: (b, 0, 0)),
        ],
        out_shape=[
            jax.ShapeDtypeStruct((B * E, 1, T), jnp.int32),
            jax.ShapeDtypeStruct((B * E, 1, T), jnp.float32),
            jax.ShapeDtypeStruct((B, 1, E * CP), jnp.int32),
        ],
    )(x2, gW1, gb1c, gW2, gb2c)

    xg = _sc_gather(x.reshape(T * B, D), tok)

    y = pl.pallas_call(
        _ffn_kernel,
        grid=(E,),
        in_specs=[
            pl.BlockSpec((B, 1, CP, D), lambda e: (0, e, 0, 0)),
            pl.BlockSpec((1, H, D), lambda e: (e, 0, 0)),
            pl.BlockSpec((1, 1, H), lambda e: (e, 0, 0)),
            pl.BlockSpec((1, D, H), lambda e: (e, 0, 0)),
            pl.BlockSpec((1, 1, D), lambda e: (e, 0, 0)),
        ],
        out_specs=pl.BlockSpec((B, 1, CP, D), lambda e: (0, e, 0, 0)),
        out_shape=jax.ShapeDtypeStruct((B, E, CP, D), jnp.bfloat16),
    )(xg, Wfc, bfc3, Wproj, bpj3)

    out2 = pl.pallas_call(
        _combine_kernel,
        grid=(NBA,),
        in_specs=[
            pl.BlockSpec((BA, E, CP, D), lambda b: (b, 0, 0, 0)),
            pl.BlockSpec((BA * E, 1, T), lambda b: (b, 0, 0)),
            pl.BlockSpec((BA * E, 1, T), lambda b: (b, 0, 0)),
            pl.BlockSpec((T, BA * D), lambda b: (0, b)),
        ],
        out_specs=pl.BlockSpec((T, BA * D), lambda b: (0, b)),
        out_shape=jax.ShapeDtypeStruct((T, B * D), jnp.float32),
    )(y, slot, fw, x2)

    return out2.reshape(T, B, D)

# --- scband reference (transcript-rebuilt; emitter-appended) ---
"""Pipeline reference for scband-fair-token-mo-e-11029476016328 (READ-ONLY COPY).

The authoritative reference and input builder live on the scoring server;
editing this copy changes nothing except your own understanding.
"""

import jax, jax.numpy as jnp
import numpy as np

T, B, D = 197, 32, 384
E = 8
K = 2
CAPACITY = int(197 * 1.0 * K / E)  # 49
H = D * 4
GH = D // 4


def setup_inputs(seed: int = 0) -> dict:
    key = jax.random.key(seed)
    ks = jax.random.split(key, 9)
    x = jax.random.normal(ks[0], (T, B, D), dtype=jnp.float32)
    gW1 = jax.random.normal(ks[1], (GH, D), dtype=jnp.float32) * 0.02
    gb1 = jnp.zeros((GH,), dtype=jnp.float32)
    gW2 = jax.random.normal(ks[2], (E, GH), dtype=jnp.float32) * 0.02
    gb2 = jnp.zeros((E,), dtype=jnp.float32)
    Wfc = jax.random.normal(ks[3], (E, H, D), dtype=jnp.float32) * 0.02
    bfc = jnp.zeros((E, H), dtype=jnp.float32)
    Wproj = jax.random.normal(ks[4], (E, D, H), dtype=jnp.float32) * 0.02
    bproj = jnp.zeros((E, D), dtype=jnp.float32)
    return {"x": x, "gW1": gW1, "gb1": gb1, "gW2": gW2, "gb2": gb2,
            "Wfc": Wfc, "bfc": bfc, "Wproj": Wproj, "bproj": bproj}


def reference(x, gW1, gb1, gW2, gb2, Wfc, bfc, Wproj, bproj):
    # gate: Linear -> ReLU -> Linear
    g = jnp.einsum('tbd,hd->tbh', x, gW1) + gb1
    g = jax.nn.relu(g)
    logits = jnp.einsum('tbh,eh->tbe', g, gW2) + gb2  # [T,B,E]
    gating = jax.nn.softmax(logits, axis=2)

    # all experts computed densely
    h = jnp.einsum('tbd,ehd->tbeh', x, Wfc) + bfc  # [T,B,E,H]
    h = jax.nn.relu(h)
    expert_out = jnp.einsum('tbeh,edh->tbed', h, Wproj) + bproj  # [T,B,E,D]

    # top-k over experts (axis=2)
    _, topk_idx = jax.lax.top_k(gating, K)  # [T,B,K]
    mask_exp = jnp.sum(jax.nn.one_hot(topk_idx, E, dtype=jnp.float32), axis=2) > 0  # [T,B,E]
    chosen = gating * mask_exp.astype(gating.dtype)

    # capacity top-k over tokens (axis=0)
    cw_t = jnp.moveaxis(chosen, 0, -1)  # [B,E,T]
    _, cap_idx = jax.lax.top_k(cw_t, CAPACITY)  # [B,E,CAPACITY]
    mask_cap_t = jnp.sum(jax.nn.one_hot(cap_idx, T, dtype=jnp.float32), axis=2) > 0  # [B,E,T]
    mask_cap = jnp.moveaxis(mask_cap_t, -1, 0)  # [T,B,E]
    final_w = chosen * mask_cap.astype(chosen.dtype)

    out = jnp.einsum('tbed,tbe->tbd', expert_out, final_w)
    out = out - x
    return out

if __name__ == "__main__":
    import jax
    _d = setup_inputs()
    print(jax.jit(kernel)(*tuple(_d.values())))

</pallas_src>

<mosaic_0001>
#map = affine_map<(d0, d1) -> (0, 0)>
#map1 = affine_map<(d0, d1) -> (0, 0, 0)>
#map2 = affine_map<(d0, d1) -> (0, 0, 0, 0)>
module attributes {stable_mosaic.version = 14 : i64} {
  func.func @_sc_gather_kernel(%arg0: i32, %arg1: i32, %arg2: memref<6304x384xf32, #tpu.memory_space<hbm>>, %arg3: memref<32x1x448xi32, #tpu.memory_space<hbm>>, %arg4: memref<32x8x56x384xf32, #tpu.memory_space<hbm>>, %arg5: memref<448xi32, #tpu.memory_space<vmem>>, %arg6: memref<56x384xf32, #tpu.memory_space<vmem>>, %arg7: memref<56x384xf32, #tpu.memory_space<vmem>>, %arg8: memref<!tpu.dma_semaphore, #tpu.memory_space<semaphore_mem>>, %arg9: memref<!tpu.dma_semaphore, #tpu.memory_space<semaphore_mem>>) attributes {dimension_semantics = [#tpu.dimension_semantics<core_parallel>, #tpu.dimension_semantics<subcore_parallel>], iteration_bounds = array<i64: 2, 16>, scalar_prefetch = 0 : i64, scratch_operands = 5 : i64, tpu.core_type = #tpu.core_type<sc_vector_subcore>, window_params = [{transform_indices = #map}, {transform_indices = #map1}, {transform_indices = #map2}]} {
    %mul3A = arith.constant 2 : i32
    %mul3A_0 = arith.muli %arg1, %mul3A : i32
    %add3A = arith.addi %mul3A_0, %arg0 : i32
    %run_scoped3A = arith.constant 0 : i32
    "tpu.region"() ({
      %run_scoped3A_223 = tpu.sem_alloc : memref<!tpu.dma_semaphore, #tpu.memory_space<semaphore_mem>>
      %dma_start3A_224 = arith.constant 0 : i32
      %dma_start3A_225 = tpu.memref_slice %arg3[%add3A, %run_scoped3A, %dma_start3A_224] : memref<32x1x448xi32, #tpu.memory_space<hbm>> -> memref<1x1x448xi32, #tpu.memory_space<hbm>>
      %dma_start3A_226 = tpu.memref_squeeze %dma_start3A_225 : memref<1x1x448xi32, #tpu.memory_space<hbm>> -> memref<448xi32, #tpu.memory_space<hbm>>
      %dma_start3A_227 = arith.constant 0 : i32
      %dma_start3A_228 = tpu.memref_slice %arg3[%add3A, %run_scoped3A, %dma_start3A_227] : memref<32x1x448xi32, #tpu.memory_space<hbm>> -> memref<1x1x448xi32, #tpu.memory_space<hbm>>
      %dma_start3A_229 = tpu.memref_squeeze %dma_start3A_228 : memref<1x1x448xi32, #tpu.memory_space<hbm>> -> memref<448xi32, #tpu.memory_space<hbm>>
      tpu.enqueue_dma source(%dma_start3A_229 : memref<448xi32, #tpu.memory_space<hbm>>) target(%arg5 : memref<448xi32, #tpu.memory_space<vmem>>) target_semaphore(%run_scoped3A_223 : memref<!tpu.dma_semaphore, #tpu.memory_space<semaphore_mem>>)
      %dma_wait3A_230 = arith.constant 0 : i32
      %dma_wait3A_231 = tpu.memref_slice %arg3[%add3A, %run_scoped3A, %dma_wait3A_230] : memref<32x1x448xi32, #tpu.memory_space<hbm>> -> memref<1x1x448xi32, #tpu.memory_space<hbm>>
      %dma_wait3A_232 = tpu.memref_squeeze %dma_wait3A_231 : memref<1x1x448xi32, #tpu.memory_space<hbm>> -> memref<448xi32, #tpu.memory_space<hbm>>
      %dma_wait3A_233 = arith.constant 0 : i32
      %dma_wait3A_234 = tpu.memref_slice %arg3[%add3A, %run_scoped3A, %dma_wait3A_233] : memref<32x1x448xi32, #tpu.memory_space<hbm>> -> memref<1x1x448xi32, #tpu.memory_space<hbm>>
      %dma_wait3A_235 = tpu.memref_squeeze %dma_wait3A_234 : memref<1x1x448xi32, #tpu.memory_space<hbm>> -> memref<448xi32, #tpu.memory_space<hbm>>
      tpu.wait_dma2 semaphore(%run_scoped3A_223 : memref<!tpu.dma_semaphore, #tpu.memory_space<semaphore_mem>>) src(%dma_wait3A_235 : memref<448xi32, #tpu.memory_space<hbm>>) dst(%arg5 : memref<448xi32, #tpu.memory_space<vmem>>)
      tpu.yield
    }) : () -> ()
    %dma_start3A = arith.constant 0 : i32
    %dma_start3A_1 = tpu.memref_slice %arg5[%dma_start3A] : memref<448xi32, #tpu.memory_space<vmem>> -> memref<56xi32, #tpu.memory_space<vmem>>
    %dma_start3A_2 = arith.constant 0 : i32
    %dma_start3A_3 = arith.constant 0 : i32
    %dma_start3A_4 = tpu.memref_slice %arg2[%dma_start3A_2, %dma_start3A_3] : memref<6304x384xf32, #tpu.memory_space<hbm>> -> memref<6304x384xf32, #tpu.memory_space<hbm>>
    tpu.enqueue_indirect_dma source(%dma_start3A_4 : memref<6304x384xf32, #tpu.memory_space<hbm>>) target(%arg6 : memref<56x384xf32, #tpu.memory_space<vmem>>) offsets(%dma_start3A_1 : memref<56xi32, #tpu.memory_space<vmem>>) semaphore(%arg8 : memref<!tpu.dma_semaphore, #tpu.memory_space<semaphore_mem>>)
    %dma_wait3A = arith.constant 0 : i32
    %dma_wait3A_5 = tpu.memref_slice %arg5[%dma_wait3A] : memref<448xi32, #tpu.memory_space<vmem>> -> memref<56xi32, #tpu.memory_space<vmem>>
    %dma_wait3A_6 = arith.constant 0 : i32
    %dma_wait3A_7 = arith.constant 0 : i32
    %dma_wait3A_8 = tpu.memref_slice %arg2[%dma_wait3A_6, %dma_wait3A_7] : memref<6304x384xf32, #tpu.memory_space<hbm>> -> memref<6304x384xf32, #tpu.memory_space<hbm>>
    tpu.wait_indirect_dma semaphore(%arg8 : memref<!tpu.dma_semaphore, #tpu.memory_space<semaphore_mem>>) src(%dma_wait3A_8 : memref<6304x384xf32, #tpu.memory_space<hbm>>) dst(%arg6 : memref<56x384xf32, #tpu.memory_space<vmem>>)
    %dma_start3A_9 = arith.constant 0 : i32
    %dma_start3A_10 = arith.constant 0 : i32
    %dma_start3A_11 = arith.constant 0 : i32
    %dma_start3A_12 = tpu.memref_slice %arg4[%add3A, %dma_start3A_9, %dma_start3A_10, %dma_start3A_11] : memref<32x8x56x384xf32, #tpu.memory_space<hbm>> -> memref<1x1x56x384xf32, #tpu.memory_space<hbm>>
    %dma_start3A_13 = tpu.memref_squeeze %dma_start3A_12 : memref<1x1x56x384xf32, #tpu.memory_space<hbm>> -> memref<56x384xf32, #tpu.memory_space<hbm>>
    %dma_start3A_14 = arith.constant 0 : i32
    %dma_start3A_15 = arith.constant 0 : i32
    %dma_start3A_16 = tpu.memref_slice %arg4[%add3A, %dma_start3A_9, %dma_start3A_14, %dma_start3A_15] : memref<32x8x56x384xf32, #tpu.memory_space<hbm>> -> memref<1x1x56x384xf32, #tpu.memory_space<hbm>>
    %dma_start3A_17 = tpu.memref_squeeze %dma_start3A_16 : memref<1x1x56x384xf32, #tpu.memory_space<hbm>> -> memref<56x384xf32, #tpu.memory_space<hbm>>
    tpu.enqueue_dma source(%arg6 : memref<56x384xf32, #tpu.memory_space<vmem>>) target(%dma_start3A_17 : memref<56x384xf32, #tpu.memory_space<hbm>>) target_semaphore(%arg9 : memref<!tpu.dma_semaphore, #tpu.memory_space<semaphore_mem>>)
    %dma_start3A_18 = arith.constant 56 : i32
    %dma_start3A_19 = tpu.memref_slice %arg5[%dma_start3A_18] : memref<448xi32, #tpu.memory_space<vmem>> -> memref<56xi32, #tpu.memory_space<vmem>>
    %dma_start3A_20 = arith.constant 0 : i32
    %dma_start3A_21 = arith.constant 0 : i32
    %dma_start3A_22 = tpu.memref_slice %arg2[%dma_start3A_20, %dma_start3A_21] : memref<6304x384xf32, #tpu.memory_space<hbm>> -> memref<6304x384xf32, #tpu.memory_space<hbm>>
    tpu.enqueue_indirect_dma source(%dma_start3A_22 : memref<6304x384xf32, #tpu.memory_space<hbm>>) target(%arg7 : memref<56x384xf32, #tpu.memory_space<vmem>>) offsets(%dma_start3A_19 : memref<56xi32, #tpu.memory_space<vmem>>) semaphore(%arg8 : memref<!tpu.dma_semaphore, #tpu.memory_space<semaphore_mem>>)
    %dma_wait3A_23 = arith.constant 56 : i32
    %dma_wait3A_24 = tpu.memref_slice %arg5[%dma_wait3A_23] : memref<448xi32, #tpu.memory_space<vmem>> -> memref<56xi32, #tpu.memory_space<vmem>>
    %dma_wait3A_25 = arith.constant 0 : i32
    %dma_wait3A_26 = arith.constant 0 : i32
    %dma_wait3A_27 = tpu.memref_slice %arg2[%dma_wait3A_25, %dma_wait3A_26] : memref<6304x384xf32, #tpu.memory_space<hbm>> -> memref<6304x384xf32, #tpu.memory_space<hbm>>
    tpu.wait_indirect_dma semaphore(%arg8 : memref<!tpu.dma_semaphore, #tpu.memory_space<semaphore_mem>>) src(%dma_wait3A_27 : memref<6304x384xf32, #tpu.memory_space<hbm>>) dst(%arg7 : memref<56x384xf32, #tpu.memory_space<vmem>>)
    %dma_start3A_28 = arith.constant 1 : i32
    %dma_start3A_29 = arith.constant 0 : i32
    %dma_start3A_30 = arith.constant 0 : i32
    %dma_start3A_31 = tpu.memref_slice %arg4[%add3A, %dma_start3A_28, %dma_start3A_29, %dma_start3A_30] : memref<32x8x56x384xf32, #tpu.memory_space<hbm>> -> memref<1x1x56x384xf32, #tpu.memory_space<hbm>>
    %dma_start3A_32 = tpu.memref_squeeze %dma_start3A_31 : memref<1x1x56x384xf32, #tpu.memory_space<hbm>> -> memref<56x384xf32, #tpu.memory_space<hbm>>
    %dma_start3A_33 = arith.constant 0 : i32
    %dma_start3A_34 = arith.constant 0 : i32
    %dma_start3A_35 = tpu.memref_slice %arg4[%add3A, %dma_start3A_28, %dma_start3A_33, %dma_start3A_34] : memref<32x8x56x384xf32, #tpu.memory_space<hbm>> -> memref<1x1x56x384xf32, #tpu.memory_space<hbm>>
    %dma_start3A_36 = tpu.memref_squeeze %dma_start3A_35 : memref<1x1x56x384xf32, #tpu.memory_space<hbm>> -> memref<56x384xf32, #tpu.memory_space<hbm>>
    tpu.enqueue_dma source(%arg7 : memref<56x384xf32, #tpu.memory_space<vmem>>) target(%dma_start3A_36 : memref<56x384xf32, #tpu.memory_space<hbm>>) target_semaphore(%arg9 : memref<!tpu.dma_semaphore, #tpu.memory_space<semaphore_mem>>)
    %dma_wait3A_37 = arith.constant 0 : i32
    %dma_wait3A_38 = arith.constant 0 : i32
    %dma_wait3A_39 = arith.constant 0 : i32
    %dma_wait3A_40 = tpu.memref_slice %arg4[%add3A, %dma_wait3A_37, %dma_wait3A_38, %dma_wait3A_39] : memref<32x8x56x384xf32, #tpu.memory_space<hbm>> -> memref<1x1x56x384xf32, #tpu.memory_space<hbm>>
    %dma_wait3A_41 = tpu.memref_squeeze %dma_wait3A_40 : memref<1x1x56x384xf32, #tpu.memory_space<hbm>> -> memref<56x384xf32, #tpu.memory_space<hbm>>
    %dma_wait3A_42 = arith.constant 0 : i32
    %dma_wait3A_43 = arith.constant 0 : i32
    %dma_wait3A_44 = tpu.memref_slice %arg4[%add3A, %dma_wait3A_37, %dma_wait3A_42, %dma_wait3A_43] : memref<32x8x56x384xf32, #tpu.memory_space<hbm>> -> memref<1x1x56x384xf32, #tpu.memory_space<hbm>>
    %dma_wait3A_45 = tpu.memref_squeeze %dma_wait3A_44 : memref<1x1x56x384xf32, #tpu.memory_space<hbm>> -> memref<56x384xf32, #tpu.memory_space<hbm>>
    tpu.wait_dma2 semaphore(%arg9 : memref<!tpu.dma_semaphore, #tpu.memory_space<semaphore_mem>>) src(%arg6 : memref<56x384xf32, #tpu.memory_space<vmem>>) dst(%dma_wait3A_45 : memref<56x384xf32, #tpu.memory_space<hbm>>)
    %dma_start3A_46 = arith.constant 112 : i32
    %dma_start3A_47 = tpu.memref_slice %arg5[%dma_start3A_46] : memref<448xi32, #tpu.memory_space<vmem>> -> memref<56xi32, #tpu.memory_space<vmem>>
    %dma_start3A_48 = arith.constant 0 : i32
    %dma_start3A_49 = arith.constant 0 : i32
    %dma_start3A_50 = tpu.memref_slice %arg2[%dma_start3A_48, %dma_start3A_49] : memref<6304x384xf32, #tpu.memory_space<hbm>> -> memref<6304x384xf32, #tpu.memory_space<hbm>>
    tpu.enqueue_indirect_dma source(%dma_start3A_50 : memref<6304x384xf32, #tpu.memory_space<hbm>>) target(%arg6 : memref<56x384xf32, #tpu.memory_space<vmem>>) offsets(%dma_start3A_47 : memref<56xi32, #tpu.memory_space<vmem>>) semaphore(%arg8 : memref<!tpu.dma_semaphore, #tpu.memory_space<semaphore_mem>>)
    %dma_wait3A_51 = arith.constant 112 : i32
    %dma_wait3A_52 = tpu.memref_slice %arg5[%dma_wait3A_51] : memref<448xi32, #tpu.memory_space<vmem>> -> memref<56xi32, #tpu.memory_space<vmem>>
    %dma_wait3A_53 = arith.constant 0 : i32
    %dma_wait3A_54 = arith.constant 0 : i32
    %dma_wait3A_55 = tpu.memref_slice %arg2[%dma_wait3A_53, %dma_wait3A_54] : memref<6304x384xf32, #tpu.memory_space<hbm>> -> memref<6304x384xf32, #tpu.memory_space<hbm>>
    tpu.wait_indirect_dma semaphore(%arg8 : memref<!tpu.dma_semaphore, #tpu.memory_space<semaphore_mem>>) src(%dma_wait3A_55 : memref<6304x384xf32, #tpu.memory_space<hbm>>) dst(%arg6 : memref<56x384xf32, #tpu.memory_space<vmem>>)
    %dma_start3A_56 = arith.constant 2 : i32
    %dma_start3A_57 = arith.constant 0 : i32
    %dma_start3A_58 = arith.constant 0 : i32
    %dma_start3A_59 = tpu.memref_slice %arg4[%add3A, %dma_start3A_56, %dma_start3A_57, %dma_start3A_58] : memref<32x8x56x384xf32, #tpu.memory_space<hbm>> -> memref<1x1x56x384xf32, #tpu.memory_space<hbm>>
    %dma_start3A_60 = tpu.memref_squeeze %dma_start3A_59 : memref<1x1x56x384xf32, #tpu.memory_space<hbm>> -> memref<56x384xf32, #tpu.memory_space<hbm>>
    %dma_start3A_61 = arith.constant 0 : i32
    %dma_start3A_62 = arith.constant 0 : i32
    %dma_start3A_63 = tpu.memref_slice %arg4[%add3A, %dma_start3A_56, %dma_start3A_61, %dma_start3A_62] : memref<32x8x56x384xf32, #tpu.memory_space<hbm>> -> memref<1x1x56x384xf32, #tpu.memory_space<hbm>>
    %dma_start3A_64 = tpu.memref_squeeze %dma_start3A_63 : memref<1x1x56x384xf32, #tpu.memory_space<hbm>> -> memref<56x384xf32, #tpu.memory_space<hbm>>
    tpu.enqueue_dma source(%arg6 : memref<56x384xf32, #tpu.memory_space<vmem>>) target(%dma_start3A_64 : memref<56x384xf32, #tpu.memory_space<hbm>>) target_semaphore(%arg9 : memref<!tpu.dma_semaphore, #tpu.memory_space<semaphore_mem>>)
    %dma_wait3A_65 = arith.constant 1 : i32
    %dma_wait3A_66 = arith.constant 0 : i32
    %dma_wait3A_67 = arith.constant 0 : i32
    %dma_wait3A_68 = tpu.memref_slice %arg4[%add3A, %dma_wait3A_65, %dma_wait3A_66, %dma_wait3A_67] : memref<32x8x56x384xf32, #tpu.memory_space<hbm>> -> memref<1x1x56x384xf32, #tpu.memory_space<hbm>>
    %dma_wait3A_69 = tpu.memref_squeeze %dma_wait3A_68 : memref<1x1x56x384xf32, #tpu.memory_space<hbm>> -> memref<56x384xf32, #tpu.memory_space<hbm>>
    %dma_wait3A_70 = arith.constant 0 : i32
    %dma_wait3A_71 = arith.constant 0 : i32
    %dma_wait3A_72 = tpu.memref_slice %arg4[%add3A, %dma_wait3A_65, %dma_wait3A_70, %dma_wait3A_71] : memref<32x8x56x384xf32, #tpu.memory_space<hbm>> -> memref<1x1x56x384xf32, #tpu.memory_space<hbm>>
    %dma_wait3A_73 = tpu.memref_squeeze %dma_wait3A_72 : memref<1x1x56x384xf32, #tpu.memory_space<hbm>> -> memref<56x384xf32, #tpu.memory_space<hbm>>
    tpu.wait_dma2 semaphore(%arg9 : memref<!tpu.dma_semaphore, #tpu.memory_space<semaphore_mem>>) src(%arg7 : memref<56x384xf32, #tpu.memory_space<vmem>>) dst(%dma_wait3A_73 : memref<56x384xf32, #tpu.memory_space<hbm>>)
    %dma_start3A_74 = arith.constant 168 : i32
    %dma_start3A_75 = tpu.memref_slice %arg5[%dma_start3A_74] : memref<448xi32, #tpu.memory_space<vmem>> -> memref<56xi32, #tpu.memory_space<vmem>>
    %dma_start3A_76 = arith.constant 0 : i32
    %dma_start3A_77 = arith.constant 0 : i32
    %dma_start3A_78 = tpu.memref_slice %arg2[%dma_start3A_76, %dma_start3A_77] : memref<6304x384xf32, #tpu.memory_space<hbm>> -> memref<6304x384xf32, #tpu.memory_space<hbm>>
    tpu.enqueue_indirect_dma source(%dma_start3A_78 : memref<6304x384xf32, #tpu.memory_space<hbm>>) target(%arg7 : memref<56x384xf32, #tpu.memory_space<vmem>>) offsets(%dma_start3A_75 : memref<56xi32, #tpu.memory_space<vmem>>) semaphore(%arg8 : memref<!tpu.dma_semaphore, #tpu.memory_space<semaphore_mem>>)
    %dma_wait3A_79 = arith.constant 168 : i32
    %dma_wait3A_80 = tpu.memref_slice %arg5[%dma_wait3A_79] : memref<448xi32, #tpu.memory_space<vmem>> -> memref<56xi32, #tpu.memory_space<vmem>>
    %dma_wait3A_81 = arith.constant 0 : i32
    %dma_wait3A_82 = arith.constant 0 : i32
    %dma_wait3A_83 = tpu.memref_slice %arg2[%dma_wait3A_81, %dma_wait3A_82] : memref<6304x384xf32, #tpu.memory_space<hbm>> -> memref<6304x384xf32, #tpu.memory_space<hbm>>
    tpu.wait_indirect_dma semaphore(%arg8 : memref<!tpu.dma_semaphore, #tpu.memory_space<semaphore_mem>>) src(%dma_wait3A_83 : memref<6304x384xf32, #tpu.memory_space<hbm>>) dst(%arg7 : memref<56x384xf32, #tpu.memory_space<vmem>>)
    %dma_start3A_84 = arith.constant 3 : i32
    %dma_start3A_85 = arith.constant 0 : i32
    %dma_start3A_86 = arith.constant 0 : i32
    %dma_start3A_87 = tpu.memref_slice %arg4[%add3A, %dma_start3A_84, %dma_start3A_85, %dma_start3A_86] : memref<32x8x56x384xf32, #tpu.memory_space<hbm>> -> memref<1x1x56x384xf32, #tpu.memory_space<hbm>>
    %dma_start3A_88 = tpu.memref_squeeze %dma_start3A_87 : memref<1x1x56x384xf32, #tpu.memory_space<hbm>> -> memref<56x384xf32, #tpu.memory_space<hbm>>
    %dma_start3A_89 = arith.constant 0 : i32
    %dma_start3A_90 = arith.constant 0 : i32
    %dma_start3A_91 = tpu.memref_slice %arg4[%add3A, %dma_start3A_84, %dma_start3A_89, %dma_start3A_90] : memref<32x8x56x384xf32, #tpu.memory_space<hbm>> -> memref<1x1x56x384xf32, #tpu.memory_space<hbm>>
    %dma_start3A_92 = tpu.memref_squeeze %dma_start3A_91 : memref<1x1x56x384xf32, #tpu.memory_space<hbm>> -> memref<56x384xf32, #tpu.memory_space<hbm>>
    tpu.enqueue_dma source(%arg7 : memref<56x384xf32, #tpu.memory_space<vmem>>) target(%dma_start3A_92 : memref<56x384xf32, #tpu.memory_space<hbm>>) target_semaphore(%arg9 : memref<!tpu.dma_semaphore, #tpu.memory_space<semaphore_mem>>)
    %dma_wait3A_93 = arith.constant 2 : i32
    %dma_wait3A_94 = arith.constant 0 : i32
    %dma_wait3A_95 = arith.constant 0 : i32
    %dma_wait3A_96 = tpu.memref_slice %arg4[%add3A, %dma_wait3A_93, %dma_wait3A_94, %dma_wait3A_95] : memref<32x8x56x384xf32, #tpu.memory_space<hbm>> -> memref<1x1x56x384xf32, #tpu.memory_space<hbm>>
    %dma_wait3A_97 = tpu.memref_squeeze %dma_wait3A_96 : memref<1x1x56x384xf32, #tpu.memory_space<hbm>> -> memref<56x384xf32, #tpu.memory_space<hbm>>
    %dma_wait3A_98 = arith.constant 0 : i32
    %dma_wait3A_99 = arith.constant 0 : i32
    %dma_wait3A_100 = tpu.memref_slice %arg4[%add3A, %dma_wait3A_93, %dma_wait3A_98, %dma_wait3A_99] : memref<32x8x56x384xf32, #tpu.memory_space<hbm>> -> memref<1x1x56x384xf32, #tpu.memory_space<hbm>>
    %dma_wait3A_101 = tpu.memref_squeeze %dma_wait3A_100 : memref<1x1x56x384xf32, #tpu.memory_space<hbm>> -> memref<56x384xf32, #tpu.memory_space<hbm>>
    tpu.wait_dma2 semaphore(%arg9 : memref<!tpu.dma_semaphore, #tpu.memory_space<semaphore_mem>>) src(%arg6 : memref<56x384xf32, #tpu.memory_space<vmem>>) dst(%dma_wait3A_101 : memref<56x384xf32, #tpu.memory_space<hbm>>)
    %dma_start3A_102 = arith.constant 224 : i32
    %dma_start3A_103 = tpu.memref_slice %arg5[%dma_start3A_102] : memref<448xi32, #tpu.memory_space<vmem>> -> memref<56xi32, #tpu.memory_space<vmem>>
    %dma_start3A_104 = arith.constant 0 : i32
    %dma_start3A_105 = arith.constant 0 : i32
    %dma_start3A_106 = tpu.memref_slice %arg2[%dma_start3A_104, %dma_start3A_105] : memref<6304x384xf32, #tpu.memory_space<hbm>> -> memref<6304x384xf32, #tpu.memory_space<hbm>>
    tpu.enqueue_indirect_dma source(%dma_start3A_106 : memref<6304x384xf32, #tpu.memory_space<hbm>>) target(%arg6 : memref<56x384xf32, #tpu.memory_space<vmem>>) offsets(%dma_start3A_103 : memref<56xi32, #tpu.memory_space<vmem>>) semaphore(%arg8 : memref<!tpu.dma_semaphore, #tpu.memory_space<semaphore_mem>>)
    %dma_wait3A_107 = arith.constant 224 : i32
    %dma_wait3A_108 = tpu.memref_slice %arg5[%dma_wait3A_107] : memref<448xi32, #tpu.memory_space<vmem>> -> memref<56xi32, #tpu.memory_space<vmem>>
    %dma_wait3A_109 = arith.constant 0 : i32
    %dma_wait3A_110 = arith.constant 0 : i32
    %dma_wait3A_111 = tpu.memref_slice %arg2[%dma_wait3A_109, %dma_wait3A_110] : memref<6304x384xf32, #tpu.memory_space<hbm>> -> memref<6304x384xf32, #tpu.memory_space<hbm>>
    tpu.wait_indirect_dma semaphore(%arg8 : memref<!tpu.dma_semaphore, #tpu.memory_space<semaphore_mem>>) src(%dma_wait3A_111 : memref<6304x384xf32, #tpu.memory_space<hbm>>) dst(%arg6 : memref<56x384xf32, #tpu.memory_space<vmem>>)
    %dma_start3A_112 = arith.constant 4 : i32
    %dma_start3A_113 = arith.constant 0 : i32
    %dma_start3A_114 = arith.constant 0 : i32
    %dma_start3A_115 = tpu.memref_slice %arg4[%add3A, %dma_start3A_112, %dma_start3A_113, %dma_start3A_114] : memref<32x8x56x384xf32, #tpu.memory_space<hbm>> -> memref<1x1x56x384xf32, #tpu.memory_space<hbm>>
    %dma_start3A_116 = tpu.memref_squeeze %dma_start3A_115 : memref<1x1x56x384xf32, #tpu.memory_space<hbm>> -> memref<56x384xf32, #tpu.memory_space<hbm>>
    %dma_start3A_117 = arith.constant 0 : i32
    %dma_start3A_118 = arith.constant 0 : i32
    %dma_start3A_119 = tpu.memref_slice %arg4[%add3A, %dma_start3A_112, %dma_start3A_117, %dma_start3A_118] : memref<32x8x56x384xf32, #tpu.memory_space<hbm>> -> memref<1x1x56x384xf32, #tpu.memory_space<hbm>>
    %dma_start3A_120 = tpu.memref_squeeze %dma_start3A_119 : memref<1x1x56x384xf32, #tpu.memory_space<hbm>> -> memref<56x384xf32, #tpu.memory_space<hbm>>
    tpu.enqueue_dma source(%arg6 : memref<56x384xf32, #tpu.memory_space<vmem>>) target(%dma_start3A_120 : memref<56x384xf32, #tpu.memory_space<hbm>>) target_semaphore(%arg9 : memref<!tpu.dma_semaphore, #tpu.memory_space<semaphore_mem>>)
    %dma_wait3A_121 = arith.constant 3 : i32
    %dma_wait3A_122 = arith.constant 0 : i32
    %dma_wait3A_123 = arith.constant 0 : i32
    %dma_wait3A_124 = tpu.memref_slice %arg4[%add3A, %dma_wait3A_121, %dma_wait3A_122, %dma_wait3A_123] : memref<32x8x56x384xf32, #tpu.memory_space<hbm>> -> memref<1x1x56x384xf32, #tpu.memory_space<hbm>>
    %dma_wait3A_125 = tpu.memref_squeeze %dma_wait3A_124 : memref<1x1x56x384xf32, #tpu.memory_space<hbm>> -> memref<56x384xf32, #tpu.memory_space<hbm>>
    %dma_wait3A_126 = arith.constant 0 : i32
    %dma_wait3A_127 = arith.constant 0 : i32
    %dma_wait3A_128 = tpu.memref_slice %arg4[%add3A, %dma_wait3A_121, %dma_wait3A_126, %dma_wait3A_127] : memref<32x8x56x384xf32, #tpu.memory_space<hbm>> -> memref<1x1x56x384xf32, #tpu.memory_space<hbm>>
    %dma_wait3A_129 = tpu.memref_squeeze %dma_wait3A_128 : memref<1x1x56x384xf32, #tpu.memory_space<hbm>> -> memref<56x384xf32, #tpu.memory_space<hbm>>
    tpu.wait_dma2 semaphore(%arg9 : memref<!tpu.dma_semaphore, #tpu.memory_space<semaphore_mem>>) src(%arg7 : memref<56x384xf32, #tpu.memory_space<vmem>>) dst(%dma_wait3A_129 : memref<56x384xf32, #tpu.memory_space<hbm>>)
    %dma_start3A_130 = arith.constant 280 : i32
    %dma_start3A_131 = tpu.memref_slice %arg5[%dma_start3A_130] : memref<448xi32, #tpu.memory_space<vmem>> -> memref<56xi32, #tpu.memory_space<vmem>>
    %dma_start3A_132 = arith.constant 0 : i32
    %dma_start3A_133 = arith.constant 0 : i32
    %dma_start3A_134 = tpu.memref_slice %arg2[%dma_start3A_132, %dma_start3A_133] : memref<6304x384xf32, #tpu.memory_space<hbm>> -> memref<6304x384xf32, #tpu.memory_space<hbm>>
    tpu.enqueue_indirect_dma source(%dma_start3A_134 : memref<6304x384xf32, #tpu.memory_space<hbm>>) target(%arg7 : memref<56x384xf32, #tpu.memory_space<vmem>>) offsets(%dma_start3A_131 : memref<56xi32, #tpu.memory_space<vmem>>) semaphore(%arg8 : memref<!tpu.dma_semaphore, #tpu.memory_space<semaphore_mem>>)
    %dma_wait3A_135 = arith.constant 280 : i32
    %dma_wait3A_136 = tpu.memref_slice %arg5[%dma_wait3A_135] : memref<448xi32, #tpu.memory_space<vmem>> -> memref<56xi32, #tpu.memory_space<vmem>>
    %dma_wait3A_137 = arith.constant 0 : i32
    %dma_wait3A_138 = arith.constant 0 : i32
    %dma_wait3A_139 = tpu.memref_slice %arg2[%dma_wait3A_137, %dma_wait3A_138] : memref<6304x384xf32, #tpu.memory_space<hbm>> -> memref<6304x384xf32, #tpu.memory_space<hbm>>
    tpu.wait_indirect_dma semaphore(%arg8 : memref<!tpu.dma_semaphore, #tpu.memory_space<semaphore_mem>>) src(%dma_wait3A_139 : memref<6304x384xf32, #tpu.memory_space<hbm>>) dst(%arg7 : memref<56x384xf32, #tpu.memory_space<vmem>>)
    %dma_start3A_140 = arith.constant 5 : i32
    %dma_start3A_141 = arith.constant 0 : i32
    %dma_start3A_142 = arith.constant 0 : i32
    %dma_start3A_143 = tpu.memref_slice %arg4[%add3A, %dma_start3A_140, %dma_start3A_141, %dma_start3A_142] : memref<32x8x56x384xf32, #tpu.memory_space<hbm>> -> memref<1x1x56x384xf32, #tpu.memory_space<hbm>>
    %dma_start3A_144 = tpu.memref_squeeze %dma_start3A_143 : memref<1x1x56x384xf32, #tpu.memory_space<hbm>> -> memref<56x384xf32, #tpu.memory_space<hbm>>
    %dma_start3A_145 = arith.constant 0 : i32
    %dma_start3A_146 = arith.constant 0 : i32
    %dma_start3A_147 = tpu.memref_slice %arg4[%add3A, %dma_start3A_140, %dma_start3A_145, %dma_start3A_146] : memref<32x8x56x384xf32, #tpu.memory_space<hbm>> -> memref<1x1x56x384xf32, #tpu.memory_space<hbm>>
    %dma_start3A_148 = tpu.memref_squeeze %dma_start3A_147 : memref<1x1x56x384xf32, #tpu.memory_space<hbm>> -> memref<56x384xf32, #tpu.memory_space<hbm>>
    tpu.enqueue_dma source(%arg7 : memref<56x384xf32, #tpu.memory_space<vmem>>) target(%dma_start3A_148 : memref<56x384xf32, #tpu.memory_space<hbm>>) target_semaphore(%arg9 : memref<!tpu.dma_semaphore, #tpu.memory_space<semaphore_mem>>)
    %dma_wait3A_149 = arith.constant 4 : i32
    %dma_wait3A_150 = arith.constant 0 : i32
    %dma_wait3A_151 = arith.constant 0 : i32
    %dma_wait3A_152 = tpu.memref_slice %arg4[%add3A, %dma_wait3A_149, %dma_wait3A_150, %dma_wait3A_151] : memref<32x8x56x384xf32, #tpu.memory_space<hbm>> -> memref<1x1x56x384xf32, #tpu.memory_space<hbm>>
    %dma_wait3A_153 = tpu.memref_squeeze %dma_wait3A_152 : memref<1x1x56x384xf32, #tpu.memory_space<hbm>> -> memref<56x384xf32, #tpu.memory_space<hbm>>
    %dma_wait3A_154 = arith.constant 0 : i32
    %dma_wait3A_155 = arith.constant 0 : i32
    %dma_wait3A_156 = tpu.memref_slice %arg4[%add3A, %dma_wait3A_149, %dma_wait3A_154, %dma_wait3A_155] : memref<32x8x56x384xf32, #tpu.memory_space<hbm>> -> memref<1x1x56x384xf32, #tpu.memory_space<hbm>>
    %dma_wait3A_157 = tpu.memref_squeeze %dma_wait3A_156 : memref<1x1x56x384xf32, #tpu.memory_space<hbm>> -> memref<56x384xf32, #tpu.memory_space<hbm>>
    tpu.wait_dma2 semaphore(%arg9 : memref<!tpu.dma_semaphore, #tpu.memory_space<semaphore_mem>>) src(%arg6 : memref<56x384xf32, #tpu.memory_space<vmem>>) dst(%dma_wait3A_157 : memref<56x384xf32, #tpu.memory_space<hbm>>)
    %dma_start3A_158 = arith.constant 336 : i32
    %dma_start3A_159 = tpu.memref_slice %arg5[%dma_start3A_158] : memref<448xi32, #tpu.memory_space<vmem>> -> memref<56xi32, #tpu.memory_space<vmem>>
    %dma_start3A_160 = arith.constant 0 : i32
    %dma_start3A_161 = arith.constant 0 : i32
    %dma_start3A_162 = tpu.memref_slice %arg2[%dma_start3A_160, %dma_start3A_161] : memref<6304x384xf32, #tpu.memory_space<hbm>> -> memref<6304x384xf32, #tpu.memory_space<hbm>>
    tpu.enqueue_indirect_dma source(%dma_start3A_162 : memref<6304x384xf32, #tpu.memory_space<hbm>>) target(%arg6 : memref<56x384xf32, #tpu.memory_space<vmem>>) offsets(%dma_start3A_159 : memref<56xi32, #tpu.memory_space<vmem>>) semaphore(%arg8 : memref<!tpu.dma_semaphore, #tpu.memory_space<semaphore_mem>>)
    %dma_wait3A_163 = arith.constant 336 : i32
    %dma_wait3A_164 = tpu.memref_slice %arg5[%dma_wait3A_163] : memref<448xi32, #tpu.memory_space<vmem>> -> memref<56xi32, #tpu.memory_space<vmem>>
    %dma_wait3A_165 = arith.constant 0 : i32
    %dma_wait3A_166 = arith.constant 0 : i32
    %dma_wait3A_167 = tpu.memref_slice %arg2[%dma_wait3A_165, %dma_wait3A_166] : memref<6304x384xf32, #tpu.memory_space<hbm>> -> memref<6304x384xf32, #tpu.memory_space<hbm>>
    tpu.wait_indirect_dma semaphore(%arg8 : memref<!tpu.dma_semaphore, #tpu.memory_space<semaphore_mem>>) src(%dma_wait3A_167 : memref<6304x384xf32, #tpu.memory_space<hbm>>) dst(%arg6 : memref<56x384xf32, #tpu.memory_space<vmem>>)
    %dma_start3A_168 = arith.constant 6 : i32
    %dma_start3A_169 = arith.constant 0 : i32
    %dma_start3A_170 = arith.constant 0 : i32
    %dma_start3A_171 = tpu.memref_slice %arg4[%add3A, %dma_start3A_168, %dma_start3A_169, %dma_start3A_170] : memref<32x8x56x384xf32, #tpu.memory_space<hbm>> -> memref<1x1x56x384xf32, #tpu.memory_space<hbm>>
    %dma_start3A_172 = tpu.memref_squeeze %dma_start3A_171 : memref<1x1x56x384xf32, #tpu.memory_space<hbm>> -> memref<56x384xf32, #tpu.memory_space<hbm>>
    %dma_start3A_173 = arith.constant 0 : i32
    %dma_start3A_174 = arith.constant 0 : i32
    %dma_start3A_175 = tpu.memref_slice %arg4[%add3A, %dma_start3A_168, %dma_start3A_173, %dma_start3A_174] : memref<32x8x56x384xf32, #tpu.memory_space<hbm>> -> memref<1x1x56x384xf32, #tpu.memory_space<hbm>>
    %dma_start3A_176 = tpu.memref_squeeze %dma_start3A_175 : memref<1x1x56x384xf32, #tpu.memory_space<hbm>> -> memref<56x384xf32, #tpu.memory_space<hbm>>
    tpu.enqueue_dma source(%arg6 : memref<56x384xf32, #tpu.memory_space<vmem>>) target(%dma_start3A_176 : memref<56x384xf32, #tpu.memory_space<hbm>>) target_semaphore(%arg9 : memref<!tpu.dma_semaphore, #tpu.memory_space<semaphore_mem>>)
    %dma_wait3A_177 = arith.constant 5 : i32
    %dma_wait3A_178 = arith.constant 0 : i32
    %dma_wait3A_179 = arith.constant 0 : i32
    %dma_wait3A_180 = tpu.memref_slice %arg4[%add3A, %dma_wait3A_177, %dma_wait3A_178, %dma_wait3A_179] : memref<32x8x56x384xf32, #tpu.memory_space<hbm>> -> memref<1x1x56x384xf32, #tpu.memory_space<hbm>>
    %dma_wait3A_181 = tpu.memref_squeeze %dma_wait3A_180 : memref<1x1x56x384xf32, #tpu.memory_space<hbm>> -> memref<56x384xf32, #tpu.memory_space<hbm>>
    %dma_wait3A_182 = arith.constant 0 : i32
    %dma_wait3A_183 = arith.constant 0 : i32
    %dma_wait3A_184 = tpu.memref_slice %arg4[%add3A, %dma_wait3A_177, %dma_wait3A_182, %dma_wait3A_183] : memref<32x8x56x384xf32, #tpu.memory_space<hbm>> -> memref<1x1x56x384xf32, #tpu.memory_space<hbm>>
    %dma_wait3A_185 = tpu.memref_squeeze %dma_wait3A_184 : memref<1x1x56x384xf32, #tpu.memory_space<hbm>> -> memref<56x384xf32, #tpu.memory_space<hbm>>
    tpu.wait_dma2 semaphore(%arg9 : memref<!tpu.dma_semaphore, #tpu.memory_space<semaphore_mem>>) src(%arg7 : memref<56x384xf32, #tpu.memory_space<vmem>>) dst(%dma_wait3A_185 : memref<56x384xf32, #tpu.memory_space<hbm>>)
    %dma_start3A_186 = arith.constant 392 : i32
    %dma_start3A_187 = tpu.memref_slice %arg5[%dma_start3A_186] : memref<448xi32, #tpu.memory_space<vmem>> -> memref<56xi32, #tpu.memory_space<vmem>>
    %dma_start3A_188 = arith.constant 0 : i32
    %dma_start3A_189 = arith.constant 0 : i32
    %dma_start3A_190 = tpu.memref_slice %arg2[%dma_start3A_188, %dma_start3A_189] : memref<6304x384xf32, #tpu.memory_space<hbm>> -> memref<6304x384xf32, #tpu.memory_space<hbm>>
    tpu.enqueue_indirect_dma source(%dma_start3A_190 : memref<6304x384xf32, #tpu.memory_space<hbm>>) target(%arg7 : memref<56x384xf32, #tpu.memory_space<vmem>>) offsets(%dma_start3A_187 : memref<56xi32, #tpu.memory_space<vmem>>) semaphore(%arg8 : memref<!tpu.dma_semaphore, #tpu.memory_space<semaphore_mem>>)
    %dma_wait3A_191 = arith.constant 392 : i32
    %dma_wait3A_192 = tpu.memref_slice %arg5[%dma_wait3A_191] : memref<448xi32, #tpu.memory_space<vmem>> -> memref<56xi32, #tpu.memory_space<vmem>>
    %dma_wait3A_193 = arith.constant 0 : i32
    %dma_wait3A_194 = arith.constant 0 : i32
    %dma_wait3A_195 = tpu.memref_slice %arg2[%dma_wait3A_193, %dma_wait3A_194] : memref<6304x384xf32, #tpu.memory_space<hbm>> -> memref<6304x384xf32, #tpu.memory_space<hbm>>
    tpu.wait_indirect_dma semaphore(%arg8 : memref<!tpu.dma_semaphore, #tpu.memory_space<semaphore_mem>>) src(%dma_wait3A_195 : memref<6304x384xf32, #tpu.memory_space<hbm>>) dst(%arg7 : memref<56x384xf32, #tpu.memory_space<vmem>>)
    %dma_start3A_196 = arith.constant 7 : i32
    %dma_start3A_197 = arith.constant 0 : i32
    %dma_start3A_198 = arith.constant 0 : i32
    %dma_start3A_199 = tpu.memref_slice %arg4[%add3A, %dma_start3A_196, %dma_start3A_197, %dma_start3A_198] : memref<32x8x56x384xf32, #tpu.memory_space<hbm>> -> memref<1x1x56x384xf32, #tpu.memory_space<hbm>>
    %dma_start3A_200 = tpu.memref_squeeze %dma_start3A_199 : memref<1x1x56x384xf32, #tpu.memory_space<hbm>> -> memref<56x384xf32, #tpu.memory_space<hbm>>
    %dma_start3A_201 = arith.constant 0 : i32
    %dma_start3A_202 = arith.constant 0 : i32
    %dma_start3A_203 = tpu.memref_slice %arg4[%add3A, %dma_start3A_196, %dma_start3A_201, %dma_start3A_202] : memref<32x8x56x384xf32, #tpu.memory_space<hbm>> -> memref<1x1x56x384xf32, #tpu.memory_space<hbm>>
    %dma_start3A_204 = tpu.memref_squeeze %dma_start3A_203 : memref<1x1x56x384xf32, #tpu.memory_space<hbm>> -> memref<56x384xf32, #tpu.memory_space<hbm>>
    tpu.enqueue_dma source(%arg7 : memref<56x384xf32, #tpu.memory_space<vmem>>) target(%dma_start3A_204 : memref<56x384xf32, #tpu.memory_space<hbm>>) target_semaphore(%arg9 : memref<!tpu.dma_semaphore, #tpu.memory_space<semaphore_mem>>)
    %dma_wait3A_205 = arith.constant 6 : i32
    %dma_wait3A_206 = arith.constant 0 : i32
    %dma_wait3A_207 = arith.constant 0 : i32
    %dma_wait3A_208 = tpu.memref_slice %arg4[%add3A, %dma_wait3A_205, %dma_wait3A_206, %dma_wait3A_207] : memref<32x8x56x384xf32, #tpu.memory_space<hbm>> -> memref<1x1x56x384xf32, #tpu.memory_space<hbm>>
    %dma_wait3A_209 = tpu.memref_squeeze %dma_wait3A_208 : memref<1x1x56x384xf32, #tpu.memory_space<hbm>> -> memref<56x384xf32, #tpu.memory_space<hbm>>
    %dma_wait3A_210 = arith.constant 0 : i32
    %dma_wait3A_211 = arith.constant 0 : i32
    %dma_wait3A_212 = tpu.memref_slice %arg4[%add3A, %dma_wait3A_205, %dma_wait3A_210, %dma_wait3A_211] : memref<32x8x56x384xf32, #tpu.memory_space<hbm>> -> memref<1x1x56x384xf32, #tpu.memory_space<hbm>>
    %dma_wait3A_213 = tpu.memref_squeeze %dma_wait3A_212 : memref<1x1x56x384xf32, #tpu.memory_space<hbm>> -> memref<56x384xf32, #tpu.memory_space<hbm>>
    tpu.wait_dma2 semaphore(%arg9 : memref<!tpu.dma_semaphore, #tpu.memory_space<semaphore_mem>>) src(%arg6 : memref<56x384xf32, #tpu.memory_space<vmem>>) dst(%dma_wait3A_213 : memref<56x384xf32, #tpu.memory_space<hbm>>)
    %dma_wait3A_214 = arith.constant 7 : i32
    %dma_wait3A_215 = arith.constant 0 : i32
    %dma_wait3A_216 = arith.constant 0 : i32
    %dma_wait3A_217 = tpu.memref_slice %arg4[%add3A, %dma_wait3A_214, %dma_wait3A_215, %dma_wait3A_216] : memref<32x8x56x384xf32, #tpu.memory_space<hbm>> -> memref<1x1x56x384xf32, #tpu.memory_space<hbm>>
    %dma_wait3A_218 = tpu.memref_squeeze %dma_wait3A_217 : memref<1x1x56x384xf32, #tpu.memory_space<hbm>> -> memref<56x384xf32, #tpu.memory_space<hbm>>
    %dma_wait3A_219 = arith.constant 0 : i32
    %dma_wait3A_220 = arith.constant 0 : i32
    %dma_wait3A_221 = tpu.memref_slice %arg4[%add3A, %dma_wait3A_214, %dma_wait3A_219, %dma_wait3A_220] : memref<32x8x56x384xf32, #tpu.memory_space<hbm>> -> memref<1x1x56x384xf32, #tpu.memory_space<hbm>>
    %dma_wait3A_222 = tpu.memref_squeeze %dma_wait3A_221 : memref<1x1x56x384xf32, #tpu.memory_space<hbm>> -> memref<56x384xf32, #tpu.memory_space<hbm>>
    tpu.wait_dma2 semaphore(%arg9 : memref<!tpu.dma_semaphore, #tpu.memory_space<semaphore_mem>>) src(%arg7 : memref<56x384xf32, #tpu.memory_space<vmem>>) dst(%dma_wait3A_222 : memref<56x384xf32, #tpu.memory_space<hbm>>)
    return
  }
}

module attributes {stable_mosaic.version = 14 : i64} {
  func.func @_routing_kernel(%arg0: i32, %arg1: memref<197x1536xf32, #tpu.memory_space<vmem>>, %arg2: memref<96x384xf32, #tpu.memory_space<vmem>>, %arg3: memref<96x1xf32, #tpu.memory_space<vmem>>, %arg4: memref<8x96xf32, #tpu.memory_space<vmem>>, %arg5: memref<8x1xf32, #tpu.memory_space<vmem>>, %arg6: memref<32x1x197xi32, #tpu.memory_space<vmem>>, %arg7: memref<32x1x197xf32, #tpu.memory_space<vmem>>, %arg8: memref<4x1x448xi32, #tpu.memory_space<vmem>>) attributes {dimension_semantics = [#tpu.dimension_semantics<arbitrary>], iteration_bounds = array<i64: 8>, scalar_prefetch = 0 : i64, scratch_operands = 0 : i64, tpu.core_type = #tpu.core_type<tc>, window_params = [{transform_indices = @transform_0, window_bounds = array<i64: 197, 1536>}, {pipeline_mode = #tpu.pipeline_mode<synchronous>, transform_indices = @transform_1, window_bounds = array<i64: 96, 384>}, {pipeline_mode = #tpu.pipeline_mode<synchronous>, transform_indices = @transform_2, window_bounds = array<i64: 96, 1>}, {pipeline_mode = #tpu.pipeline_mode<synchronous>, transform_indices = @transform_3, window_bounds = array<i64: 8, 96>}, {pipeline_mode = #tpu.pipeline_mode<synchronous>, transform_indices = @transform_4, window_bounds = array<i64: 8, 1>}, {transform_indices = @transform_5, window_bounds = array<i64: 32, 1, 197>}, {transform_indices = @transform_6, window_bounds = array<i64: 32, 1, 197>}, {transform_indices = @transform_7, window_bounds = array<i64: 4, 1, 448>}]} {
    %iota3A = tpu.iota {dimensions = array<i32: 1>} : vector<197x197xi32>
    %iota3A_0 = tpu.iota {dimensions = array<i32: 0>} : vector<197x197xi32>
    %lt3A = arith.cmpi slt, %iota3A, %iota3A_0 : vector<197x197xi32>
    %get3A = arith.constant 0 : index
    %get3A_1 = arith.constant 0 : index
    %get3A_2 = vector.load %arg2[%get3A, %get3A_1] : memref<96x384xf32, #tpu.memory_space<vmem>>, vector<96x384xf32>
    %get3A_3 = arith.constant 0 : index
    %get3A_4 = arith.constant 0 : index
    %get3A_5 = vector.load %arg3[%get3A_3, %get3A_4] : memref<96x1xf32, #tpu.memory_space<vmem>>, vector<96x1xf32>
    %get3A_6 = arith.constant 0 : index
    %get3A_7 = arith.constant 0 : index
    %get3A_8 = vector.load %arg4[%get3A_6, %get3A_7] : memref<8x96xf32, #tpu.memory_space<vmem>>, vector<8x96xf32>
    %get3A_9 = arith.constant 0 : index
    %get3A_10 = arith.constant 0 : index
    %get3A_11 = vector.load %arg5[%get3A_9, %get3A_10] : memref<8x1xf32, #tpu.memory_space<vmem>>, vector<8x1xf32>
    %mul3A = arith.constant 4 : i32
    %mul3A_12 = arith.muli %arg0, %mul3A : i32
    %add3A = arith.constant 0 : i32
    %add3A_13 = arith.addi %mul3A_12, %add3A : i32
    %get3A_14 = arith.constant 0 : index
    %get3A_15 = arith.constant 0 : index
    %get3A_16 = vector.load %arg1[%get3A_14, %get3A_15] : memref<197x1536xf32, #tpu.memory_space<vmem>>, vector<197x384xf32>
    %dot_general3A = arith.constant dense<0.000000e+00> : vector<96x197xf32>
    %dot_general3A_17 = tpu.matmul %get3A_2, %get3A_16, %dot_general3A {dimension_numbers = #tpu.dot_dimension_numbers<[1], [1], [0], [0], [0, 0, 1, 0], [], []>, transpose_lhs_hint = false} : vector<96x384xf32>, vector<197x384xf32>, vector<96x197xf32> -> vector<96x197xf32>
    %add3A_18 = vector.broadcast %get3A_5 : vector<96x1xf32> to vector<96x197xf32>
    %add3A_19 = arith.addf %dot_general3A_17, %add3A_18 : vector<96x197xf32>
    %max3A = arith.constant 0.000000e+00 : f32
    %max3A_20 = vector.broadcast %max3A : f32 to vector<96x197xf32>
    %max3A_21 = arith.maximumf %add3A_19, %max3A_20 : vector<96x197xf32>
    %dot_general3A_22 = arith.constant dense<0.000000e+00> : vector<8x197xf32>
    %dot_general3A_23 = tpu.matmul %get3A_8, %max3A_21, %dot_general3A_22 {dimension_numbers = #tpu.dot_dimension_numbers<[1], [0], [0], [1], [0, 0, 1, 1], [], []>, transpose_lhs_hint = false} : vector<8x96xf32>, vector<96x197xf32>, vector<8x197xf32> -> vector<8x197xf32>
    %add3A_24 = vector.broadcast %get3A_11 : vector<8x1xf32> to vector<8x197xf32>
    %add3A_25 = arith.addf %dot_general3A_23, %add3A_24 : vector<8x197xf32>
    %reduce_max3A = arith.constant dense<0xFF800000> : vector<197xf32>
    %reduce_max3A_26 = vector.multi_reduction <maximumf>, %add3A_25, %reduce_max3A [0] : vector<8x197xf32> to vector<197xf32>
    %broadcast_in_dim3A = vector.shape_cast %reduce_max3A_26 : vector<197xf32> to vector<1x197xf32>
    %sub3A = vector.broadcast %broadcast_in_dim3A : vector<1x197xf32> to vector<8x197xf32>
    %sub3A_27 = arith.subf %add3A_25, %sub3A : vector<8x197xf32>
    %exp3A = math.exp %sub3A_27 : vector<8x197xf32>
    %reduce_sum3A = arith.constant dense<0.000000e+00> : vector<197xf32>
    %reduce_sum3A_28 = vector.multi_reduction <add>, %exp3A, %reduce_sum3A [0] : vector<8x197xf32> to vector<197xf32>
    %broadcast_in_dim3A_29 = vector.shape_cast %reduce_sum3A_28 : vector<197xf32> to vector<1x197xf32>
    %div3A = vector.broadcast %broadcast_in_dim3A_29 : vector<1x197xf32> to vector<8x197xf32>
    %div3A_30 = arith.divf %exp3A, %div3A : vector<8x197xf32>
    %broadcast_in_dim3A_31 = vector.shape_cast %div3A_30 : vector<8x197xf32> to vector<8x1x197xf32>
    %broadcast_in_dim3A_32 = vector.shape_cast %div3A_30 : vector<8x197xf32> to vector<1x8x197xf32>
    %iota3A_33 = tpu.iota {dimensions = array<i32: 1>} : vector<8x8x197xi32>
    %iota3A_34 = tpu.iota {dimensions = array<i32: 0>} : vector<8x8x197xi32>
    %lt3A_35 = arith.cmpi slt, %iota3A_33, %iota3A_34 : vector<8x8x197xi32>
    %gt3A = vector.broadcast %broadcast_in_dim3A_32 : vector<1x8x197xf32> to vector<8x8x197xf32>
    %gt3A_36 = vector.broadcast %broadcast_in_dim3A_31 : vector<8x1x197xf32> to vector<8x8x197xf32>
    %gt3A_37 = arith.cmpf ogt, %gt3A, %gt3A_36 : vector<8x8x197xf32>
    %convert_element_type3A = arith.extui %gt3A_37 : vector<8x8x197xi1> to vector<8x8x197xi32>
    %reduce_sum3A_38 = arith.constant dense<0> : vector<8x197xi32>
    %reduce_sum3A_39 = vector.multi_reduction <add>, %convert_element_type3A, %reduce_sum3A_38 [1] : vector<8x8x197xi32> to vector<8x197xi32>
    %eq3A = vector.broadcast %broadcast_in_dim3A_32 : vector<1x8x197xf32> to vector<8x8x197xf32>
    %eq3A_40 = vector.broadcast %broadcast_in_dim3A_31 : vector<8x1x197xf32> to vector<8x8x197xf32>
    %eq3A_41 = arith.cmpf oeq, %eq3A, %eq3A_40 : vector<8x8x197xf32>
    %and3A = arith.andi %eq3A_41, %lt3A_35 : vector<8x8x197xi1>
    %convert_element_type3A_42 = arith.extui %and3A : vector<8x8x197xi1> to vector<8x8x197xi32>
    %reduce_sum3A_43 = arith.constant dense<0> : vector<8x197xi32>
    %reduce_sum3A_44 = vector.multi_reduction <add>, %convert_element_type3A_42, %reduce_sum3A_43 [1] : vector<8x8x197xi32> to vector<8x197xi32>
    %add3A_45 = arith.addi %reduce_sum3A_39, %reduce_sum3A_44 : vector<8x197xi32>
    %lt3A_46 = arith.constant 2 : i32
    %lt3A_47 = vector.broadcast %lt3A_46 : i32 to vector<8x197xi32>
    %lt3A_48 = arith.cmpi slt, %add3A_45, %lt3A_47 : vector<8x197xi32>
    %convert_element_type3A_49 = arith.extui %lt3A_48 : vector<8x197xi1> to vector<8x197xi32>
    %convert_element_type3A_50 = arith.sitofp %convert_element_type3A_49 : vector<8x197xi32> to vector<8x197xf32>
    %mul3A_51 = arith.mulf %div3A_30, %convert_element_type3A_50 : vector<8x197xf32>
    %transpose3A = tpu.transpose %mul3A_51, [1, 0] : vector<8x197xf32> -> vector<197x8xf32>
    %broadcast_in_dim3A_52 = arith.constant 1.000000e+00 : f32
    %broadcast_in_dim3A_53 = vector.broadcast %broadcast_in_dim3A_52 : f32 to vector<197x1xf32>
    %slice3A = vector.extract_strided_slice %mul3A_51 {offsets = [0, 0], sizes = [1, 197], strides = [1, 1]} : vector<8x197xf32> to vector<1x197xf32>
    %broadcast_in_dim3A_54 = vector.shape_cast %slice3A : vector<1x197xf32> to vector<1x197xf32>
    %broadcast_in_dim3A_55 = vector.broadcast %broadcast_in_dim3A_54 : vector<1x197xf32> to vector<197x197xf32>
    %slice3A_56 = vector.extract_strided_slice %transpose3A {offsets = [0, 0], sizes = [197, 1], strides = [1, 1]} : vector<197x8xf32> to vector<197x1xf32>
    %broadcast_in_dim3A_57 = vector.shape_cast %slice3A_56 : vector<197x1xf32> to vector<197x1xf32>
    %broadcast_in_dim3A_58 = vector.broadcast %broadcast_in_dim3A_57 : vector<197x1xf32> to vector<197x197xf32>
    %gt3A_59 = arith.cmpf ogt, %broadcast_in_dim3A_55, %broadcast_in_dim3A_58 : vector<197x197xf32>
    %eq3A_60 = arith.cmpf oeq, %broadcast_in_dim3A_55, %broadcast_in_dim3A_58 : vector<197x197xf32>
    %and3A_61 = arith.andi %eq3A_60, %lt3A : vector<197x197xi1>
    %or3A = arith.ori %gt3A_59, %and3A_61 : vector<197x197xi1>
    %convert_element_type3A_62 = arith.extui %or3A : vector<197x197xi1> to vector<197x197xi32>
    %convert_element_type3A_63 = arith.sitofp %convert_element_type3A_62 : vector<197x197xi32> to vector<197x197xf32>
    %dot_general3A_64 = arith.constant dense<0.000000e+00> : vector<197x1xf32>
    %dot_general3A_65 = tpu.matmul %convert_element_type3A_63, %broadcast_in_dim3A_53, %dot_general3A_64 {dimension_numbers = #tpu.dot_dimension_numbers<[1], [0], [0], [1], [0, 0, 1, 1], [], []>, transpose_lhs_hint = false} : vector<197x197xf32>, vector<197x1xf32>, vector<197x1xf32> -> vector<197x1xf32>
    %slice3A_66 = vector.extract_strided_slice %mul3A_51 {offsets = [1, 0], sizes = [1, 197], strides = [1, 1]} : vector<8x197xf32> to vector<1x197xf32>
    %broadcast_in_dim3A_67 = vector.shape_cast %slice3A_66 : vector<1x197xf32> to vector<1x197xf32>
    %broadcast_in_dim3A_68 = vector.broadcast %broadcast_in_dim3A_67 : vector<1x197xf32> to vector<197x197xf32>
    %slice3A_69 = vector.extract_strided_slice %transpose3A {offsets = [0, 1], sizes = [197, 1], strides = [1, 1]} : vector<197x8xf32> to vector<197x1xf32>
    %broadcast_in_dim3A_70 = vector.shape_cast %slice3A_69 : vector<197x1xf32> to vector<197x1xf32>
    %broadcast_in_dim3A_71 = vector.broadcast %broadcast_in_dim3A_70 : vector<197x1xf32> to vector<197x197xf32>
    %gt3A_72 = arith.cmpf ogt, %broadcast_in_dim3A_68, %broadcast_in_dim3A_71 : vector<197x197xf32>
    %eq3A_73 = arith.cmpf oeq, %broadcast_in_dim3A_68, %broadcast_in_dim3A_71 : vector<197x197xf32>
    %and3A_74 = arith.andi %eq3A_73, %lt3A : vector<197x197xi1>
    %or3A_75 = arith.ori %gt3A_72, %and3A_74 : vector<197x197xi1>
    %convert_element_type3A_76 = arith.extui %or3A_75 : vector<197x197xi1> to vector<197x197xi32>
    %convert_element_type3A_77 = arith.sitofp %convert_element_type3A_76 : vector<197x197xi32> to vector<197x197xf32>
    %dot_general3A_78 = arith.constant dense<0.000000e+00> : vector<197x1xf32>
    %dot_general3A_79 = tpu.matmul %convert_element_type3A_77, %broadcast_in_dim3A_53, %dot_general3A_78 {dimension_numbers = #tpu.dot_dimension_numbers<[1], [0], [0], [1], [0, 0, 1, 1], [], []>, transpose_lhs_hint = false} : vector<197x197xf32>, vector<197x1xf32>, vector<197x1xf32> -> vector<197x1xf32>
    %slice3A_80 = vector.extract_strided_slice %mul3A_51 {offsets = [2, 0], sizes = [1, 197], strides = [1, 1]} : vector<8x197xf32> to vector<1x197xf32>
    %broadcast_in_dim3A_81 = vector.shape_cast %slice3A_80 : vector<1x197xf32> to vector<1x197xf32>
    %broadcast_in_dim3A_82 = vector.broadcast %broadcast_in_dim3A_81 : vector<1x197xf32> to vector<197x197xf32>
    %slice3A_83 = vector.extract_strided_slice %transpose3A {offsets = [0, 2], sizes = [197, 1], strides = [1, 1]} : vector<197x8xf32> to vector<197x1xf32>
    %broadcast_in_dim3A_84 = vector.shape_cast %slice3A_83 : vector<197x1xf32> to vector<197x1xf32>
    %broadcast_in_dim3A_85 = vector.broadcast %broadcast_in_dim3A_84 : vector<197x1xf32> to vector<197x197xf32>
    %gt3A_86 = arith.cmpf ogt, %broadcast_in_dim3A_82, %broadcast_in_dim3A_85 : vector<197x197xf32>
    %eq3A_87 = arith.cmpf oeq, %broadcast_in_dim3A_82, %broadcast_in_dim3A_85 : vector<197x197xf32>
    %and3A_88 = arith.andi %eq3A_87, %lt3A : vector<197x197xi1>
    %or3A_89 = arith.ori %gt3A_86, %and3A_88 : vector<197x197xi1>
    %convert_element_type3A_90 = arith.extui %or3A_89 : vector<197x197xi1> to vector<197x197xi32>
    %convert_element_type3A_91 = arith.sitofp %convert_element_type3A_90 : vector<197x197xi32> to vector<197x197xf32>
    %dot_general3A_92 = arith.constant dense<0.000000e+00> : vector<197x1xf32>
    %dot_general3A_93 = tpu.matmul %convert_element_type3A_91, %broadcast_in_dim3A_53, %dot_general3A_92 {dimension_numbers = #tpu.dot_dimension_numbers<[1], [0], [0], [1], [0, 0, 1, 1], [], []>, transpose_lhs_hint = false} : vector<197x197xf32>, vector<197x1xf32>, vector<197x1xf32> -> vector<197x1xf32>
    %slice3A_94 = vector.extract_strided_slice %mul3A_51 {offsets = [3, 0], sizes = [1, 197], strides = [1, 1]} : vector<8x197xf32> to vector<1x197xf32>
    %broadcast_in_dim3A_95 = vector.shape_cast %slice3A_94 : vector<1x197xf32> to vector<1x197xf32>
    %broadcast_in_dim3A_96 = vector.broadcast %broadcast_in_dim3A_95 : vector<1x197xf32> to vector<197x197xf32>
    %slice3A_97 = vector.extract_strided_slice %transpose3A {offsets = [0, 3], sizes = [197, 1], strides = [1, 1]} : vector<197x8xf32> to vector<197x1xf32>
    %broadcast_in_dim3A_98 = vector.shape_cast %slice3A_97 : vector<197x1xf32> to vector<197x1xf32>
    %broadcast_in_dim3A_99 = vector.broadcast %broadcast_in_dim3A_98 : vector<197x1xf32> to vector<197x197xf32>
    %gt3A_100 = arith.cmpf ogt, %broadcast_in_dim3A_96, %broadcast_in_dim3A_99 : vector<197x197xf32>
    %eq3A_101 = arith.cmpf oeq, %broadcast_in_dim3A_96, %broadcast_in_dim3A_99 : vector<197x197xf32>
    %and3A_102 = arith.andi %eq3A_101, %lt3A : vector<197x197xi1>
    %or3A_103 = arith.ori %gt3A_100, %and3A_102 : vector<197x197xi1>
    %convert_element_type3A_104 = arith.extui %or3A_103 : vector<197x197xi1> to vector<197x197xi32>
    %convert_element_type3A_105 = arith.sitofp %convert_element_type3A_104 : vector<197x197xi32> to vector<197x197xf32>
    %dot_general3A_106 = arith.constant dense<0.000000e+00> : vector<197x1xf32>
    %dot_general3A_107 = tpu.matmul %convert_element_type3A_105, %broadcast_in_dim3A_53, %dot_general3A_106 {dimension_numbers = #tpu.dot_dimension_numbers<[1], [0], [0], [1], [0, 0, 1, 1], [], []>, transpose_lhs_hint = false} : vector<197x197xf32>, vector<197x1xf32>, vector<197x1xf32> -> vector<197x1xf32>
    %slice3A_108 = vector.extract_strided_slice %mul3A_51 {offsets = [4, 0], sizes = [1, 197], strides = [1, 1]} : vector<8x197xf32> to vector<1x197xf32>
    %broadcast_in_dim3A_109 = vector.shape_cast %slice3A_108 : vector<1x197xf32> to vector<1x197xf32>
    %broadcast_in_dim3A_110 = vector.broadcast %broadcast_in_dim3A_109 : vector<1x197xf32> to vector<197x197xf32>
    %slice3A_111 = vector.extract_strided_slice %transpose3A {offsets = [0, 4], sizes = [197, 1], strides = [1, 1]} : vector<197x8xf32> to vector<197x1xf32>
    %broadcast_in_dim3A_112 = vector.shape_cast %slice3A_111 : vector<197x1xf32> to vector<197x1xf32>
    %broadcast_in_dim3A_113 = vector.broadcast %broadcast_in_dim3A_112 : vector<197x1xf32> to vector<197x197xf32>
    %gt3A_114 = arith.cmpf ogt, %broadcast_in_dim3A_110, %broadcast_in_dim3A_113 : vector<197x197xf32>
    %eq3A_115 = arith.cmpf oeq, %broadcast_in_dim3A_110, %broadcast_in_dim3A_113 : vector<197x197xf32>
    %and3A_116 = arith.andi %eq3A_115, %lt3A : vector<197x197xi1>
    %or3A_117 = arith.ori %gt3A_114, %and3A_116 : vector<197x197xi1>
    %convert_element_type3A_118 = arith.extui %or3A_117 : vector<197x197xi1> to vector<197x197xi32>
    %convert_element_type3A_119 = arith.sitofp %convert_element_type3A_118 : vector<197x197xi32> to vector<197x197xf32>
    %dot_general3A_120 = arith.constant dense<0.000000e+00> : vector<197x1xf32>
    %dot_general3A_121 = tpu.matmul %convert_element_type3A_119, %broadcast_in_dim3A_53, %dot_general3A_120 {dimension_numbers = #tpu.dot_dimension_numbers<[1], [0], [0], [1], [0, 0, 1, 1], [], []>, transpose_lhs_hint = false} : vector<197x197xf32>, vector<197x1xf32>, vector<197x1xf32> -> vector<197x1xf32>
    %slice3A_122 = vector.extract_strided_slice %mul3A_51 {offsets = [5, 0], sizes = [1, 197], strides = [1, 1]} : vector<8x197xf32> to vector<1x197xf32>
    %broadcast_in_dim3A_123 = vector.shape_cast %slice3A_122 : vector<1x197xf32> to vector<1x197xf32>
    %broadcast_in_dim3A_124 = vector.broadcast %broadcast_in_dim3A_123 : vector<1x197xf32> to vector<197x197xf32>
    %slice3A_125 = vector.extract_strided_slice %transpose3A {offsets = [0, 5], sizes = [197, 1], strides = [1, 1]} : vector<197x8xf32> to vector<197x1xf32>
    %broadcast_in_dim3A_126 = vector.shape_cast %slice3A_125 : vector<197x1xf32> to vector<197x1xf32>
    %broadcast_in_dim3A_127 = vector.broadcast %broadcast_in_dim3A_126 : vector<197x1xf32> to vector<197x197xf32>
    %gt3A_128 = arith.cmpf ogt, %broadcast_in_dim3A_124, %broadcast_in_dim3A_127 : vector<197x197xf32>
    %eq3A_129 = arith.cmpf oeq, %broadcast_in_dim3A_124, %broadcast_in_dim3A_127 : vector<197x197xf32>
    %and3A_130 = arith.andi %eq3A_129, %lt3A : vector<197x197xi1>
    %or3A_131 = arith.ori %gt3A_128, %and3A_130 : vector<197x197xi1>
    %convert_element_type3A_132 = arith.extui %or3A_131 : vector<197x197xi1> to vector<197x197xi32>
    %convert_element_type3A_133 = arith.sitofp %convert_element_type3A_132 : vector<197x197xi32> to vector<197x197xf32>
    %dot_general3A_134 = arith.constant dense<0.000000e+00> : vector<197x1xf32>
    %dot_general3A_135 = tpu.matmul %convert_element_type3A_133, %broadcast_in_dim3A_53, %dot_general3A_134 {dimension_numbers = #tpu.dot_dimension_numbers<[1], [0], [0], [1], [0, 0, 1, 1], [], []>, transpose_lhs_hint = false} : vector<197x197xf32>, vector<197x1xf32>, vector<197x1xf32> -> vector<197x1xf32>
    %slice3A_136 = vector.extract_strided_slice %mul3A_51 {offsets = [6, 0], sizes = [1, 197], strides = [1, 1]} : vector<8x197xf32> to vector<1x197xf32>
    %broadcast_in_dim3A_137 = vector.shape_cast %slice3A_136 : vector<1x197xf32> to vector<1x197xf32>
    %broadcast_in_dim3A_138 = vector.broadcast %broadcast_in_dim3A_137 : vector<1x197xf32> to vector<197x197xf32>
    %slice3A_139 = vector.extract_strided_slice %transpose3A {offsets = [0, 6], sizes = [197, 1], strides = [1, 1]} : vector<197x8xf32> to vector<197x1xf32>
    %broadcast_in_dim3A_140 = vector.shape_cast %slice3A_139 : vector<197x1xf32> to vector<197x1xf32>
    %broadcast_in_dim3A_141 = vector.broadcast %broadcast_in_dim3A_140 : vector<197x1xf32> to vector<197x197xf32>
    %gt3A_142 = arith.cmpf ogt, %broadcast_in_dim3A_138, %broadcast_in_dim3A_141 : vector<197x197xf32>
    %eq3A_143 = arith.cmpf oeq, %broadcast_in_dim3A_138, %broadcast_in_dim3A_141 : vector<197x197xf32>
    %and3A_144 = arith.andi %eq3A_143, %lt3A : vector<197x197xi1>
    %or3A_145 = arith.ori %gt3A_142, %and3A_144 : vector<197x197xi1>
    %convert_element_type3A_146 = arith.extui %or3A_145 : vector<197x197xi1> to vector<197x197xi32>
    %convert_element_type3A_147 = arith.sitofp %convert_element_type3A_146 : vector<197x197xi32> to vector<197x197xf32>
    %dot_general3A_148 = arith.constant dense<0.000000e+00> : vector<197x1xf32>
    %dot_general3A_149 = tpu.matmul %convert_element_type3A_147, %broadcast_in_dim3A_53, %dot_general3A_148 {dimension_numbers = #tpu.dot_dimension_numbers<[1], [0], [0], [1], [0, 0, 1, 1], [], []>, transpose_lhs_hint = false} : vector<197x197xf32>, vector<197x1xf32>, vector<197x1xf32> -> vector<197x1xf32>
    %slice3A_150 = vector.extract_strided_slice %mul3A_51 {offsets = [7, 0], sizes = [1, 197], strides = [1, 1]} : vector<8x197xf32> to vector<1x197xf32>
    %broadcast_in_dim3A_151 = vector.shape_cast %slice3A_150 : vector<1x197xf32> to vector<1x197xf32>
    %broadcast_in_dim3A_152 = vector.broadcast %broadcast_in_dim3A_151 : vector<1x197xf32> to vector<197x197xf32>
    %slice3A_153 = vector.extract_strided_slice %transpose3A {offsets = [0, 7], sizes = [197, 1], strides = [1, 1]} : vector<197x8xf32> to vector<197x1xf32>
    %broadcast_in_dim3A_154 = vector.shape_cast %slice3A_153 : vector<197x1xf32> to vector<197x1xf32>
    %broadcast_in_dim3A_155 = vector.broadcast %broadcast_in_dim3A_154 : vector<197x1xf32> to vector<197x197xf32>
    %gt3A_156 = arith.cmpf ogt, %broadcast_in_dim3A_152, %broadcast_in_dim3A_155 : vector<197x197xf32>
    %eq3A_157 = arith.cmpf oeq, %broadcast_in_dim3A_152, %broadcast_in_dim3A_155 : vector<197x197xf32>
    %and3A_158 = arith.andi %eq3A_157, %lt3A : vector<197x197xi1>
    %or3A_159 = arith.ori %gt3A_156, %and3A_158 : vector<197x197xi1>
    %convert_element_type3A_160 = arith.extui %or3A_159 : vector<197x197xi1> to vector<197x197xi32>
    %convert_element_type3A_161 = arith.sitofp %convert_element_type3A_160 : vector<197x197xi32> to vector<197x197xf32>
    %dot_general3A_162 = arith.constant dense<0.000000e+00> : vector<197x1xf32>
    %dot_general3A_163 = tpu.matmul %convert_element_type3A_161, %broadcast_in_dim3A_53, %dot_general3A_162 {dimension_numbers = #tpu.dot_dimension_numbers<[1], [0], [0], [1], [0, 0, 1, 1], [], []>, transpose_lhs_hint = false} : vector<197x197xf32>, vector<197x1xf32>, vector<197x1xf32> -> vector<197x1xf32>
    %concatenate3A = tpu.concatenate %dot_general3A_65, %dot_general3A_79, %dot_general3A_93, %dot_general3A_107, %dot_general3A_121, %dot_general3A_135, %dot_general3A_149, %dot_general3A_163 in 1 : vector<197x1xf32>, vector<197x1xf32>, vector<197x1xf32>, vector<197x1xf32>, vector<197x1xf32>, vector<197x1xf32>, vector<197x1xf32>, vector<197x1xf32> -> vector<197x8xf32>
    %transpose3A_164 = tpu.transpose %concatenate3A, [1, 0] : vector<197x8xf32> -> vector<8x197xf32>
    %lt3A_165 = arith.constant 4.900000e+01 : f32
    %lt3A_166 = vector.broadcast %lt3A_165 : f32 to vector<8x197xf32>
    %lt3A_167 = arith.cmpf olt, %transpose3A_164, %lt3A_166 : vector<8x197xf32>
    %jit3A = arith.constant 1.000000e+03 : f32
    %broadcast_in_dim3A_168 = vector.broadcast %jit3A : f32 to vector<8x197xf32>
    %select_n3A = arith.select %lt3A_167, %transpose3A_164, %broadcast_in_dim3A_168 : vector<8x197xi1>, vector<8x197xf32>
    %convert_element_type3A_169 = arith.fptosi %select_n3A : vector<8x197xf32> to vector<8x197xi32>
    %convert_element_type3A_170 = arith.extui %lt3A_167 : vector<8x197xi1> to vector<8x197xi32>
    %convert_element_type3A_171 = arith.sitofp %convert_element_type3A_170 : vector<8x197xi32> to vector<8x197xf32>
    %mul3A_172 = arith.mulf %mul3A_51, %convert_element_type3A_171 : vector<8x197xf32>
    %iota3A_173 = tpu.iota {dimensions = array<i32: 1>} : vector<8x56x197xi32>
    %broadcast_in_dim3A_174 = vector.shape_cast %convert_element_type3A_169 : vector<8x197xi32> to vector<8x1x197xi32>
    %eq3A_175 = vector.broadcast %broadcast_in_dim3A_174 : vector<8x1x197xi32> to vector<8x56x197xi32>
    %eq3A_176 = arith.cmpi eq, %eq3A_175, %iota3A_173 : vector<8x56x197xi32>
    %convert_element_type3A_177 = arith.extui %eq3A_176 : vector<8x56x197xi1> to vector<8x56x197xi32>
    %convert_element_type3A_178 = arith.sitofp %convert_element_type3A_177 : vector<8x56x197xi32> to vector<8x56x197xf32>
    %iota3A_179 = tpu.iota {dimensions = array<i32: 1>} : vector<1x197xi32>
    %convert_element_type3A_180 = arith.sitofp %iota3A_179 : vector<1x197xi32> to vector<1x197xf32>
    %reshape3A = vector.shape_cast %convert_element_type3A_178 : vector<8x56x197xf32> to vector<448x197xf32>
    %dot_general3A_181 = arith.constant dense<0.000000e+00> : vector<1x448xf32>
    %dot_general3A_182 = tpu.matmul %convert_element_type3A_180, %reshape3A, %dot_general3A_181 {dimension_numbers = #tpu.dot_dimension_numbers<[1], [1], [0], [0], [0, 0, 1, 0], [], []>, transpose_lhs_hint = false} : vector<1x197xf32>, vector<448x197xf32>, vector<1x448xf32> -> vector<1x448xf32>
    %reshape3A_183 = vector.shape_cast %convert_element_type3A_169 : vector<8x197xi32> to vector<8x1x197xi32>
    %swap3A = arith.constant 0 : index
    %swap3A_184 = arith.constant 0 : index
    %swap3A_185 = arith.constant 0 : index
    %swap3A_186 = vector.load %arg6[%swap3A, %swap3A_184, %swap3A_185] : memref<32x1x197xi32, #tpu.memory_space<vmem>>, vector<8x1x197xi32>
    tpu.vector_store %arg6[%swap3A, %swap3A_184, %swap3A_185], %reshape3A_183 {strides = array<i32>} : memref<32x1x197xi32, #tpu.memory_space<vmem>>, vector<8x1x197xi32>,
    %reshape3A_187 = vector.shape_cast %mul3A_172 : vector<8x197xf32> to vector<8x1x197xf32>
    %swap3A_188 = arith.constant 0 : index
    %swap3A_189 = arith.constant 0 : index
    %swap3A_190 = arith.constant 0 : index
    %swap3A_191 = vector.load %arg7[%swap3A_188, %swap3A_189, %swap3A_190] : memref<32x1x197xf32, #tpu.memory_space<vmem>>, vector<8x1x197xf32>
    tpu.vector_store %arg7[%swap3A_188, %swap3A_189, %swap3A_190], %reshape3A_187 {strides = array<i32>} : memref<32x1x197xf32, #tpu.memory_space<vmem>>, vector<8x1x197xf32>,
    %convert_element_type3A_192 = arith.fptosi %dot_general3A_182 : vector<1x448xf32> to vector<1x448xi32>
    %mul3A_193 = arith.constant 32 : i32
    %mul3A_194 = vector.broadcast %mul3A_193 : i32 to vector<1x448xi32>
    %mul3A_195 = arith.muli %convert_element_type3A_192, %mul3A_194 : vector<1x448xi32>
    %add3A_196 = vector.broadcast %add3A_13 : i32 to vector<1x448xi32>
    %add3A_197 = arith.addi %mul3A_195, %add3A_196 : vector<1x448xi32>
    %swap3A_198 = arith.constant 0 : index
    %swap3A_199 = arith.constant 0 : index
    %swap3A_200 = arith.constant 0 : index
    %swap3A_201 = vector.load %arg8[%swap3A_198, %swap3A_199, %swap3A_200] : memref<4x1x448xi32, #tpu.memory_space<vmem>>, vector<1x1x448xi32>
    %swap3A_202 = vector.shape_cast %swap3A_201 : vector<1x1x448xi32> to vector<1x448xi32>
    %swap3A_203 = vector.shape_cast %add3A_197 : vector<1x448xi32> to vector<1x1x448xi32>
    tpu.vector_store %arg8[%swap3A_198, %swap3A_199, %swap3A_200], %swap3A_203 {strides = array<i32>} : memref<4x1x448xi32, #tpu.memory_space<vmem>>, vector<1x1x448xi32>,
    %mul3A_204 = arith.constant 4 : i32
    %mul3A_205 = arith.muli %arg0, %mul3A_204 : i32
    %add3A_206 = arith.constant 1 : i32
    %add3A_207 = arith.addi %mul3A_205, %add3A_206 : i32
    %get3A_208 = arith.constant 0 : index
    %get3A_209 = arith.constant 384 : index
    %get3A_210 = vector.load %arg1[%get3A_208, %get3A_209] : memref<197x1536xf32, #tpu.memory_space<vmem>>, vector<197x384xf32>
    %dot_general3A_211 = arith.constant dense<0.000000e+00> : vector<96x197xf32>
    %dot_general3A_212 = tpu.matmul %get3A_2, %get3A_210, %dot_general3A_211 {dimension_numbers = #tpu.dot_dimension_numbers<[1], [1], [0], [0], [0, 0, 1, 0], [], []>, transpose_lhs_hint = false} : vector<96x384xf32>, vector<197x384xf32>, vector<96x197xf32> -> vector<96x197xf32>
    %add3A_213 = vector.broadcast %get3A_5 : vector<96x1xf32> to vector<96x197xf32>
    %add3A_214 = arith.addf %dot_general3A_212, %add3A_213 : vector<96x197xf32>
    %max3A_215 = arith.constant 0.000000e+00 : f32
    %max3A_216 = vector.broadcast %max3A_215 : f32 to vector<96x197xf32>
    %max3A_217 = arith.maximumf %add3A_214, %max3A_216 : vector<96x197xf32>
    %dot_general3A_218 = arith.constant dense<0.000000e+00> : vector<8x197xf32>
    %dot_general3A_219 = tpu.matmul %get3A_8, %max3A_217, %dot_general3A_218 {dimension_numbers = #tpu.dot_dimension_numbers<[1], [0], [0], [1], [0, 0, 1, 1], [], []>, transpose_lhs_hint = false} : vector<8x96xf32>, vector<96x197xf32>, vector<8x197xf32> -> vector<8x197xf32>
    %add3A_220 = vector.broadcast %get3A_11 : vector<8x1xf32> to vector<8x197xf32>
    %add3A_221 = arith.addf %dot_general3A_219, %add3A_220 : vector<8x197xf32>
    %reduce_max3A_222 = arith.constant dense<0xFF800000> : vector<197xf32>
    %reduce_max3A_223 = vector.multi_reduction <maximumf>, %add3A_221, %reduce_max3A_222 [0] : vector<8x197xf32> to vector<197xf32>
    %broadcast_in_dim3A_224 = vector.shape_cast %reduce_max3A_223 : vector<197xf32> to vector<1x197xf32>
    %sub3A_225 = vector.broadcast %broadcast_in_dim3A_224 : vector<1x197xf32> to vector<8x197xf32>
    %sub3A_226 = arith.subf %add3A_221, %sub3A_225 : vector<8x197xf32>
    %exp3A_227 = math.exp %sub3A_226 : vector<8x197xf32>
    %reduce_sum3A_228 = arith.constant dense<0.000000e+00> : vector<197xf32>
    %reduce_sum3A_229 = vector.multi_reduction <add>, %exp3A_227, %reduce_sum3A_228 [0] : vector<8x197xf32> to vector<197xf32>
    %broadcast_in_dim3A_230 = vector.shape_cast %reduce_sum3A_229 : vector<197xf32> to vector<1x197xf32>
    %div3A_231 = vector.broadcast %broadcast_in_dim3A_230 : vector<1x197xf32> to vector<8x197xf32>
    %div3A_232 = arith.divf %exp3A_227, %div3A_231 : vector<8x197xf32>
    %broadcast_in_dim3A_233 = vector.shape_cast %div3A_232 : vector<8x197xf32> to vector<8x1x197xf32>
    %broadcast_in_dim3A_234 = vector.shape_cast %div3A_232 : vector<8x197xf32> to vector<1x8x197xf32>
    %iota3A_235 = tpu.iota {dimensions = array<i32: 1>} : vector<8x8x197xi32>
    %iota3A_236 = tpu.iota {dimensions = array<i32: 0>} : vector<8x8x197xi32>
    %lt3A_237 = arith.cmpi slt, %iota3A_235, %iota3A_236 : vector<8x8x197xi32>
    %gt3A_238 = vector.broadcast %broadcast_in_dim3A_234 : vector<1x8x197xf32> to vector<8x8x197xf32>
    %gt3A_239 = vector.broadcast %broadcast_in_dim3A_233 : vector<8x1x197xf32> to vector<8x8x197xf32>
    %gt3A_240 = arith.cmpf ogt, %gt3A_238, %gt3A_239 : vector<8x8x197xf32>
    %convert_element_type3A_241 = arith.extui %gt3A_240 : vector<8x8x197xi1> to vector<8x8x197xi32>
    %reduce_sum3A_242 = arith.constant dense<0> : vector<8x197xi32>
    %reduce_sum3A_243 = vector.multi_reduction <add>, %convert_element_type3A_241, %reduce_sum3A_242 [1] : vector<8x8x197xi32> to vector<8x197xi32>
    %eq3A_244 = vector.broadcast %broadcast_in_dim3A_234 : vector<1x8x197xf32> to vector<8x8x197xf32>
    %eq3A_245 = vector.broadcast %broadcast_in_dim3A_233 : vector<8x1x197xf32> to vector<8x8x197xf32>
    %eq3A_246 = arith.cmpf oeq, %eq3A_244, %eq3A_245 : vector<8x8x197xf32>
    %and3A_247 = arith.andi %eq3A_246, %lt3A_237 : vector<8x8x197xi1>
    %convert_element_type3A_248 = arith.extui %and3A_247 : vector<8x8x197xi1> to vector<8x8x197xi32>
    %reduce_sum3A_249 = arith.constant dense<0> : vector<8x197xi32>
    %reduce_sum3A_250 = vector.multi_reduction <add>, %convert_element_type3A_248, %reduce_sum3A_249 [1] : vector<8x8x197xi32> to vector<8x197xi32>
    %add3A_251 = arith.addi %reduce_sum3A_243, %reduce_sum3A_250 : vector<8x197xi32>
    %lt3A_252 = arith.constant 2 : i32
    %lt3A_253 = vector.broadcast %lt3A_252 : i32 to vector<8x197xi32>
    %lt3A_254 = arith.cmpi slt, %add3A_251, %lt3A_253 : vector<8x197xi32>
    %convert_element_type3A_255 = arith.extui %lt3A_254 : vector<8x197xi1> to vector<8x197xi32>
    %convert_element_type3A_256 = arith.sitofp %convert_element_type3A_255 : vector<8x197xi32> to vector<8x197xf32>
    %mul3A_257 = arith.mulf %div3A_232, %convert_element_type3A_256 : vector<8x197xf32>
    %transpose3A_258 = tpu.transpose %mul3A_257, [1, 0] : vector<8x197xf32> -> vector<197x8xf32>
    %broadcast_in_dim3A_259 = arith.constant 1.000000e+00 : f32
    %broadcast_in_dim3A_260 = vector.broadcast %broadcast_in_dim3A_259 : f32 to vector<197x1xf32>
    %slice3A_261 = vector.extract_strided_slice %mul3A_257 {offsets = [0, 0], sizes = [1, 197], strides = [1, 1]} : vector<8x197xf32> to vector<1x197xf32>
    %broadcast_in_dim3A_262 = vector.shape_cast %slice3A_261 : vector<1x197xf32> to vector<1x197xf32>
    %broadcast_in_dim3A_263 = vector.broadcast %broadcast_in_dim3A_262 : vector<1x197xf32> to vector<197x197xf32>
    %slice3A_264 = vector.extract_strided_slice %transpose3A_258 {offsets = [0, 0], sizes = [197, 1], strides = [1, 1]} : vector<197x8xf32> to vector<197x1xf32>
    %broadcast_in_dim3A_265 = vector.shape_cast %slice3A_264 : vector<197x1xf32> to vector<197x1xf32>
    %broadcast_in_dim3A_266 = vector.broadcast %broadcast_in_dim3A_265 : vector<197x1xf32> to vector<197x197xf32>
    %gt3A_267 = arith.cmpf ogt, %broadcast_in_dim3A_263, %broadcast_in_dim3A_266 : vector<197x197xf32>
    %eq3A_268 = arith.cmpf oeq, %broadcast_in_dim3A_263, %broadcast_in_dim3A_266 : vector<197x197xf32>
    %and3A_269 = arith.andi %eq3A_268, %lt3A : vector<197x197xi1>
    %or3A_270 = arith.ori %gt3A_267, %and3A_269 : vector<197x197xi1>
    %convert_element_type3A_271 = arith.extui %or3A_270 : vector<197x197xi1> to vector<197x197xi32>
    %convert_element_type3A_272 = arith.sitofp %convert_element_type3A_271 : vector<197x197xi32> to vector<197x197xf32>
    %dot_general3A_273 = arith.constant dense<0.000000e+00> : vector<197x1xf32>
    %dot_general3A_274 = tpu.matmul %convert_element_type3A_272, %broadcast_in_dim3A_260, %dot_general3A_273 {dimension_numbers = #tpu.dot_dimension_numbers<[1], [0], [0], [1], [0, 0, 1, 1], [], []>, transpose_lhs_hint = false} : vector<197x197xf32>, vector<197x1xf32>, vector<197x1xf32> -> vector<197x1xf32>
    %slice3A_275 = vector.extract_strided_slice %mul3A_257 {offsets = [1, 0], sizes = [1, 197], strides = [1, 1]} : vector<8x197xf32> to vector<1x197xf32>
    %broadcast_in_dim3A_276 = vector.shape_cast %slice3A_275 : vector<1x197xf32> to vector<1x197xf32>
    %broadcast_in_dim3A_277 = vector.broadcast %broadcast_in_dim3A_276 : vector<1x197xf32> to vector<197x197xf32>
    %slice3A_278 = vector.extract_strided_slice %transpose3A_258 {offsets = [0, 1], sizes = [197, 1], strides = [1, 1]} : vector<197x8xf32> to vector<197x1xf32>
    %broadcast_in_dim3A_279 = vector.shape_cast %slice3A_278 : vector<197x1xf32> to vector<197x1xf32>
    %broadcast_in_dim3A_280 = vector.broadcast %broadcast_in_dim3A_279 : vector<197x1xf32> to vector<197x197xf32>
    %gt3A_281 = arith.cmpf ogt, %broadcast_in_dim3A_277, %broadcast_in_dim3A_280 : vector<197x197xf32>
    %eq3A_282 = arith.cmpf oeq, %broadcast_in_dim3A_277, %broadcast_in_dim3A_280 : vector<197x197xf32>
    %and3A_283 = arith.andi %eq3A_282, %lt3A : vector<197x197xi1>
    %or3A_284 = arith.ori %gt3A_281, %and3A_283 : vector<197x197xi1>
    %convert_element_type3A_285 = arith.extui %or3A_284 : vector<197x197xi1> to vector<197x197xi32>
    %convert_element_type3A_286 = arith.sitofp %convert_element_type3A_285 : vector<197x197xi32> to vector<197x197xf32>
    %dot_general3A_287 = arith.constant dense<0.000000e+00> : vector<197x1xf32>
    %dot_general3A_288 = tpu.matmul %convert_element_type3A_286, %broadcast_in_dim3A_260, %dot_general3A_287 {dimension_numbers = #tpu.dot_dimension_numbers<[1], [0], [0], [1], [0, 0, 1, 1], [], []>, transpose_lhs_hint = false} : vector<197x197xf32>, vector<197x1xf32>, vector<197x1xf32> -> vector<197x1xf32>
    %slice3A_289 = vector.extract_strided_slice %mul3A_257 {offsets = [2, 0], sizes = [1, 197], strides = [1, 1]} : vector<8x197xf32> to vector<1x197xf32>
    %broadcast_in_dim3A_290 = vector.shape_cast %slice3A_289 : vector<1x197xf32> to vector<1x197xf32>
    %broadcast_in_dim3A_291 = vector.broadcast %broadcast_in_dim3A_290 : vector<1x197xf32> to vector<197x197xf32>
    %slice3A_292 = vector.extract_strided_slice %transpose3A_258 {offsets = [0, 2], sizes = [197, 1], strides = [1, 1]} : vector<197x8xf32> to vector<197x1xf32>
    %broadcast_in_dim3A_293 = vector.shape_cast %slice3A_292 : vector<197x1xf32> to vector<197x1xf32>
    %broadcast_in_dim3A_294 = vector.broadcast %broadcast_in_dim3A_293 : vector<197x1xf32> to vector<197x197xf32>
    %gt3A_295 = arith.cmpf ogt, %broadcast_in_dim3A_291, %broadcast_in_dim3A_294 : vector<197x197xf32>
    %eq3A_296 = arith.cmpf oeq, %broadcast_in_dim3A_291, %broadcast_in_dim3A_294 : vector<197x197xf32>
    %and3A_297 = arith.andi %eq3A_296, %lt3A : vector<197x197xi1>
    %or3A_298 = arith.ori %gt3A_295, %and3A_297 : vector<197x197xi1>
    %convert_element_type3A_299 = arith.extui %or3A_298 : vector<197x197xi1> to vector<197x197xi32>
    %convert_element_type3A_300 = arith.sitofp %convert_element_type3A_299 : vector<197x197xi32> to vector<197x197xf32>
    %dot_general3A_301 = arith.constant dense<0.000000e+00> : vector<197x1xf32>
    %dot_general3A_302 = tpu.matmul %convert_element_type3A_300, %broadcast_in_dim3A_260, %dot_general3A_301 {dimension_numbers = #tpu.dot_dimension_numbers<[1], [0], [0], [1], [0, 0, 1, 1], [], []>, transpose_lhs_hint = false} : vector<197x197xf32>, vector<197x1xf32>, vector<197x1xf32> -> vector<197x1xf32>
    %slice3A_303 = vector.extract_strided_slice %mul3A_257 {offsets = [3, 0], sizes = [1, 197], strides = [1, 1]} : vector<8x197xf32> to vector<1x197xf32>
    %broadcast_in_dim3A_304 = vector.shape_cast %slice3A_303 : vector<1x197xf32> to vector<1x197xf32>
    %broadcast_in_dim3A_305 = vector.broadcast %broadcast_in_dim3A_304 : vector<1x197xf32> to vector<197x197xf32>
    %slice3A_306 = vector.extract_strided_slice %transpose3A_258 {offsets = [0, 3], sizes = [197, 1], strides = [1, 1]} : vector<197x8xf32> to vector<197x1xf32>
    %broadcast_in_dim3A_307 = vector.shape_cast %slice3A_306 : vector<197x1xf32> to vector<197x1xf32>
    %broadcast_in_dim3A_308 = vector.broadcast %broadcast_in_dim3A_307 : vector<197x1xf32> to vector<197x197xf32>
    %gt3A_309 = arith.cmpf ogt, %broadcast_in_dim3A_305, %broadcast_in_dim3A_308 : vector<197x197xf32>
    %eq3A_310 = arith.cmpf oeq, %broadcast_in_dim3A_305, %broadcast_in_dim3A_308 : vector<197x197xf32>
    %and3A_311 = arith.andi %eq3A_310, %lt3A : vector<197x197xi1>
    %or3A_312 = arith.ori %gt3A_309, %and3A_311 : vector<197x197xi1>
    %convert_element_type3A_313 = arith.extui %or3A_312 : vector<197x197xi1> to vector<197x197xi32>
    %convert_element_type3A_314 = arith.sitofp %convert_element_type3A_313 : vector<197x197xi32> to vector<197x197xf32>
    %dot_general3A_315 = arith.constant dense<0.000000e+00> : vector<197x1xf32>
    %dot_general3A_316 = tpu.matmul %convert_element_type3A_314, %broadcast_in_dim3A_260, %dot_general3A_315 {dimension_numbers = #tpu.dot_dimension_numbers<[1], [0], [0], [1], [0, 0, 1, 1], [], []>, transpose_lhs_hint = false} : vector<197x197xf32>, vector<197x1xf32>, vector<197x1xf32> -> vector<197x1xf32>
    %slice3A_317 = vector.extract_strided_slice %mul3A_257 {offsets = [4, 0], sizes = [1, 197], strides = [1, 1]} : vector<8x197xf32> to vector<1x197xf32>
    %broadcast_in_dim3A_318 = vector.shape_cast %slice3A_317 : vector<1x197xf32> to vector<1x197xf32>
    %broadcast_in_dim3A_319 = vector.broadcast %broadcast_in_dim3A_318 : vector<1x197xf32> to vector<197x197xf32>
    %slice3A_320 = vector.extract_strided_slice %transpose3A_258 {offsets = [0, 4], sizes = [197, 1], strides = [1, 1]} : vector<197x8xf32> to vector<197x1xf32>
    %broadcast_in_dim3A_321 = vector.shape_cast %slice3A_320 : vector<197x1xf32> to vector<197x1xf32>
    %broadcast_in_dim3A_322 = vector.broadcast %broadcast_in_dim3A_321 : vector<197x1xf32> to vector<197x197xf32>
    %gt3A_323 = arith.cmpf ogt, %broadcast_in_dim3A_319, %broadcast_in_dim3A_322 : vector<197x197xf32>
    %eq3A_324 = arith.cmpf oeq, %broadcast_in_dim3A_319, %broadcast_in_dim3A_322 : vector<197x197xf32>
    %and3A_325 = arith.andi %eq3A_324, %lt3A : vector<197x197xi1>
    %or3A_326 = arith.ori %gt3A_323, %and3A_325 : vector<197x197xi1>
    %convert_element_type3A_327 = arith.extui %or3A_326 : vector<197x197xi1> to vector<197x197xi32>
    %convert_element_type3A_328 = arith.sitofp %convert_element_type3A_327 : vector<197x197xi32> to vector<197x197xf32>
    %dot_general3A_329 = arith.constant dense<0.000000e+00> : vector<197x1xf32>
    %dot_general3A_330 = tpu.matmul %convert_element_type3A_328, %broadcast_in_dim3A_260, %dot_general3A_329 {dimension_numbers = #tpu.dot_dimension_numbers<[1], [0], [0], [1], [0, 0, 1, 1], [], []>, transpose_lhs_hint = false} : vector<197x197xf32>, vector<197x1xf32>, vector<197x1xf32> -> vector<197x1xf32>
    %slice3A_331 = vector.extract_strided_slice %mul3A_257 {offsets = [5, 0], sizes = [1, 197], strides = [1, 1]} : vector<8x197xf32> to vector<1x197xf32>
    %broadcast_in_dim3A_332 = vector.shape_cast %slice3A_331 : vector<1x197xf32> to vector<1x197xf32>
    %broadcast_in_dim3A_333 = vector.broadcast %broadcast_in_dim3A_332 : vector<1x197xf32> to vector<197x197xf32>
    %slice3A_334 = vector.extract_strided_slice %transpose3A_258 {offsets = [0, 5], sizes = [197, 1], strides = [1, 1]} : vector<197x8xf32> to vector<197x1xf32>
    %broadcast_in_dim3A_335 = vector.shape_cast %slice3A_334 : vector<197x1xf32> to vector<197x1xf32>
    %broadcast_in_dim3A_336 = vector.broadcast %broadcast_in_dim3A_335 : vector<197x1xf32> to vector<197x197xf32>
    %gt3A_337 = arith.cmpf ogt, %broadcast_in_dim3A_333, %broadcast_in_dim3A_336 : vector<197x197xf32>
    %eq3A_338 = arith.cmpf oeq, %broadcast_in_dim3A_333, %broadcast_in_dim3A_336 : vector<197x197xf32>
    %and3A_339 = arith.andi %eq3A_338, %lt3A : vector<197x197xi1>
    %or3A_340 = arith.ori %gt3A_337, %and3A_339 : vector<197x197xi1>
    %convert_element_type3A_341 = arith.extui %or3A_340 : vector<197x197xi1> to vector<197x197xi32>
    %convert_element_type3A_342 = arith.sitofp %convert_element_type3A_341 : vector<197x197xi32> to vector<197x197xf32>
    %dot_general3A_343 = arith.constant dense<0.000000e+00> : vector<197x1xf32>
    %dot_general3A_344 = tpu.matmul %convert_element_type3A_342, %broadcast_in_dim3A_260, %dot_general3A_343 {dimension_numbers = #tpu.dot_dimension_numbers<[1], [0], [0], [1], [0, 0, 1, 1], [], []>, transpose_lhs_hint = false} : vector<197x197xf32>, vector<197x1xf32>, vector<197x1xf32> -> vector<197x1xf32>
    %slice3A_345 = vector.extract_strided_slice %mul3A_257 {offsets = [6, 0], sizes = [1, 197], strides = [1, 1]} : vector<8x197xf32> to vector<1x197xf32>
    %broadcast_in_dim3A_346 = vector.shape_cast %slice3A_345 : vector<1x197xf32> to vector<1x197xf32>
    %broadcast_in_dim3A_347 = vector.broadcast %broadcast_in_dim3A_346 : vector<1x197xf32> to vector<197x197xf32>
    %slice3A_348 = vector.extract_strided_slice %transpose3A_258 {offsets = [0, 6], sizes = [197, 1], strides = [1, 1]} : vector<197x8xf32> to vector<197x1xf32>
    %broadcast_in_dim3A_349 = vector.shape_cast %slice3A_348 : vector<197x1xf32> to vector<197x1xf32>
    %broadcast_in_dim3A_350 = vector.broadcast %broadcast_in_dim3A_349 : vector<197x1xf32> to vector<197x197xf32>
    %gt3A_351 = arith.cmpf ogt, %broadcast_in_dim3A_347, %broadcast_in_dim3A_350 : vector<197x197xf32>
    %eq3A_352 = arith.cmpf oeq, %broadcast_in_dim3A_347, %broadcast_in_dim3A_350 : vector<197x197xf32>
    %and3A_353 = arith.andi %eq3A_352, %lt3A : vector<197x197xi1>
    %or3A_354 = arith.ori %gt3A_351, %and3A_353 : vector<197x197xi1>
    %convert_element_type3A_355 = arith.extui %or3A_354 : vector<197x197xi1> to vector<197x197xi32>
    %convert_element_type3A_356 = arith.sitofp %convert_element_type3A_355 : vector<197x197xi32> to vector<197x197xf32>
    %dot_general3A_357 = arith.constant dense<0.000000e+00> : vector<197x1xf32>
    %dot_general3A_358 = tpu.matmul %convert_element_type3A_356, %broadcast_in_dim3A_260, %dot_general3A_357 {dimension_numbers = #tpu.dot_dimension_numbers<[1], [0], [0], [1], [0, 0, 1, 1], [], []>, transpose_lhs_hint = false} : vector<197x197xf32>, vector<197x1xf32>, vector<197x1xf32> -> vector<197x1xf32>
    %slice3A_359 = vector.extract_strided_slice %mul3A_257 {offsets = [7, 0], sizes = [1, 197], strides = [1, 1]} : vector<8x197xf32> to vector<1x197xf32>
    %broadcast_in_dim3A_360 = vector.shape_cast %slice3A_359 : vector<1x197xf32> to vector<1x197xf32>
    %broadcast_in_dim3A_361 = vector.broadcast %broadcast_in_dim3A_360 : vector<1x197xf32> to vector<197x197xf32>
    %slice3A_362 = vector.extract_strided_slice %transpose3A_258 {offsets = [0, 7], sizes = [197, 1], strides = [1, 1]} : vector<197x8xf32> to vector<197x1xf32>
    %broadcast_in_dim3A_363 = vector.shape_cast %slice3A_362 : vector<197x1xf32> to vector<197x1xf32>
    %broadcast_in_dim3A_364 = vector.broadcast %broadcast_in_dim3A_363 : vector<197x1xf32> to vector<197x197xf32>
    %gt3A_365 = arith.cmpf ogt, %broadcast_in_dim3A_361, %broadcast_in_dim3A_364 : vector<197x197xf32>
    %eq3A_366 = arith.cmpf oeq, %broadcast_in_dim3A_361, %broadcast_in_dim3A_364 : vector<197x197xf32>
    %and3A_367 = arith.andi %eq3A_366, %lt3A : vector<197x197xi1>
    %or3A_368 = arith.ori %gt3A_365, %and3A_367 : vector<197x197xi1>
    %convert_element_type3A_369 = arith.extui %or3A_368 : vector<197x197xi1> to vector<197x197xi32>
    %convert_element_type3A_370 = arith.sitofp %convert_element_type3A_369 : vector<197x197xi32> to vector<197x197xf32>
    %dot_general3A_371 = arith.constant dense<0.000000e+00> : vector<197x1xf32>
    %dot_general3A_372 = tpu.matmul %convert_element_type3A_370, %broadcast_in_dim3A_260, %dot_general3A_371 {dimension_numbers = #tpu.dot_dimension_numbers<[1], [0], [0], [1], [0, 0, 1, 1], [], []>, transpose_lhs_hint = false} : vector<197x197xf32>, vector<197x1xf32>, vector<197x1xf32> -> vector<197x1xf32>
    %concatenate3A_373 = tpu.concatenate %dot_general3A_274, %dot_general3A_288, %dot_general3A_302, %dot_general3A_316, %dot_general3A_330, %dot_general3A_344, %dot_general3A_358, %dot_general3A_372 in 1 : vector<197x1xf32>, vector<197x1xf32>, vector<197x1xf32>, vector<197x1xf32>, vector<197x1xf32>, vector<197x1xf32>, vector<197x1xf32>, vector<197x1xf32> -> vector<197x8xf32>
    %transpose3A_374 = tpu.transpose %concatenate3A_373, [1, 0] : vector<197x8xf32> -> vector<8x197xf32>
    %lt3A_375 = arith.constant 4.900000e+01 : f32
    %lt3A_376 = vector.broadcast %lt3A_375 : f32 to vector<8x197xf32>
    %lt3A_377 = arith.cmpf olt, %transpose3A_374, %lt3A_376 : vector<8x197xf32>
    %jit3A_378 = arith.constant 1.000000e+03 : f32
    %broadcast_in_dim3A_379 = vector.broadcast %jit3A_378 : f32 to vector<8x197xf32>
    %select_n3A_380 = arith.select %lt3A_377, %transpose3A_374, %broadcast_in_dim3A_379 : vector<8x197xi1>, vector<8x197xf32>
    %convert_element_type3A_381 = arith.fptosi %select_n3A_380 : vector<8x197xf32> to vector<8x197xi32>
    %convert_element_type3A_382 = arith.extui %lt3A_377 : vector<8x197xi1> to vector<8x197xi32>
    %convert_element_type3A_383 = arith.sitofp %convert_element_type3A_382 : vector<8x197xi32> to vector<8x197xf32>
    %mul3A_384 = arith.mulf %mul3A_257, %convert_element_type3A_383 : vector<8x197xf32>
    %iota3A_385 = tpu.iota {dimensions = array<i32: 1>} : vector<8x56x197xi32>
    %broadcast_in_dim3A_386 = vector.shape_cast %convert_element_type3A_381 : vector<8x197xi32> to vector<8x1x197xi32>
    %eq3A_387 = vector.broadcast %broadcast_in_dim3A_386 : vector<8x1x197xi32> to vector<8x56x197xi32>
    %eq3A_388 = arith.cmpi eq, %eq3A_387, %iota3A_385 : vector<8x56x197xi32>
    %convert_element_type3A_389 = arith.extui %eq3A_388 : vector<8x56x197xi1> to vector<8x56x197xi32>
    %convert_element_type3A_390 = arith.sitofp %convert_element_type3A_389 : vector<8x56x197xi32> to vector<8x56x197xf32>
    %iota3A_391 = tpu.iota {dimensions = array<i32: 1>} : vector<1x197xi32>
    %convert_element_type3A_392 = arith.sitofp %iota3A_391 : vector<1x197xi32> to vector<1x197xf32>
    %reshape3A_393 = vector.shape_cast %convert_element_type3A_390 : vector<8x56x197xf32> to vector<448x197xf32>
    %dot_general3A_394 = arith.constant dense<0.000000e+00> : vector<1x448xf32>
    %dot_general3A_395 = tpu.matmul %convert_element_type3A_392, %reshape3A_393, %dot_general3A_394 {dimension_numbers = #tpu.dot_dimension_numbers<[1], [1], [0], [0], [0, 0, 1, 0], [], []>, transpose_lhs_hint = false} : vector<1x197xf32>, vector<448x197xf32>, vector<1x448xf32> -> vector<1x448xf32>
    %reshape3A_396 = vector.shape_cast %convert_element_type3A_381 : vector<8x197xi32> to vector<8x1x197xi32>
    %swap3A_397 = arith.constant 8 : index
    %swap3A_398 = arith.constant 0 : index
    %swap3A_399 = arith.constant 0 : index
    %swap3A_400 = vector.load %arg6[%swap3A_397, %swap3A_398, %swap3A_399] : memref<32x1x197xi32, #tpu.memory_space<vmem>>, vector<8x1x197xi32>
    tpu.vector_store %arg6[%swap3A_397, %swap3A_398, %swap3A_399], %reshape3A_396 {strides = array<i32>} : memref<32x1x197xi32, #tpu.memory_space<vmem>>, vector<8x1x197xi32>,
    %reshape3A_401 = vector.shape_cast %mul3A_384 : vector<8x197xf32> to vector<8x1x197xf32>
    %swap3A_402 = arith.constant 8 : index
    %swap3A_403 = arith.constant 0 : index
    %swap3A_404 = arith.constant 0 : index
    %swap3A_405 = vector.load %arg7[%swap3A_402, %swap3A_403, %swap3A_404] : memref<32x1x197xf32, #tpu.memory_space<vmem>>, vector<8x1x197xf32>
    tpu.vector_store %arg7[%swap3A_402, %swap3A_403, %swap3A_404], %reshape3A_401 {strides = array<i32>} : memref<32x1x197xf32, #tpu.memory_space<vmem>>, vector<8x1x197xf32>,
    %convert_element_type3A_406 = arith.fptosi %dot_general3A_395 : vector<1x448xf32> to vector<1x448xi32>
    %mul3A_407 = arith.constant 32 : i32
    %mul3A_408 = vector.broadcast %mul3A_407 : i32 to vector<1x448xi32>
    %mul3A_409 = arith.muli %convert_element_type3A_406, %mul3A_408 : vector<1x448xi32>
    %add3A_410 = vector.broadcast %add3A_207 : i32 to vector<1x448xi32>
    %add3A_411 = arith.addi %mul3A_409, %add3A_410 : vector<1x448xi32>
    %swap3A_412 = arith.constant 1 : index
    %swap3A_413 = arith.constant 0 : index
    %swap3A_414 = arith.constant 0 : index
    %swap3A_415 = vector.load %arg8[%swap3A_412, %swap3A_413, %swap3A_414] : memref<4x1x448xi32, #tpu.memory_space<vmem>>, vector<1x1x448xi32>
    %swap3A_416 = vector.shape_cast %swap3A_415 : vector<1x1x448xi32> to vector<1x448xi32>
    %swap3A_417 = vector.shape_cast %add3A_411 : vector<1x448xi32> to vector<1x1x448xi32>
    tpu.vector_store %arg8[%swap3A_412, %swap3A_413, %swap3A_414], %swap3A_417 {strides = array<i32>} : memref<4x1x448xi32, #tpu.memory_space<vmem>>, vector<1x1x448xi32>,
    %mul3A_418 = arith.constant 4 : i32
    %mul3A_419 = arith.muli %arg0, %mul3A_418 : i32
    %add3A_420 = arith.constant 2 : i32
    %add3A_421 = arith.addi %mul3A_419, %add3A_420 : i32
    %get3A_422 = arith.constant 0 : index
    %get3A_423 = arith.constant 768 : index
    %get3A_424 = vector.load %arg1[%get3A_422, %get3A_423] : memref<197x1536xf32, #tpu.memory_space<vmem>>, vector<197x384xf32>
    %dot_general3A_425 = arith.constant dense<0.000000e+00> : vector<96x197xf32>
    %dot_general3A_426 = tpu.matmul %get3A_2, %get3A_424, %dot_general3A_425 {dimension_numbers = #tpu.dot_dimension_numbers<[1], [1], [0], [0], [0, 0, 1, 0], [], []>, transpose_lhs_hint = false} : vector<96x384xf32>, vector<197x384xf32>, vector<96x197xf32> -> vector<96x197xf32>
    %add3A_427 = vector.broadcast %get3A_5 : vector<96x1xf32> to vector<96x197xf32>
    %add3A_428 = arith.addf %dot_general3A_426, %add3A_427 : vector<96x197xf32>
    %max3A_429 = arith.constant 0.000000e+00 : f32
    %max3A_430 = vector.broadcast %max3A_429 : f32 to vector<96x197xf32>
    %max3A_431 = arith.maximumf %add3A_428, %max3A_430 : vector<96x197xf32>
    %dot_general3A_432 = arith.constant dense<0.000000e+00> : vector<8x197xf32>
    %dot_general3A_433 = tpu.matmul %get3A_8, %max3A_431, %dot_general3A_432 {dimension_numbers = #tpu.dot_dimension_numbers<[1], [0], [0], [1], [0, 0, 1, 1], [], []>, transpose_lhs_hint = false} : vector<8x96xf32>, vector<96x197xf32>, vector<8x197xf32> -> vector<8x197xf32>
    %add3A_434 = vector.broadcast %get3A_11 : vector<8x1xf32> to vector<8x197xf32>
    %add3A_435 = arith.addf %dot_general3A_433, %add3A_434 : vector<8x197xf32>
    %reduce_max3A_436 = arith.constant dense<0xFF800000> : vector<197xf32>
    %reduce_max3A_437 = vector.multi_reduction <maximumf>, %add3A_435, %reduce_max3A_436 [0] : vector<8x197xf32> to vector<197xf32>
    %broadcast_in_dim3A_438 = vector.shape_cast %reduce_max3A_437 : vector<197xf32> to vector<1x197xf32>
    %sub3A_439 = vector.broadcast %broadcast_in_dim3A_438 : vector<1x197xf32> to vector<8x197xf32>
    %sub3A_440 = arith.subf %add3A_435, %sub3A_439 : vector<8x197xf32>
    %exp3A_441 = math.exp %sub3A_440 : vector<8x197xf32>
    %reduce_sum3A_442 = arith.constant dense<0.000000e+00> : vector<197xf32>
    %reduce_sum3A_443 = vector.multi_reduction <add>, %exp3A_441, %reduce_sum3A_442 [0] : vector<8x197xf32> to vector<197xf32>
    %broadcast_in_dim3A_444 = vector.shape_cast %reduce_sum3A_443 : vector<197xf32> to vector<1x197xf32>
    %div3A_445 = vector.broadcast %broadcast_in_dim3A_444 : vector<1x197xf32> to vector<8x197xf32>
    %div3A_446 = arith.divf %exp3A_441, %div3A_445 : vector<8x197xf32>
    %broadcast_in_dim3A_447 = vector.shape_cast %div3A_446 : vector<8x197xf32> to vector<8x1x197xf32>
    %broadcast_in_dim3A_448 = vector.shape_cast %div3A_446 : vector<8x197xf32> to vector<1x8x197xf32>
    %iota3A_449 = tpu.iota {dimensions = array<i32: 1>} : vector<8x8x197xi32>
    %iota3A_450 = tpu.iota {dimensions = array<i32: 0>} : vector<8x8x197xi32>
    %lt3A_451 = arith.cmpi slt, %iota3A_449, %iota3A_450 : vector<8x8x197xi32>
    %gt3A_452 = vector.broadcast %broadcast_in_dim3A_448 : vector<1x8x197xf32> to vector<8x8x197xf32>
    %gt3A_453 = vector.broadcast %broadcast_in_dim3A_447 : vector<8x1x197xf32> to vector<8x8x197xf32>
    %gt3A_454 = arith.cmpf ogt, %gt3A_452, %gt3A_453 : vector<8x8x197xf32>
    %convert_element_type3A_455 = arith.extui %gt3A_454 : vector<8x8x197xi1> to vector<8x8x197xi32>
    %reduce_sum3A_456 = arith.constant dense<0> : vector<8x197xi32>
    %reduce_sum3A_457 = vector.multi_reduction <add>, %convert_element_type3A_455, %reduce_sum3A_456 [1] : vector<8x8x197xi32> to vector<8x197xi32>
    %eq3A_458 = vector.broadcast %broadcast_in_dim3A_448 : vector<1x8x197xf32> to vector<8x8x197xf32>
    %eq3A_459 = vector.broadcast %broadcast_in_dim3A_447 : vector<8x1x197xf32> to vector<8x8x197xf32>
    %eq3A_460 = arith.cmpf oeq, %eq3A_458, %eq3A_459 : vector<8x8x197xf32>
    %and3A_461 = arith.andi %eq3A_460, %lt3A_451 : vector<8x8x197xi1>
    %convert_element_type3A_462 = arith.extui %and3A_461 : vector<8x8x197xi1> to vector<8x8x197xi32>
    %reduce_sum3A_463 = arith.constant dense<0> : vector<8x197xi32>
    %reduce_sum3A_464 = vector.multi_reduction <add>, %convert_element_type3A_462, %reduce_sum3A_463 [1] : vector<8x8x197xi32> to vector<8x197xi32>
    %add3A_465 = arith.addi %reduce_sum3A_457, %reduce_sum3A_464 : vector<8x197xi32>
    %lt3A_466 = arith.constant 2 : i32
    %lt3A_467 = vector.broadcast %lt3A_466 : i32 to vector<8x197xi32>
    %lt3A_468 = arith.cmpi slt, %add3A_465, %lt3A_467 : vector<8x197xi32>
    %convert_element_type3A_469 = arith.extui %lt3A_468 : vector<8x197xi1> to vector<8x197xi32>
    %convert_element_type3A_470 = arith.sitofp %convert_element_type3A_469 : vector<8x197xi32> to vector<8x197xf32>
    %mul3A_471 = arith.mulf %div3A_446, %convert_element_type3A_470 : vector<8x197xf32>
    %transpose3A_472 = tpu.transpose %mul3A_471, [1, 0] : vector<8x197xf32> -> vector<197x8xf32>
    %broadcast_in_dim3A_473 = arith.constant 1.000000e+00 : f32
    %broadcast_in_dim3A_474 = vector.broadcast %broadcast_in_dim3A_473 : f32 to vector<197x1xf32>
    %slice3A_475 = vector.extract_strided_slice %mul3A_471 {offsets = [0, 0], sizes = [1, 197], strides = [1, 1]} : vector<8x197xf32> to vector<1x197xf32>
    %broadcast_in_dim3A_476 = vector.shape_cast %slice3A_475 : vector<1x197xf32> to vector<1x197xf32>
    %broadcast_in_dim3A_477 = vector.broadcast %broadcast_in_dim3A_476 : vector<1x197xf32> to vector<197x197xf32>
    %slice3A_478 = vector.extract_strided_slice %transpose3A_472 {offsets = [0, 0], sizes = [197, 1], strides = [1, 1]} : vector<197x8xf32> to vector<197x1xf32>
    %broadcast_in_dim3A_479 = vector.shape_cast %slice3A_478 : vector<197x1xf32> to vector<197x1xf32>
    %broadcast_in_dim3A_480 = vector.broadcast %broadcast_in_dim3A_479 : vector<197x1xf32> to vector<197x197xf32>
    %gt3A_481 = arith.cmpf ogt, %broadcast_in_dim3A_477, %broadcast_in_dim3A_480 : vector<197x197xf32>
    %eq3A_482 = arith.cmpf oeq, %broadcast_in_dim3A_477, %broadcast_in_dim3A_480 : vector<197x197xf32>
    %and3A_483 = arith.andi %eq3A_482, %lt3A : vector<197x197xi1>
    %or3A_484 = arith.ori %gt3A_481, %and3A_483 : vector<197x197xi1>
    %convert_element_type3A_485 = arith.extui %or3A_484 : vector<197x197xi1> to vector<197x197xi32>
    %convert_element_type3A_486 = arith.sitofp %convert_element_type3A_485 : vector<197x197xi32> to vector<197x197xf32>
    %dot_general3A_487 = arith.constant dense<0.000000e+00> : vector<197x1xf32>
    %dot_general3A_488 = tpu.matmul %convert_element_type3A_486, %broadcast_in_dim3A_474, %dot_general3A_487 {dimension_numbers = #tpu.dot_dimension_numbers<[1], [0], [0], [1], [0, 0, 1, 1], [], []>, transpose_lhs_hint = false} : vector<197x197xf32>, vector<197x1xf32>, vector<197x1xf32> -> vector<197x1xf32>
    %slice3A_489 = vector.extract_strided_slice %mul3A_471 {offsets = [1, 0], sizes = [1, 197], strides = [1, 1]} : vector<8x197xf32> to vector<1x197xf32>
    %broadcast_in_dim3A_490 = vector.shape_cast %slice3A_489 : vector<1x197xf32> to vector<1x197xf32>
    %broadcast_in_dim3A_491 = vector.broadcast %broadcast_in_dim3A_490 : vector<1x197xf32> to vector<197x197xf32>
    %slice3A_492 = vector.extract_strided_slice %transpose3A_472 {offsets = [0, 1], sizes = [197, 1], strides = [1, 1]} : vector<197x8xf32> to vector<197x1xf32>
    %broadcast_in_dim3A_493 = vector.shape_cast %slice3A_492 : vector<197x1xf32> to vector<197x1xf32>
    %broadcast_in_dim3A_494 = vector.broadcast %broadcast_in_dim3A_493 : vector<197x1xf32> to vector<197x197xf32>
    %gt3A_495 = arith.cmpf ogt, %broadcast_in_dim3A_491, %broadcast_in_dim3A_494 : vector<197x197xf32>
    %eq3A_496 = arith.cmpf oeq, %broadcast_in_dim3A_491, %broadcast_in_dim3A_494 : vector<197x197xf32>
    %and3A_497 = arith.andi %eq3A_496, %lt3A : vector<197x197xi1>
    %or3A_498 = arith.ori %gt3A_495, %and3A_497 : vector<197x197xi1>
    %convert_element_type3A_499 = arith.extui %or3A_498 : vector<197x197xi1> to vector<197x197xi32>
    %convert_element_type3A_500 = arith.sitofp %convert_element_type3A_499 : vector<197x197xi32> to vector<197x197xf32>
    %dot_general3A_501 = arith.constant dense<0.000000e+00> : vector<197x1xf32>
    %dot_general3A_502 = tpu.matmul %convert_element_type3A_500, %broadcast_in_dim3A_474, %dot_general3A_501 {dimension_numbers = #tpu.dot_dimension_numbers<[1], [0], [0], [1], [0, 0, 1, 1], [], []>, transpose_lhs_hint = false} : vector<197x197xf32>, vector<197x1xf32>, vector<197x1xf32> -> vector<197x1xf32>
    %slice3A_503 = vector.extract_strided_slice %mul3A_471 {offsets = [2, 0], sizes = [1, 197], strides = [1, 1]} : vector<8x197xf32> to vector<1x197xf32>
    %broadcast_in_dim3A_504 = vector.shape_cast %slice3A_503 : vector<1x197xf32> to vector<1x197xf32>
    %broadcast_in_dim3A_505 = vector.broadcast %broadcast_in_dim3A_504 : vector<1x197xf32> to vector<197x197xf32>
    %slice3A_506 = vector.extract_strided_slice %transpose3A_472 {offsets = [0, 2], sizes = [197, 1], strides = [1, 1]} : vector<197x8xf32> to vector<197x1xf32>
    %broadcast_in_dim3A_507 = vector.shape_cast %slice3A_506 : vector<197x1xf32> to vector<197x1xf32>
    %broadcast_in_dim3A_508 = vector.broadcast %broadcast_in_dim3A_507 : vector<197x1xf32> to vector<197x197xf32>
    %gt3A_509 = arith.cmpf ogt, %broadcast_in_dim3A_505, %broadcast_in_dim3A_508 : vector<197x197xf32>
    %eq3A_510 = arith.cmpf oeq, %broadcast_in_dim3A_505, %broadcast_in_dim3A_508 : vector<197x197xf32>
    %and3A_511 = arith.andi %eq3A_510, %lt3A : vector<197x197xi1>
    %or3A_512 = arith.ori %gt3A_509, %and3A_511 : vector<197x197xi1>
    %convert_element_type3A_513 = arith.extui %or3A_512 : vector<197x197xi1> to vector<197x197xi32>
    %convert_element_type3A_514 = arith.sitofp %convert_element_type3A_513 : vector<197x197xi32> to vector<197x197xf32>
    %dot_general3A_515 = arith.constant dense<0.000000e+00> : vector<197x1xf32>
    %dot_general3A_516 = tpu.matmul %convert_element_type3A_514, %broadcast_in_dim3A_474, %dot_general3A_515 {dimension_numbers = #tpu.dot_dimension_numbers<[1], [0], [0], [1], [0, 0, 1, 1], [], []>, transpose_lhs_hint = false} : vector<197x197xf32>, vector<197x1xf32>, vector<197x1xf32> -> vector<197x1xf32>
    %slice3A_517 = vector.extract_strided_slice %mul3A_471 {offsets = [3, 0], sizes = [1, 197], strides = [1, 1]} : vector<8x197xf32> to vector<1x197xf32>
    %broadcast_in_dim3A_518 = vector.shape_cast %slice3A_517 : vector<1x197xf32> to vector<1x197xf32>
    %broadcast_in_dim3A_519 = vector.broadcast %broadcast_in_dim3A_518 : vector<1x197xf32> to vector<197x197xf32>
    %slice3A_520 = vector.extract_strided_slice %transpose3A_472 {offsets = [0, 3], sizes = [197, 1], strides = [1, 1]} : vector<197x8xf32> to vector<197x1xf32>
    %broadcast_in_dim3A_521 = vector.shape_cast %slice3A_520 : vector<197x1xf32> to vector<197x1xf32>
    %broadcast_in_dim3A_522 = vector.broadcast %broadcast_in_dim3A_521 : vector<197x1xf32> to vector<197x197xf32>
    %gt3A_523 = arith.cmpf ogt, %broadcast_in_dim3A_519, %broadcast_in_dim3A_522 : vector<197x197xf32>
    %eq3A_524 = arith.cmpf oeq, %broadcast_in_dim3A_519, %broadcast_in_dim3A_522 : vector<197x197xf32>
    %and3A_525 = arith.andi %eq3A_524, %lt3A : vector<197x197xi1>
    %or3A_526 = arith.ori %gt3A_523, %and3A_525 : vector<197x197xi1>
    %convert_element_type3A_527 = arith.extui %or3A_526 : vector<197x197xi1> to vector<197x197xi32>
    %convert_element_type3A_528 = arith.sitofp %convert_element_type3A_527 : vector<197x197xi32> to vector<197x197xf32>
    %dot_general3A_529 = arith.constant dense<0.000000e+00> : vector<197x1xf32>
    %dot_general3A_530 = tpu.matmul %convert_element_type3A_528, %broadcast_in_dim3A_474, %dot_general3A_529 {dimension_numbers = #tpu.dot_dimension_numbers<[1], [0], [0], [1], [0, 0, 1, 1], [], []>, transpose_lhs_hint = false} : vector<197x197xf32>, vector<197x1xf32>, vector<197x1xf32> -> vector<197x1xf32>
    %slice3A_531 = vector.extract_strided_slice %mul3A_471 {offsets = [4, 0], sizes = [1, 197], strides = [1, 1]} : vector<8x197xf32> to vector<1x197xf32>
    %broadcast_in_dim3A_532 = vector.shape_cast %slice3A_531 : vector<1x197xf32> to vector<1x197xf32>
    %broadcast_in_dim3A_533 = vector.broadcast %broadcast_in_dim3A_532 : vector<1x197xf32> to vector<197x197xf32>
    %slice3A_534 = vector.extract_strided_slice %transpose3A_472 {offsets = [0, 4], sizes = [197, 1], strides = [1, 1]} : vector<197x8xf32> to vector<197x1xf32>
    %broadcast_in_dim3A_535 = vector.shape_cast %slice3A_534 : vector<197x1xf32> to vector<197x1xf32>
    %broadcast_in_dim3A_536 = vector.broadcast %broadcast_in_dim3A_535 : vector<197x1xf32> to vector<197x197xf32>
    %gt3A_537 = arith.cmpf ogt, %broadcast_in_dim3A_533, %broadcast_in_dim3A_536 : vector<197x197xf32>
    %eq3A_538 = arith.cmpf oeq, %broadcast_in_dim3A_533, %broadcast_in_dim3A_536 : vector<197x197xf32>
    %and3A_539 = arith.andi %eq3A_538, %lt3A : vector<197x197xi1>
    %or3A_540 = arith.ori %gt3A_537, %and3A_539 : vector<197x197xi1>
    %convert_element_type3A_541 = arith.extui %or3A_540 : vector<197x197xi1> to vector<197x197xi32>
    %convert_element_type3A_542 = arith.sitofp %convert_element_type3A_541 : vector<197x197xi32> to vector<197x197xf32>
    %dot_general3A_543 = arith.constant dense<0.000000e+00> : vector<197x1xf32>
    %dot_general3A_544 = tpu.matmul %convert_element_type3A_542, %broadcast_in_dim3A_474, %dot_general3A_543 {dimension_numbers = #tpu.dot_dimension_numbers<[1], [0], [0], [1], [0, 0, 1, 1], [], []>, transpose_lhs_hint = false} : vector<197x197xf32>, vector<197x1xf32>, vector<197x1xf32> -> vector<197x1xf32>
    %slice3A_545 = vector.extract_strided_slice %mul3A_471 {offsets = [5, 0], sizes = [1, 197], strides = [1, 1]} : vector<8x197xf32> to vector<1x197xf32>
    %broadcast_in_dim3A_546 = vector.shape_cast %slice3A_545 : vector<1x197xf32> to vector<1x197xf32>
    %broadcast_in_dim3A_547 = vector.broadcast %broadcast_in_dim3A_546 : vector<1x197xf32> to vector<197x197xf32>
    %slice3A_548 = vector.extract_strided_slice %transpose3A_472 {offsets = [0, 5], sizes = [197, 1], strides = [1, 1]} : vector<197x8xf32> to vector<197x1xf32>
    %broadcast_in_dim3A_549 = vector.shape_cast %slice3A_548 : vector<197x1xf32> to vector<197x1xf32>
    %broadcast_in_dim3A_550 = vector.broadcast %broadcast_in_dim3A_549 : vector<197x1xf32> to vector<197x197xf32>
    %gt3A_551 = arith.cmpf ogt, %broadcast_in_dim3A_547, %broadcast_in_dim3A_550 : vector<197x197xf32>
    %eq3A_552 = arith.cmpf oeq, %broadcast_in_dim3A_547, %broadcast_in_dim3A_550 : vector<197x197xf32>
    %and3A_553 = arith.andi %eq3A_552, %lt3A : vector<197x197xi1>
    %or3A_554 = arith.ori %gt3A_551, %and3A_553 : vector<197x197xi1>
    %convert_element_type3A_555 = arith.extui %or3A_554 : vector<197x197xi1> to vector<197x197xi32>
    %convert_element_type3A_556 = arith.sitofp %convert_element_type3A_555 : vector<197x197xi32> to vector<197x197xf32>
    %dot_general3A_557 = arith.constant dense<0.000000e+00> : vector<197x1xf32>
    %dot_general3A_558 = tpu.matmul %convert_element_type3A_556, %broadcast_in_dim3A_474, %dot_general3A_557 {dimension_numbers = #tpu.dot_dimension_numbers<[1], [0], [0], [1], [0, 0, 1, 1], [], []>, transpose_lhs_hint = false} : vector<197x197xf32>, vector<197x1xf32>, vector<197x1xf32> -> vector<197x1xf32>
    %slice3A_559 = vector.extract_strided_slice %mul3A_471 {offsets = [6, 0], sizes = [1, 197], strides = [1, 1]} : vector<8x197xf32> to vector<1x197xf32>
    %broadcast_in_dim3A_560 = vector.shape_cast %slice3A_559 : vector<1x197xf32> to vector<1x197xf32>
    %broadcast_in_dim3A_561 = vector.broadcast %broadcast_in_dim3A_560 : vector<1x197xf32> to vector<197x197xf32>
    %slice3A_562 = vector.extract_strided_slice %transpose3A_472 {offsets = [0, 6], sizes = [197, 1], strides = [1, 1]} : vector<197x8xf32> to vector<197x1xf32>
    %broadcast_in_dim3A_563 = vector.shape_cast %slice3A_562 : vector<197x1xf32> to vector<197x1xf32>
    %broadcast_in_dim3A_564 = vector.broadcast %broadcast_in_dim3A_563 : vector<197x1xf32> to vector<197x197xf32>
    %gt3A_565 = arith.cmpf ogt, %broadcast_in_dim3A_561, %broadcast_in_dim3A_564 : vector<197x197xf32>
    %eq3A_566 = arith.cmpf oeq, %broadcast_in_dim3A_561, %broadcast_in_dim3A_564 : vector<197x197xf32>
    %and3A_567 = arith.andi %eq3A_566, %lt3A : vector<197x197xi1>
    %or3A_568 = arith.ori %gt3A_565, %and3A_567 : vector<197x197xi1>
    %convert_element_type3A_569 = arith.extui %or3A_568 : vector<197x197xi1> to vector<197x197xi32>
    %convert_element_type3A_570 = arith.sitofp %convert_element_type3A_569 : vector<197x197xi32> to vector<197x197xf32>
    %dot_general3A_571 = arith.constant dense<0.000000e+00> : vector<197x1xf32>
    %dot_general3A_572 = tpu.matmul %convert_element_type3A_570, %broadcast_in_dim3A_474, %dot_general3A_571 {dimension_numbers = #tpu.dot_dimension_numbers<[1], [0], [0], [1], [0, 0, 1, 1], [], []>, transpose_lhs_hint = false} : vector<197x197xf32>, vector<197x1xf32>, vector<197x1xf32> -> vector<197x1xf32>
    %slice3A_573 = vector.extract_strided_slice %mul3A_471 {offsets = [7, 0], sizes = [1, 197], strides = [1, 1]} : vector<8x197xf32> to vector<1x197xf32>
    %broadcast_in_dim3A_574 = vector.shape_cast %slice3A_573 : vector<1x197xf32> to vector<1x197xf32>
    %broadcast_in_dim3A_575 = vector.broadcast %broadcast_in_dim3A_574 : vector<1x197xf32> to vector<197x197xf32>
    %slice3A_576 = vector.extract_strided_slice %transpose3A_472 {offsets = [0, 7], sizes = [197, 1], strides = [1, 1]} : vector<197x8xf32> to vector<197x1xf32>
    %broadcast_in_dim3A_577 = vector.shape_cast %slice3A_576 : vector<197x1xf32> to vector<197x1xf32>
    %broadcast_in_dim3A_578 = vector.broadcast %broadcast_in_dim3A_577 : vector<197x1xf32> to vector<197x197xf32>
    %gt3A_579 = arith.cmpf ogt, %broadcast_in_dim3A_575, %broadcast_in_dim3A_578 : vector<197x197xf32>
    %eq3A_580 = arith.cmpf oeq, %broadcast_in_dim3A_575, %broadcast_in_dim3A_578 : vector<197x197xf32>
    %and3A_581 = arith.andi %eq3A_580, %lt3A : vector<197x197xi1>
    %or3A_582 = arith.ori %gt3A_579, %and3A_581 : vector<197x197xi1>
    %convert_element_type3A_583 = arith.extui %or3A_582 : vector<197x197xi1> to vector<197x197xi32>
    %convert_element_type3A_584 = arith.sitofp %convert_element_type3A_583 : vector<197x197xi32> to vector<197x197xf32>
    %dot_general3A_585 = arith.constant dense<0.000000e+00> : vector<197x1xf32>
    %dot_general3A_586 = tpu.matmul %convert_element_type3A_584, %broadcast_in_dim3A_474, %dot_general3A_585 {dimension_numbers = #tpu.dot_dimension_numbers<[1], [0], [0], [1], [0, 0, 1, 1], [], []>, transpose_lhs_hint = false} : vector<197x197xf32>, vector<197x1xf32>, vector<197x1xf32> -> vector<197x1xf32>
    %concatenate3A_587 = tpu.concatenate %dot_general3A_488, %dot_general3A_502, %dot_general3A_516, %dot_general3A_530, %dot_general3A_544, %dot_general3A_558, %dot_general3A_572, %dot_general3A_586 in 1 : vector<197x1xf32>, vector<197x1xf32>, vector<197x1xf32>, vector<197x1xf32>, vector<197x1xf32>, vector<197x1xf32>, vector<197x1xf32>, vector<197x1xf32> -> vector<197x8xf32>
    %transpose3A_588 = tpu.transpose %concatenate3A_587, [1, 0] : vector<197x8xf32> -> vector<8x197xf32>
    %lt3A_589 = arith.constant 4.900000e+01 : f32
    %lt3A_590 = vector.broadcast %lt3A_589 : f32 to vector<8x197xf32>
    %lt3A_591 = arith.cmpf olt, %transpose3A_588, %lt3A_590 : vector<8x197xf32>
    %jit3A_592 = arith.constant 1.000000e+03 : f32
    %broadcast_in_dim3A_593 = vector.broadcast %jit3A_592 : f32 to vector<8x197xf32>
    %select_n3A_594 = arith.select %lt3A_591, %transpose3A_588, %broadcast_in_dim3A_593 : vector<8x197xi1>, vector<8x197xf32>
    %convert_element_type3A_595 = arith.fptosi %select_n3A_594 : vector<8x197xf32> to vector<8x197xi32>
    %convert_element_type3A_596 = arith.extui %lt3A_591 : vector<8x197xi1> to vector<8x197xi32>
    %convert_element_type3A_597 = arith.sitofp %convert_element_type3A_596 : vector<8x197xi32> to vector<8x197xf32>
    %mul3A_598 = arith.mulf %mul3A_471, %convert_element_type3A_597 : vector<8x197xf32>
    %iota3A_599 = tpu.iota {dimensions = array<i32: 1>} : vector<8x56x197xi32>
    %broadcast_in_dim3A_600 = vector.shape_cast %convert_element_type3A_595 : vector<8x197xi32> to vector<8x1x197xi32>
    %eq3A_601 = vector.broadcast %broadcast_in_dim3A_600 : vector<8x1x197xi32> to vector<8x56x197xi32>
    %eq3A_602 = arith.cmpi eq, %eq3A_601, %iota3A_599 : vector<8x56x197xi32>
    %convert_element_type3A_603 = arith.extui %eq3A_602 : vector<8x56x197xi1> to vector<8x56x197xi32>
    %convert_element_type3A_604 = arith.sitofp %convert_element_type3A_603 : vector<8x56x197xi32> to vector<8x56x197xf32>
    %iota3A_605 = tpu.iota {dimensions = array<i32: 1>} : vector<1x197xi32>
    %convert_element_type3A_606 = arith.sitofp %iota3A_605 : vector<1x197xi32> to vector<1x197xf32>
    %reshape3A_607 = vector.shape_cast %convert_element_type3A_604 : vector<8x56x197xf32> to vector<448x197xf32>
    %dot_general3A_608 = arith.constant dense<0.000000e+00> : vector<1x448xf32>
    %dot_general3A_609 = tpu.matmul %convert_element_type3A_606, %reshape3A_607, %dot_general3A_608 {dimension_numbers = #tpu.dot_dimension_numbers<[1], [1], [0], [0], [0, 0, 1, 0], [], []>, transpose_lhs_hint = false} : vector<1x197xf32>, vector<448x197xf32>, vector<1x448xf32> -> vector<1x448xf32>
    %reshape3A_610 = vector.shape_cast %convert_element_type3A_595 : vector<8x197xi32> to vector<8x1x197xi32>
    %swap3A_611 = arith.constant 16 : index
    %swap3A_612 = arith.constant 0 : index
    %swap3A_613 = arith.constant 0 : index
    %swap3A_614 = vector.load %arg6[%swap3A_611, %swap3A_612, %swap3A_613] : memref<32x1x197xi32, #tpu.memory_space<vmem>>, vector<8x1x197xi32>
    tpu.vector_store %arg6[%swap3A_611, %swap3A_612, %swap3A_613], %reshape3A_610 {strides = array<i32>} : memref<32x1x197xi32, #tpu.memory_space<vmem>>, vector<8x1x197xi32>,
    %reshape3A_615 = vector.shape_cast %mul3A_598 : vector<8x197xf32> to vector<8x1x197xf32>
    %swap3A_616 = arith.constant 16 : index
    %swap3A_617 = arith.constant 0 : index
    %swap3A_618 = arith.constant 0 : index
    %swap3A_619 = vector.load %arg7[%swap3A_616, %swap3A_617, %swap3A_618] : memref<32x1x197xf32, #tpu.memory_space<vmem>>, vector<8x1x197xf32>
    tpu.vector_store %arg7[%swap3A_616, %swap3A_617, %swap3A_618], %reshape3A_615 {strides = array<i32>} : memref<32x1x197xf32, #tpu.memory_space<vmem>>, vector<8x1x197xf32>,
    %convert_element_type3A_620 = arith.fptosi %dot_general3A_609 : vector<1x448xf32> to vector<1x448xi32>
    %mul3A_621 = arith.constant 32 : i32
    %mul3A_622 = vector.broadcast %mul3A_621 : i32 to vector<1x448xi32>
    %mul3A_623 = arith.muli %convert_element_type3A_620, %mul3A_622 : vector<1x448xi32>
    %add3A_624 = vector.broadcast %add3A_421 : i32 to vector<1x448xi32>
    %add3A_625 = arith.addi %mul3A_623, %add3A_624 : vector<1x448xi32>
    %swap3A_626 = arith.constant 2 : index
    %swap3A_627 = arith.constant 0 : index
    %swap3A_628 = arith.constant 0 : index
    %swap3A_629 = vector.load %arg8[%swap3A_626, %swap3A_627, %swap3A_628] : memref<4x1x448xi32, #tpu.memory_space<vmem>>, vector<1x1x448xi32>
    %swap3A_630 = vector.shape_cast %swap3A_629 : vector<1x1x448xi32> to vector<1x448xi32>
    %swap3A_631 = vector.shape_cast %add3A_625 : vector<1x448xi32> to vector<1x1x448xi32>
    tpu.vector_store %arg8[%swap3A_626, %swap3A_627, %swap3A_628], %swap3A_631 {strides = array<i32>} : memref<4x1x448xi32, #tpu.memory_space<vmem>>, vector<1x1x448xi32>,
    %mul3A_632 = arith.constant 4 : i32
    %mul3A_633 = arith.muli %arg0, %mul3A_632 : i32
    %add3A_634 = arith.constant 3 : i32
    %add3A_635 = arith.addi %mul3A_633, %add3A_634 : i32
    %get3A_636 = arith.constant 0 : index
    %get3A_637 = arith.constant 1152 : index
    %get3A_638 = vector.load %arg1[%get3A_636, %get3A_637] : memref<197x1536xf32, #tpu.memory_space<vmem>>, vector<197x384xf32>
    %dot_general3A_639 = arith.constant dense<0.000000e+00> : vector<96x197xf32>
    %dot_general3A_640 = tpu.matmul %get3A_2, %get3A_638, %dot_general3A_639 {dimension_numbers = #tpu.dot_dimension_numbers<[1], [1], [0], [0], [0, 0, 1, 0], [], []>, transpose_lhs_hint = false} : vector<96x384xf32>, vector<197x384xf32>, vector<96x197xf32> -> vector<96x197xf32>
    %add3A_641 = vector.broadcast %get3A_5 : vector<96x1xf32> to vector<96x197xf32>
    %add3A_642 = arith.addf %dot_general3A_640, %add3A_641 : vector<96x197xf32>
    %max3A_643 = arith.constant 0.000000e+00 : f32
    %max3A_644 = vector.broadcast %max3A_643 : f32 to vector<96x197xf32>
    %max3A_645 = arith.maximumf %add3A_642, %max3A_644 : vector<96x197xf32>
    %dot_general3A_646 = arith.constant dense<0.000000e+00> : vector<8x197xf32>
    %dot_general3A_647 = tpu.matmul %get3A_8, %max3A_645, %dot_general3A_646 {dimension_numbers = #tpu.dot_dimension_numbers<[1], [0], [0], [1], [0, 0, 1, 1], [], []>, transpose_lhs_hint = false} : vector<8x96xf32>, vector<96x197xf32>, vector<8x197xf32> -> vector<8x197xf32>
    %add3A_648 = vector.broadcast %get3A_11 : vector<8x1xf32> to vector<8x197xf32>
    %add3A_649 = arith.addf %dot_general3A_647, %add3A_648 : vector<8x197xf32>
    %reduce_max3A_650 = arith.constant dense<0xFF800000> : vector<197xf32>
    %reduce_max3A_651 = vector.multi_reduction <maximumf>, %add3A_649, %reduce_max3A_650 [0] : vector<8x197xf32> to vector<197xf32>
    %broadcast_in_dim3A_652 = vector.shape_cast %reduce_max3A_651 : vector<197xf32> to vector<1x197xf32>
    %sub3A_653 = vector.broadcast %broadcast_in_dim3A_652 : vector<1x197xf32> to vector<8x197xf32>
    %sub3A_654 = arith.subf %add3A_649, %sub3A_653 : vector<8x197xf32>
    %exp3A_655 = math.exp %sub3A_654 : vector<8x197xf32>
    %reduce_sum3A_656 = arith.constant dense<0.000000e+00> : vector<197xf32>
    %reduce_sum3A_657 = vector.multi_reduction <add>, %exp3A_655, %reduce_sum3A_656 [0] : vector<8x197xf32> to vector<197xf32>
    %broadcast_in_dim3A_658 = vector.shape_cast %reduce_sum3A_657 : vector<197xf32> to vector<1x197xf32>
    %div3A_659 = vector.broadcast %broadcast_in_dim3A_658 : vector<1x197xf32> to vector<8x197xf32>
    %div3A_660 = arith.divf %exp3A_655, %div3A_659 : vector<8x197xf32>
    %broadcast_in_dim3A_661 = vector.shape_cast %div3A_660 : vector<8x197xf32> to vector<8x1x197xf32>
    %broadcast_in_dim3A_662 = vector.shape_cast %div3A_660 : vector<8x197xf32> to vector<1x8x197xf32>
    %iota3A_663 = tpu.iota {dimensions = array<i32: 1>} : vector<8x8x197xi32>
    %iota3A_664 = tpu.iota {dimensions = array<i32: 0>} : vector<8x8x197xi32>
    %lt3A_665 = arith.cmpi slt, %iota3A_663, %iota3A_664 : vector<8x8x197xi32>
    %gt3A_666 = vector.broadcast %broadcast_in_dim3A_662 : vector<1x8x197xf32> to vector<8x8x197xf32>
    %gt3A_667 = vector.broadcast %broadcast_in_dim3A_661 : vector<8x1x197xf32> to vector<8x8x197xf32>
    %gt3A_668 = arith.cmpf ogt, %gt3A_666, %gt3A_667 : vector<8x8x197xf32>
    %convert_element_type3A_669 = arith.extui %gt3A_668 : vector<8x8x197xi1> to vector<8x8x197xi32>
    %reduce_sum3A_670 = arith.constant dense<0> : vector<8x197xi32>
    %reduce_sum3A_671 = vector.multi_reduction <add>, %convert_element_type3A_669, %reduce_sum3A_670 [1] : vector<8x8x197xi32> to vector<8x197xi32>
    %eq3A_672 = vector.broadcast %broadcast_in_dim3A_662 : vector<1x8x197xf32> to vector<8x8x197xf32>
    %eq3A_673 = vector.broadcast %broadcast_in_dim3A_661 : vector<8x1x197xf32> to vector<8x8x197xf32>
    %eq3A_674 = arith.cmpf oeq, %eq3A_672, %eq3A_673 : vector<8x8x197xf32>
    %and3A_675 = arith.andi %eq3A_674, %lt3A_665 : vector<8x8x197xi1>
    %convert_element_type3A_676 = arith.extui %and3A_675 : vector<8x8x197xi1> to vector<8x8x197xi32>
    %reduce_sum3A_677 = arith.constant dense<0> : vector<8x197xi32>
    %reduce_sum3A_678 = vector.multi_reduction <add>, %convert_element_type3A_676, %reduce_sum3A_677 [1] : vector<8x8x197xi32> to vector<8x197xi32>
    %add3A_679 = arith.addi %reduce_sum3A_671, %reduce_sum3A_678 : vector<8x197xi32>
    %lt3A_680 = arith.constant 2 : i32
    %lt3A_681 = vector.broadcast %lt3A_680 : i32 to vector<8x197xi32>
    %lt3A_682 = arith.cmpi slt, %add3A_679, %lt3A_681 : vector<8x197xi32>
    %convert_element_type3A_683 = arith.extui %lt3A_682 : vector<8x197xi1> to vector<8x197xi32>
    %convert_element_type3A_684 = arith.sitofp %convert_element_type3A_683 : vector<8x197xi32> to vector<8x197xf32>
    %mul3A_685 = arith.mulf %div3A_660, %convert_element_type3A_684 : vector<8x197xf32>
    %transpose3A_686 = tpu.transpose %mul3A_685, [1, 0] : vector<8x197xf32> -> vector<197x8xf32>
    %broadcast_in_dim3A_687 = arith.constant 1.000000e+00 : f32
    %broadcast_in_dim3A_688 = vector.broadcast %broadcast_in_dim3A_687 : f32 to vector<197x1xf32>
    %slice3A_689 = vector.extract_strided_slice %mul3A_685 {offsets = [0, 0], sizes = [1, 197], strides = [1, 1]} : vector<8x197xf32> to vector<1x197xf32>
    %broadcast_in_dim3A_690 = vector.shape_cast %slice3A_689 : vector<1x197xf32> to vector<1x197xf32>
    %broadcast_in_dim3A_691 = vector.broadcast %broadcast_in_dim3A_690 : vector<1x197xf32> to vector<197x197xf32>
    %slice3A_692 = vector.extract_strided_slice %transpose3A_686 {offsets = [0, 0], sizes = [197, 1], strides = [1, 1]} : vector<197x8xf32> to vector<197x1xf32>
    %broadcast_in_dim3A_693 = vector.shape_cast %slice3A_692 : vector<197x1xf32> to vector<197x1xf32>
    %broadcast_in_dim3A_694 = vector.broadcast %broadcast_in_dim3A_693 : vector<197x1xf32> to vector<197x197xf32>
    %gt3A_695 = arith.cmpf ogt, %broadcast_in_dim3A_691, %broadcast_in_dim3A_694 : vector<197x197xf32>
    %eq3A_696 = arith.cmpf oeq, %broadcast_in_dim3A_691, %broadcast_in_dim3A_694 : vector<197x197xf32>
    %and3A_697 = arith.andi %eq3A_696, %lt3A : vector<197x197xi1>
    %or3A_698 = arith.ori %gt3A_695, %and3A_697 : vector<197x197xi1>
    %convert_element_type3A_699 = arith.extui %or3A_698 : vector<197x197xi1> to vector<197x197xi32>
    %convert_element_type3A_700 = arith.sitofp %convert_element_type3A_699 : vector<197x197xi32> to vector<197x197xf32>
    %dot_general3A_701 = arith.constant dense<0.000000e+00> : vector<197x1xf32>
    %dot_general3A_702 = tpu.matmul %convert_element_type3A_700, %broadcast_in_dim3A_688, %dot_general3A_701 {dimension_numbers = #tpu.dot_dimension_numbers<[1], [0], [0], [1], [0, 0, 1, 1], [], []>, transpose_lhs_hint = false} : vector<197x197xf32>, vector<197x1xf32>, vector<197x1xf32> -> vector<197x1xf32>
    %slice3A_703 = vector.extract_strided_slice %mul3A_685 {offsets = [1, 0], sizes = [1, 197], strides = [1, 1]} : vector<8x197xf32> to vector<1x197xf32>
    %broadcast_in_dim3A_704 = vector.shape_cast %slice3A_703 : vector<1x197xf32> to vector<1x197xf32>
    %broadcast_in_dim3A_705 = vector.broadcast %broadcast_in_dim3A_704 : vector<1x197xf32> to vector<197x197xf32>
    %slice3A_706 = vector.extract_strided_slice %transpose3A_686 {offsets = [0, 1], sizes = [197, 1], strides = [1, 1]} : vector<197x8xf32> to vector<197x1xf32>
    %broadcast_in_dim3A_707 = vector.shape_cast %slice3A_706 : vector<197x1xf32> to vector<197x1xf32>
    %broadcast_in_dim3A_708 = vector.broadcast %broadcast_in_dim3A_707 : vector<197x1xf32> to vector<197x197xf32>
    %gt3A_709 = arith.cmpf ogt, %broadcast_in_dim3A_705, %broadcast_in_dim3A_708 : vector<197x197xf32>
    %eq3A_710 = arith.cmpf oeq, %broadcast_in_dim3A_705, %broadcast_in_dim3A_708 : vector<197x197xf32>
    %and3A_711 = arith.andi %eq3A_710, %lt3A : vector<197x197xi1>
    %or3A_712 = arith.ori %gt3A_709, %and3A_711 : vector<197x197xi1>
    %convert_element_type3A_713 = arith.extui %or3A_712 : vector<197x197xi1> to vector<197x197xi32>
    %convert_element_type3A_714 = arith.sitofp %convert_element_type3A_713 : vector<197x197xi32> to vector<197x197xf32>
    %dot_general3A_715 = arith.constant dense<0.000000e+00> : vector<197x1xf32>
    %dot_general3A_716 = tpu.matmul %convert_element_type3A_714, %broadcast_in_dim3A_688, %dot_general3A_715 {dimension_numbers = #tpu.dot_dimension_numbers<[1], [0], [0], [1], [0, 0, 1, 1], [], []>, transpose_lhs_hint = false} : vector<197x197xf32>, vector<197x1xf32>, vector<197x1xf32> -> vector<197x1xf32>
    %slice3A_717 = vector.extract_strided_slice %mul3A_685 {offsets = [2, 0], sizes = [1, 197], strides = [1, 1]} : vector<8x197xf32> to vector<1x197xf32>
    %broadcast_in_dim3A_718 = vector.shape_cast %slice3A_717 : vector<1x197xf32> to vector<1x197xf32>
    %broadcast_in_dim3A_719 = vector.broadcast %broadcast_in_dim3A_718 : vector<1x197xf32> to vector<197x197xf32>
    %slice3A_720 = vector.extract_strided_slice %transpose3A_686 {offsets = [0, 2], sizes = [197, 1], strides = [1, 1]} : vector<197x8xf32> to vector<197x1xf32>
    %broadcast_in_dim3A_721 = vector.shape_cast %slice3A_720 : vector<197x1xf32> to vector<197x1xf32>
    %broadcast_in_dim3A_722 = vector.broadcast %broadcast_in_dim3A_721 : vector<197x1xf32> to vector<197x197xf32>
    %gt3A_723 = arith.cmpf ogt, %broadcast_in_dim3A_719, %broadcast_in_dim3A_722 : vector<197x197xf32>
    %eq3A_724 = arith.cmpf oeq, %broadcast_in_dim3A_719, %broadcast_in_dim3A_722 : vector<197x197xf32>
    %and3A_725 = arith.andi %eq3A_724, %lt3A : vector<197x197xi1>
    %or3A_726 = arith.ori %gt3A_723, %and3A_725 : vector<197x197xi1>
    %convert_element_type3A_727 = arith.extui %or3A_726 : vector<197x197xi1> to vector<197x197xi32>
    %convert_element_type3A_728 = arith.sitofp %convert_element_type3A_727 : vector<197x197xi32> to vector<197x197xf32>
    %dot_general3A_729 = arith.constant dense<0.000000e+00> : vector<197x1xf32>
    %dot_general3A_730 = tpu.matmul %convert_element_type3A_728, %broadcast_in_dim3A_688, %dot_general3A_729 {dimension_numbers = #tpu.dot_dimension_numbers<[1], [0], [0], [1], [0, 0, 1, 1], [], []>, transpose_lhs_hint = false} : vector<197x197xf32>, vector<197x1xf32>, vector<197x1xf32> -> vector<197x1xf32>
    %slice3A_731 = vector.extract_strided_slice %mul3A_685 {offsets = [3, 0], sizes = [1, 197], strides = [1, 1]} : vector<8x197xf32> to vector<1x197xf32>
    %broadcast_in_dim3A_732 = vector.shape_cast %slice3A_731 : vector<1x197xf32> to vector<1x197xf32>
    %broadcast_in_dim3A_733 = vector.broadcast %broadcast_in_dim3A_732 : vector<1x197xf32> to vector<197x197xf32>
    %slice3A_734 = vector.extract_strided_slice %transpose3A_686 {offsets = [0, 3], sizes = [197, 1], strides = [1, 1]} : vector<197x8xf32> to vector<197x1xf32>
    %broadcast_in_dim3A_735 = vector.shape_cast %slice3A_734 : vector<197x1xf32> to vector<197x1xf32>
    %broadcast_in_dim3A_736 = vector.broadcast %broadcast_in_dim3A_735 : vector<197x1xf32> to vector<197x197xf32>
    %gt3A_737 = arith.cmpf ogt, %broadcast_in_dim3A_733, %broadcast_in_dim3A_736 : vector<197x197xf32>
    %eq3A_738 = arith.cmpf oeq, %broadcast_in_dim3A_733, %broadcast_in_dim3A_736 : vector<197x197xf32>
    %and3A_739 = arith.andi %eq3A_738, %lt3A : vector<197x197xi1>
    %or3A_740 = arith.ori %gt3A_737, %and3A_739 : vector<197x197xi1>
    %convert_element_type3A_741 = arith.extui %or3A_740 : vector<197x197xi1> to vector<197x197xi32>
    %convert_element_type3A_742 = arith.sitofp %convert_element_type3A_741 : vector<197x197xi32> to vector<197x197xf32>
    %dot_general3A_743 = arith.constant dense<0.000000e+00> : vector<197x1xf32>
    %dot_general3A_744 = tpu.matmul %convert_element_type3A_742, %broadcast_in_dim3A_688, %dot_general3A_743 {dimension_numbers = #tpu.dot_dimension_numbers<[1], [0], [0], [1], [0, 0, 1, 1], [], []>, transpose_lhs_hint = false} : vector<197x197xf32>, vector<197x1xf32>, vector<197x1xf32> -> vector<197x1xf32>
    %slice3A_745 = vector.extract_strided_slice %mul3A_685 {offsets = [4, 0], sizes = [1, 197], strides = [1, 1]} : vector<8x197xf32> to vector<1x197xf32>
    %broadcast_in_dim3A_746 = vector.shape_cast %slice3A_745 : vector<1x197xf32> to vector<1x197xf32>
    %broadcast_in_dim3A_747 = vector.broadcast %broadcast_in_dim3A_746 : vector<1x197xf32> to vector<197x197xf32>
    %slice3A_748 = vector.extract_strided_slice %transpose3A_686 {offsets = [0, 4], sizes = [197, 1], strides = [1, 1]} : vector<197x8xf32> to vector<197x1xf32>
    %broadcast_in_dim3A_749 = vector.shape_cast %slice3A_748 : vector<197x1xf32> to vector<197x1xf32>
    %broadcast_in_dim3A_750 = vector.broadcast %broadcast_in_dim3A_749 : vector<197x1xf32> to vector<197x197xf32>
    %gt3A_751 = arith.cmpf ogt, %broadcast_in_dim3A_747, %broadcast_in_dim3A_750 : vector<197x197xf32>
    %eq3A_752 = arith.cmpf oeq, %broadcast_in_dim3A_747, %broadcast_in_dim3A_750 : vector<197x197xf32>
    %and3A_753 = arith.andi %eq3A_752, %lt3A : vector<197x197xi1>
    %or3A_754 = arith.ori %gt3A_751, %and3A_753 : vector<197x197xi1>
    %convert_element_type3A_755 = arith.extui %or3A_754 : vector<197x197xi1> to vector<197x197xi32>
    %convert_element_type3A_756 = arith.sitofp %convert_element_type3A_755 : vector<197x197xi32> to vector<197x197xf32>
    %dot_general3A_757 = arith.constant dense<0.000000e+00> : vector<197x1xf32>
    %dot_general3A_758 = tpu.matmul %convert_element_type3A_756, %broadcast_in_dim3A_688, %dot_general3A_757 {dimension_numbers = #tpu.dot_dimension_numbers<[1], [0], [0], [1], [0, 0, 1, 1], [], []>, transpose_lhs_hint = false} : vector<197x197xf32>, vector<197x1xf32>, vector<197x1xf32> -> vector<197x1xf32>
    %slice3A_759 = vector.extract_strided_slice %mul3A_685 {offsets = [5, 0], sizes = [1, 197], strides = [1, 1]} : vector<8x197xf32> to vector<1x197xf32>
    %broadcast_in_dim3A_760 = vector.shape_cast %slice3A_759 : vector<1x197xf32> to vector<1x197xf32>
    %broadcast_in_dim3A_761 = vector.broadcast %broadcast_in_dim3A_760 : vector<1x197xf32> to vector<197x197xf32>
    %slice3A_762 = vector.extract_strided_slice %transpose3A_686 {offsets = [0, 5], sizes = [197, 1], strides = [1, 1]} : vector<197x8xf32> to vector<197x1xf32>
    %broadcast_in_dim3A_763 = vector.shape_cast %slice3A_762 : vector<197x1xf32> to vector<197x1xf32>
    %broadcast_in_dim3A_764 = vector.broadcast %broadcast_in_dim3A_763 : vector<197x1xf32> to vector<197x197xf32>
    %gt3A_765 = arith.cmpf ogt, %broadcast_in_dim3A_761, %broadcast_in_dim3A_764 : vector<197x197xf32>
    %eq3A_766 = arith.cmpf oeq, %broadcast_in_dim3A_761, %broadcast_in_dim3A_764 : vector<197x197xf32>
    %and3A_767 = arith.andi %eq3A_766, %lt3A : vector<197x197xi1>
    %or3A_768 = arith.ori %gt3A_765, %and3A_767 : vector<197x197xi1>
    %convert_element_type3A_769 = arith.extui %or3A_768 : vector<197x197xi1> to vector<197x197xi32>
    %convert_element_type3A_770 = arith.sitofp %convert_element_type3A_769 : vector<197x197xi32> to vector<197x197xf32>
    %dot_general3A_771 = arith.constant dense<0.000000e+00> : vector<197x1xf32>
    %dot_general3A_772 = tpu.matmul %convert_element_type3A_770, %broadcast_in_dim3A_688, %dot_general3A_771 {dimension_numbers = #tpu.dot_dimension_numbers<[1], [0], [0], [1], [0, 0, 1, 1], [], []>, transpose_lhs_hint = false} : vector<197x197xf32>, vector<197x1xf32>, vector<197x1xf32> -> vector<197x1xf32>
    %slice3A_773 = vector.extract_strided_slice %mul3A_685 {offsets = [6, 0], sizes = [1, 197], strides = [1, 1]} : vector<8x197xf32> to vector<1x197xf32>
    %broadcast_in_dim3A_774 = vector.shape_cast %slice3A_773 : vector<1x197xf32> to vector<1x197xf32>
    %broadcast_in_dim3A_775 = vector.broadcast %broadcast_in_dim3A_774 : vector<1x197xf32> to vector<197x197xf32>
    %slice3A_776 = vector.extract_strided_slice %transpose3A_686 {offsets = [0, 6], sizes = [197, 1], strides = [1, 1]} : vector<197x8xf32> to vector<197x1xf32>
    %broadcast_in_dim3A_777 = vector.shape_cast %slice3A_776 : vector<197x1xf32> to vector<197x1xf32>
    %broadcast_in_dim3A_778 = vector.broadcast %broadcast_in_dim3A_777 : vector<197x1xf32> to vector<197x197xf32>
    %gt3A_779 = arith.cmpf ogt, %broadcast_in_dim3A_775, %broadcast_in_dim3A_778 : vector<197x197xf32>
    %eq3A_780 = arith.cmpf oeq, %broadcast_in_dim3A_775, %broadcast_in_dim3A_778 : vector<197x197xf32>
    %and3A_781 = arith.andi %eq3A_780, %lt3A : vector<197x197xi1>
    %or3A_782 = arith.ori %gt3A_779, %and3A_781 : vector<197x197xi1>
    %convert_element_type3A_783 = arith.extui %or3A_782 : vector<197x197xi1> to vector<197x197xi32>
    %convert_element_type3A_784 = arith.sitofp %convert_element_type3A_783 : vector<197x197xi32> to vector<197x197xf32>
    %dot_general3A_785 = arith.constant dense<0.000000e+00> : vector<197x1xf32>
    %dot_general3A_786 = tpu.matmul %convert_element_type3A_784, %broadcast_in_dim3A_688, %dot_general3A_785 {dimension_numbers = #tpu.dot_dimension_numbers<[1], [0], [0], [1], [0, 0, 1, 1], [], []>, transpose_lhs_hint = false} : vector<197x197xf32>, vector<197x1xf32>, vector<197x1xf32> -> vector<197x1xf32>
    %slice3A_787 = vector.extract_strided_slice %mul3A_685 {offsets = [7, 0], sizes = [1, 197], strides = [1, 1]} : vector<8x197xf32> to vector<1x197xf32>
    %broadcast_in_dim3A_788 = vector.shape_cast %slice3A_787 : vector<1x197xf32> to vector<1x197xf32>
    %broadcast_in_dim3A_789 = vector.broadcast %broadcast_in_dim3A_788 : vector<1x197xf32> to vector<197x197xf32>
    %slice3A_790 = vector.extract_strided_slice %transpose3A_686 {offsets = [0, 7], sizes = [197, 1], strides = [1, 1]} : vector<197x8xf32> to vector<197x1xf32>
    %broadcast_in_dim3A_791 = vector.shape_cast %slice3A_790 : vector<197x1xf32> to vector<197x1xf32>
    %broadcast_in_dim3A_792 = vector.broadcast %broadcast_in_dim3A_791 : vector<197x1xf32> to vector<197x197xf32>
    %gt3A_793 = arith.cmpf ogt, %broadcast_in_dim3A_789, %broadcast_in_dim3A_792 : vector<197x197xf32>
    %eq3A_794 = arith.cmpf oeq, %broadcast_in_dim3A_789, %broadcast_in_dim3A_792 : vector<197x197xf32>
    %and3A_795 = arith.andi %eq3A_794, %lt3A : vector<197x197xi1>
    %or3A_796 = arith.ori %gt3A_793, %and3A_795 : vector<197x197xi1>
    %convert_element_type3A_797 = arith.extui %or3A_796 : vector<197x197xi1> to vector<197x197xi32>
    %convert_element_type3A_798 = arith.sitofp %convert_element_type3A_797 : vector<197x197xi32> to vector<197x197xf32>
    %dot_general3A_799 = arith.constant dense<0.000000e+00> : vector<197x1xf32>
    %dot_general3A_800 = tpu.matmul %convert_element_type3A_798, %broadcast_in_dim3A_688, %dot_general3A_799 {dimension_numbers = #tpu.dot_dimension_numbers<[1], [0], [0], [1], [0, 0, 1, 1], [], []>, transpose_lhs_hint = false} : vector<197x197xf32>, vector<197x1xf32>, vector<197x1xf32> -> vector<197x1xf32>
    %concatenate3A_801 = tpu.concatenate %dot_general3A_702, %dot_general3A_716, %dot_general3A_730, %dot_general3A_744, %dot_general3A_758, %dot_general3A_772, %dot_general3A_786, %dot_general3A_800 in 1 : vector<197x1xf32>, vector<197x1xf32>, vector<197x1xf32>, vector<197x1xf32>, vector<197x1xf32>, vector<197x1xf32>, vector<197x1xf32>, vector<197x1xf32> -> vector<197x8xf32>
    %transpose3A_802 = tpu.transpose %concatenate3A_801, [1, 0] : vector<197x8xf32> -> vector<8x197xf32>
    %lt3A_803 = arith.constant 4.900000e+01 : f32
    %lt3A_804 = vector.broadcast %lt3A_803 : f32 to vector<8x197xf32>
    %lt3A_805 = arith.cmpf olt, %transpose3A_802, %lt3A_804 : vector<8x197xf32>
    %jit3A_806 = arith.constant 1.000000e+03 : f32
    %broadcast_in_dim3A_807 = vector.broadcast %jit3A_806 : f32 to vector<8x197xf32>
    %select_n3A_808 = arith.select %lt3A_805, %transpose3A_802, %broadcast_in_dim3A_807 : vector<8x197xi1>, vector<8x197xf32>
    %convert_element_type3A_809 = arith.fptosi %select_n3A_808 : vector<8x197xf32> to vector<8x197xi32>
    %convert_element_type3A_810 = arith.extui %lt3A_805 : vector<8x197xi1> to vector<8x197xi32>
    %convert_element_type3A_811 = arith.sitofp %convert_element_type3A_810 : vector<8x197xi32> to vector<8x197xf32>
    %mul3A_812 = arith.mulf %mul3A_685, %convert_element_type3A_811 : vector<8x197xf32>
    %iota3A_813 = tpu.iota {dimensions = array<i32: 1>} : vector<8x56x197xi32>
    %broadcast_in_dim3A_814 = vector.shape_cast %convert_element_type3A_809 : vector<8x197xi32> to vector<8x1x197xi32>
    %eq3A_815 = vector.broadcast %broadcast_in_dim3A_814 : vector<8x1x197xi32> to vector<8x56x197xi32>
    %eq3A_816 = arith.cmpi eq, %eq3A_815, %iota3A_813 : vector<8x56x197xi32>
    %convert_element_type3A_817 = arith.extui %eq3A_816 : vector<8x56x197xi1> to vector<8x56x197xi32>
    %convert_element_type3A_818 = arith.sitofp %convert_element_type3A_817 : vector<8x56x197xi32> to vector<8x56x197xf32>
    %iota3A_819 = tpu.iota {dimensions = array<i32: 1>} : vector<1x197xi32>
    %convert_element_type3A_820 = arith.sitofp %iota3A_819 : vector<1x197xi32> to vector<1x197xf32>
    %reshape3A_821 = vector.shape_cast %convert_element_type3A_818 : vector<8x56x197xf32> to vector<448x197xf32>
    %dot_general3A_822 = arith.constant dense<0.000000e+00> : vector<1x448xf32>
    %dot_general3A_823 = tpu.matmul %convert_element_type3A_820, %reshape3A_821, %dot_general3A_822 {dimension_numbers = #tpu.dot_dimension_numbers<[1], [1], [0], [0], [0, 0, 1, 0], [], []>, transpose_lhs_hint = false} : vector<1x197xf32>, vector<448x197xf32>, vector<1x448xf32> -> vector<1x448xf32>
    %reshape3A_824 = vector.shape_cast %convert_element_type3A_809 : vector<8x197xi32> to vector<8x1x197xi32>
    %swap3A_825 = arith.constant 24 : index
    %swap3A_826 = arith.constant 0 : index
    %swap3A_827 = arith.constant 0 : index
    %swap3A_828 = vector.load %arg6[%swap3A_825, %swap3A_826, %swap3A_827] : memref<32x1x197xi32, #tpu.memory_space<vmem>>, vector<8x1x197xi32>
    tpu.vector_store %arg6[%swap3A_825, %swap3A_826, %swap3A_827], %reshape3A_824 {strides = array<i32>} : memref<32x1x197xi32, #tpu.memory_space<vmem>>, vector<8x1x197xi32>,
    %reshape3A_829 = vector.shape_cast %mul3A_812 : vector<8x197xf32> to vector<8x1x197xf32>
    %swap3A_830 = arith.constant 24 : index
    %swap3A_831 = arith.constant 0 : index
    %swap3A_832 = arith.constant 0 : index
    %swap3A_833 = vector.load %arg7[%swap3A_830, %swap3A_831, %swap3A_832] : memref<32x1x197xf32, #tpu.memory_space<vmem>>, vector<8x1x197xf32>
    tpu.vector_store %arg7[%swap3A_830, %swap3A_831, %swap3A_832], %reshape3A_829 {strides = array<i32>} : memref<32x1x197xf32, #tpu.memory_space<vmem>>, vector<8x1x197xf32>,
    %convert_element_type3A_834 = arith.fptosi %dot_general3A_823 : vector<1x448xf32> to vector<1x448xi32>
    %mul3A_835 = arith.constant 32 : i32
    %mul3A_836 = vector.broadcast %mul3A_835 : i32 to vector<1x448xi32>
    %mul3A_837 = arith.muli %convert_element_type3A_834, %mul3A_836 : vector<1x448xi32>
    %add3A_838 = vector.broadcast %add3A_635 : i32 to vector<1x448xi32>
    %add3A_839 = arith.addi %mul3A_837, %add3A_838 : vector<1x448xi32>
    %swap3A_840 = arith.constant 3 : index
    %swap3A_841 = arith.constant 0 : index
    %swap3A_842 = arith.constant 0 : index
    %swap3A_843 = vector.load %arg8[%swap3A_840, %swap3A_841, %swap3A_842] : memref<4x1x448xi32, #tpu.memory_space<vmem>>, vector<1x1x448xi32>
    %swap3A_844 = vector.shape_cast %swap3A_843 : vector<1x1x448xi32> to vector<1x448xi32>
    %swap3A_845 = vector.shape_cast %add3A_839 : vector<1x448xi32> to vector<1x1x448xi32>
    tpu.vector_store %arg8[%swap3A_840, %swap3A_841, %swap3A_842], %swap3A_845 {strides = array<i32>} : memref<4x1x448xi32, #tpu.memory_space<vmem>>, vector<1x1x448xi32>,
    return
  }
  func.func @transform_0(%arg0: i32) -> (i32, i32) {
    %c0_i32 = arith.constant 0 : i32
    %c0_i32_0 = arith.constant 0 : i32
    return %c0_i32, %arg0 : i32, i32
  }
  func.func @transform_1(%arg0: i32) -> (i32, i32) {
    %c0_i32 = arith.constant 0 : i32
    %c0_i32_0 = arith.constant 0 : i32
    %c0_i32_1 = arith.constant 0 : i32
    return %c0_i32, %c0_i32_0 : i32, i32
  }
  func.func @transform_2(%arg0: i32) -> (i32, i32) {
    %c0_i32 = arith.constant 0 : i32
    %c0_i32_0 = arith.constant 0 : i32
    %c0_i32_1 = arith.constant 0 : i32
    return %c0_i32, %c0_i32_0 : i32, i32
  }
  func.func @transform_3(%arg0: i32) -> (i32, i32) {
    %c0_i32 = arith.constant 0 : i32
    %c0_i32_0 = arith.constant 0 : i32
    %c0_i32_1 = arith.constant 0 : i32
    return %c0_i32, %c0_i32_0 : i32, i32
  }
  func.func @transform_4(%arg0: i32) -> (i32, i32) {
    %c0_i32 = arith.constant 0 : i32
    %c0_i32_0 = arith.constant 0 : i32
    %c0_i32_1 = arith.constant 0 : i32
    return %c0_i32, %c0_i32_0 : i32, i32
  }
  func.func @transform_5(%arg0: i32) -> (i32, i32, i32) {
    %c0_i32 = arith.constant 0 : i32
    %c0_i32_0 = arith.constant 0 : i32
    %c0_i32_1 = arith.constant 0 : i32
    return %arg0, %c0_i32, %c0_i32_0 : i32, i32, i32
  }
  func.func @transform_6(%arg0: i32) -> (i32, i32, i32) {
    %c0_i32 = arith.constant 0 : i32
    %c0_i32_0 = arith.constant 0 : i32
    %c0_i32_1 = arith.constant 0 : i32
    return %arg0, %c0_i32, %c0_i32_0 : i32, i32, i32
  }
  func.func @transform_7(%arg0: i32) -> (i32, i32, i32) {
    %c0_i32 = arith.constant 0 : i32
    %c0_i32_0 = arith.constant 0 : i32
    %c0_i32_1 = arith.constant 0 : i32
    return %arg0, %c0_i32, %c0_i32_0 : i32, i32, i32
  }
}

module attributes {stable_mosaic.version = 14 : i64} {
  func.func @_ffn_kernel(%arg0: i32, %arg1: memref<32x1x56x384xf32, #tpu.memory_space<vmem>>, %arg2: memref<1x1536x384xf32, #tpu.memory_space<vmem>>, %arg3: memref<1x1x1536xf32, #tpu.memory_space<vmem>>, %arg4: memref<1x384x1536xf32, #tpu.memory_space<vmem>>, %arg5: memref<1x1x384xf32, #tpu.memory_space<vmem>>, %arg6: memref<32x1x56x384xbf16, #tpu.memory_space<vmem>>) attributes {dimension_semantics = [#tpu.dimension_semantics<arbitrary>], iteration_bounds = array<i64: 8>, scalar_prefetch = 0 : i64, scratch_operands = 0 : i64, tpu.core_type = #tpu.core_type<tc>, window_params = [{transform_indices = @transform_0, window_bounds = array<i64: 32, 1, 56, 384>}, {transform_indices = @transform_1, window_bounds = array<i64: 1, 1536, 384>}, {transform_indices = @transform_2, window_bounds = array<i64: 1, 1, 1536>}, {transform_indices = @transform_3, window_bounds = array<i64: 1, 384, 1536>}, {transform_indices = @transform_4, window_bounds = array<i64: 1, 1, 384>}, {transform_indices = @transform_5, window_bounds = array<i64: 32, 1, 56, 384>}]} {
    %get3A = arith.constant 0 : index
    %get3A_0 = arith.constant 0 : index
    %get3A_1 = arith.constant 0 : index
    %get3A_2 = arith.constant 0 : index
    %get3A_3 = vector.load %arg1[%get3A, %get3A_0, %get3A_1, %get3A_2] : memref<32x1x56x384xf32, #tpu.memory_space<vmem>>, vector<32x1x56x384xf32>
    %reshape3A = vector.shape_cast %get3A_3 : vector<32x1x56x384xf32> to vector<1792x384xf32>
    %convert_element_type3A = arith.truncf %reshape3A : vector<1792x384xf32> to vector<1792x384xbf16>
    %get3A_4 = arith.constant 0 : index
    %get3A_5 = arith.constant 0 : index
    %get3A_6 = arith.constant 0 : index
    %get3A_7 = vector.load %arg2[%get3A_4, %get3A_5, %get3A_6] : memref<1x1536x384xf32, #tpu.memory_space<vmem>>, vector<1x1536x384xf32>
    %get3A_8 = vector.shape_cast %get3A_7 : vector<1x1536x384xf32> to vector<1536x384xf32>
    %convert_element_type3A_9 = arith.truncf %get3A_8 : vector<1536x384xf32> to vector<1536x384xbf16>
    %dot_general3A = arith.constant dense<0.000000e+00> : vector<1792x1536xf32>
    %dot_general3A_10 = tpu.matmul %convert_element_type3A, %convert_element_type3A_9, %dot_general3A {dimension_numbers = #tpu.dot_dimension_numbers<[1], [1], [0], [0], [0, 0, 1, 0], [], []>, transpose_lhs_hint = false} : vector<1792x384xbf16>, vector<1536x384xbf16>, vector<1792x1536xf32> -> vector<1792x1536xf32>
    %get3A_11 = arith.constant 0 : index
    %get3A_12 = arith.constant 0 : index
    %get3A_13 = arith.constant 0 : index
    %get3A_14 = vector.load %arg3[%get3A_11, %get3A_12, %get3A_13] : memref<1x1x1536xf32, #tpu.memory_space<vmem>>, vector<1x1x1536xf32>
    %get3A_15 = vector.shape_cast %get3A_14 : vector<1x1x1536xf32> to vector<1x1536xf32>
    %add3A = vector.broadcast %get3A_15 : vector<1x1536xf32> to vector<1792x1536xf32>
    %add3A_16 = arith.addf %dot_general3A_10, %add3A : vector<1792x1536xf32>
    %max3A = arith.constant 0.000000e+00 : f32
    %max3A_17 = vector.broadcast %max3A : f32 to vector<1792x1536xf32>
    %max3A_18 = arith.maximumf %add3A_16, %max3A_17 : vector<1792x1536xf32>
    %convert_element_type3A_19 = arith.truncf %max3A_18 : vector<1792x1536xf32> to vector<1792x1536xbf16>
    %get3A_20 = arith.constant 0 : index
    %get3A_21 = arith.constant 0 : index
    %get3A_22 = arith.constant 0 : index
    %get3A_23 = vector.load %arg4[%get3A_20, %get3A_21, %get3A_22] : memref<1x384x1536xf32, #tpu.memory_space<vmem>>, vector<1x384x1536xf32>
    %get3A_24 = vector.shape_cast %get3A_23 : vector<1x384x1536xf32> to vector<384x1536xf32>
    %convert_element_type3A_25 = arith.truncf %get3A_24 : vector<384x1536xf32> to vector<384x1536xbf16>
    %dot_general3A_26 = arith.constant dense<0.000000e+00> : vector<1792x384xf32>
    %dot_general3A_27 = tpu.matmul %convert_element_type3A_19, %convert_element_type3A_25, %dot_general3A_26 {dimension_numbers = #tpu.dot_dimension_numbers<[1], [1], [0], [0], [0, 0, 1, 0], [], []>, transpose_lhs_hint = false} : vector<1792x1536xbf16>, vector<384x1536xbf16>, vector<1792x384xf32> -> vector<1792x384xf32>
    %get3A_28 = arith.constant 0 : index
    %get3A_29 = arith.constant 0 : index
    %get3A_30 = arith.constant 0 : index
    %get3A_31 = vector.load %arg5[%get3A_28, %get3A_29, %get3A_30] : memref<1x1x384xf32, #tpu.memory_space<vmem>>, vector<1x1x384xf32>
    %get3A_32 = vector.shape_cast %get3A_31 : vector<1x1x384xf32> to vector<1x384xf32>
    %add3A_33 = vector.broadcast %get3A_32 : vector<1x384xf32> to vector<1792x384xf32>
    %add3A_34 = arith.addf %dot_general3A_27, %add3A_33 : vector<1792x384xf32>
    %convert_element_type3A_35 = arith.truncf %add3A_34 : vector<1792x384xf32> to vector<1792x384xbf16>
    %reshape3A_36 = vector.shape_cast %convert_element_type3A_35 : vector<1792x384xbf16> to vector<32x1x56x384xbf16>
    %swap3A = arith.constant 0 : index
    %swap3A_37 = arith.constant 0 : index
    %swap3A_38 = arith.constant 0 : index
    %swap3A_39 = arith.constant 0 : index
    %swap3A_40 = vector.load %arg6[%swap3A, %swap3A_37, %swap3A_38, %swap3A_39] : memref<32x1x56x384xbf16, #tpu.memory_space<vmem>>, vector<32x1x56x384xbf16>
    tpu.vector_store %arg6[%swap3A, %swap3A_37, %swap3A_38, %swap3A_39], %reshape3A_36 {strides = array<i32>} : memref<32x1x56x384xbf16, #tpu.memory_space<vmem>>, vector<32x1x56x384xbf16>,
    return
  }
  func.func @transform_0(%arg0: i32) -> (i32, i32, i32, i32) {
    %c0_i32 = arith.constant 0 : i32
    %c0_i32_0 = arith.constant 0 : i32
    %c0_i32_1 = arith.constant 0 : i32
    %c0_i32_2 = arith.constant 0 : i32
    return %c0_i32, %arg0, %c0_i32_0, %c0_i32_1 : i32, i32, i32, i32
  }
  func.func @transform_1(%arg0: i32) -> (i32, i32, i32) {
    %c0_i32 = arith.constant 0 : i32
    %c0_i32_0 = arith.constant 0 : i32
    %c0_i32_1 = arith.constant 0 : i32
    return %arg0, %c0_i32, %c0_i32_0 : i32, i32, i32
  }
  func.func @transform_2(%arg0: i32) -> (i32, i32, i32) {
    %c0_i32 = arith.constant 0 : i32
    %c0_i32_0 = arith.constant 0 : i32
    %c0_i32_1 = arith.constant 0 : i32
    return %arg0, %c0_i32, %c0_i32_0 : i32, i32, i32
  }
  func.func @transform_3(%arg0: i32) -> (i32, i32, i32) {
    %c0_i32 = arith.constant 0 : i32
    %c0_i32_0 = arith.constant 0 : i32
    %c0_i32_1 = arith.constant 0 : i32
    return %arg0, %c0_i32, %c0_i32_0 : i32, i32, i32
  }
  func.func @transform_4(%arg0: i32) -> (i32, i32, i32) {
    %c0_i32 = arith.constant 0 : i32
    %c0_i32_0 = arith.constant 0 : i32
    %c0_i32_1 = arith.constant 0 : i32
    return %arg0, %c0_i32, %c0_i32_0 : i32, i32, i32
  }
  func.func @transform_5(%arg0: i32) -> (i32, i32, i32, i32) {
    %c0_i32 = arith.constant 0 : i32
    %c0_i32_0 = arith.constant 0 : i32
    %c0_i32_1 = arith.constant 0 : i32
    %c0_i32_2 = arith.constant 0 : i32
    return %c0_i32, %arg0, %c0_i32_0, %c0_i32_1 : i32, i32, i32, i32
  }
}

module attributes {stable_mosaic.version = 14 : i64} {
  func.func @_combine_kernel(%arg0: i32, %arg1: memref<4x8x56x384xbf16, #tpu.memory_space<vmem>>, %arg2: memref<32x1x197xi32, #tpu.memory_space<vmem>>, %arg3: memref<32x1x197xf32, #tpu.memory_space<vmem>>, %arg4: memref<197x1536xf32, #tpu.memory_space<vmem>>, %arg5: memref<197x1536xf32, #tpu.memory_space<vmem>>) attributes {dimension_semantics = [#tpu.dimension_semantics<arbitrary>], iteration_bounds = array<i64: 8>, scalar_prefetch = 0 : i64, scratch_operands = 0 : i64, tpu.core_type = #tpu.core_type<tc>, window_params = [{transform_indices = @transform_0, window_bounds = array<i64: 4, 8, 56, 384>}, {transform_indices = @transform_1, window_bounds = array<i64: 32, 1, 197>}, {transform_indices = @transform_2, window_bounds = array<i64: 32, 1, 197>}, {transform_indices = @transform_3, window_bounds = array<i64: 197, 1536>}, {transform_indices = @transform_4, window_bounds = array<i64: 197, 1536>}]} {
    %iota3A = tpu.iota {dimensions = array<i32: 1>} : vector<8x56x197xi32>
    %get3A = arith.constant 0 : index
    %get3A_0 = arith.constant 0 : index
    %get3A_1 = arith.constant 0 : index
    %get3A_2 = vector.load %arg2[%get3A, %get3A_0, %get3A_1] : memref<32x1x197xi32, #tpu.memory_space<vmem>>, vector<8x1x197xi32>
    %get3A_3 = arith.constant 0 : index
    %get3A_4 = arith.constant 0 : index
    %get3A_5 = arith.constant 0 : index
    %get3A_6 = vector.load %arg3[%get3A_3, %get3A_4, %get3A_5] : memref<32x1x197xf32, #tpu.memory_space<vmem>>, vector<8x1x197xf32>
    %eq3A = vector.broadcast %get3A_2 : vector<8x1x197xi32> to vector<8x56x197xi32>
    %eq3A_7 = arith.cmpi eq, %eq3A, %iota3A : vector<8x56x197xi32>
    %jit3A = arith.constant 0.000000e+00 : f32
    %broadcast_in_dim3A = vector.shape_cast %get3A_6 : vector<8x1x197xf32> to vector<8x1x197xf32>
    %broadcast_in_dim3A_8 = vector.broadcast %broadcast_in_dim3A : vector<8x1x197xf32> to vector<8x56x197xf32>
    %broadcast_in_dim3A_9 = vector.broadcast %jit3A : f32 to vector<8x56x197xf32>
    %select_n3A = arith.select %eq3A_7, %broadcast_in_dim3A_8, %broadcast_in_dim3A_9 : vector<8x56x197xi1>, vector<8x56x197xf32>
    %convert_element_type3A = arith.truncf %select_n3A : vector<8x56x197xf32> to vector<8x56x197xbf16>
    %get3A_10 = arith.constant 0 : index
    %get3A_11 = arith.constant 0 : index
    %get3A_12 = arith.constant 0 : index
    %get3A_13 = arith.constant 0 : index
    %get3A_14 = vector.load %arg1[%get3A_10, %get3A_11, %get3A_12, %get3A_13] : memref<4x8x56x384xbf16, #tpu.memory_space<vmem>>, vector<1x8x56x384xbf16>
    %get3A_15 = vector.shape_cast %get3A_14 : vector<1x8x56x384xbf16> to vector<8x56x384xbf16>
    %reshape3A = vector.shape_cast %get3A_15 : vector<8x56x384xbf16> to vector<448x384xbf16>
    %reshape3A_16 = vector.shape_cast %convert_element_type3A : vector<8x56x197xbf16> to vector<448x197xbf16>
    %dot_general3A = arith.constant dense<0.000000e+00> : vector<197x384xf32>
    %dot_general3A_17 = tpu.matmul %reshape3A_16, %reshape3A, %dot_general3A {dimension_numbers = #tpu.dot_dimension_numbers<[0], [0], [1], [1], [0, 1, 1, 1], [], []>, transpose_lhs_hint = false} : vector<448x197xbf16>, vector<448x384xbf16>, vector<197x384xf32> -> vector<197x384xf32>
    %get3A_18 = arith.constant 0 : index
    %get3A_19 = arith.constant 0 : index
    %get3A_20 = vector.load %arg4[%get3A_18, %get3A_19] : memref<197x1536xf32, #tpu.memory_space<vmem>>, vector<197x384xf32>
    %sub3A = arith.subf %dot_general3A_17, %get3A_20 : vector<197x384xf32>
    %swap3A = arith.constant 0 : index
    %swap3A_21 = arith.constant 0 : index
    %swap3A_22 = vector.load %arg5[%swap3A, %swap3A_21] : memref<197x1536xf32, #tpu.memory_space<vmem>>, vector<197x384xf32>
    tpu.vector_store %arg5[%swap3A, %swap3A_21], %sub3A {strides = array<i32>} : memref<197x1536xf32, #tpu.memory_space<vmem>>, vector<197x384xf32>,
    %get3A_23 = arith.constant 8 : index
    %get3A_24 = arith.constant 0 : index
    %get3A_25 = arith.constant 0 : index
    %get3A_26 = vector.load %arg2[%get3A_23, %get3A_24, %get3A_25] : memref<32x1x197xi32, #tpu.memory_space<vmem>>, vector<8x1x197xi32>
    %get3A_27 = arith.constant 8 : index
    %get3A_28 = arith.constant 0 : index
    %get3A_29 = arith.constant 0 : index
    %get3A_30 = vector.load %arg3[%get3A_27, %get3A_28, %get3A_29] : memref<32x1x197xf32, #tpu.memory_space<vmem>>, vector<8x1x197xf32>
    %eq3A_31 = vector.broadcast %get3A_26 : vector<8x1x197xi32> to vector<8x56x197xi32>
    %eq3A_32 = arith.cmpi eq, %eq3A_31, %iota3A : vector<8x56x197xi32>
    %jit3A_33 = arith.constant 0.000000e+00 : f32
    %broadcast_in_dim3A_34 = vector.shape_cast %get3A_30 : vector<8x1x197xf32> to vector<8x1x197xf32>
    %broadcast_in_dim3A_35 = vector.broadcast %broadcast_in_dim3A_34 : vector<8x1x197xf32> to vector<8x56x197xf32>
    %broadcast_in_dim3A_36 = vector.broadcast %jit3A_33 : f32 to vector<8x56x197xf32>
    %select_n3A_37 = arith.select %eq3A_32, %broadcast_in_dim3A_35, %broadcast_in_dim3A_36 : vector<8x56x197xi1>, vector<8x56x197xf32>
    %convert_element_type3A_38 = arith.truncf %select_n3A_37 : vector<8x56x197xf32> to vector<8x56x197xbf16>
    %get3A_39 = arith.constant 1 : index
    %get3A_40 = arith.constant 0 : index
    %get3A_41 = arith.constant 0 : index
    %get3A_42 = arith.constant 0 : index
    %get3A_43 = vector.load %arg1[%get3A_39, %get3A_40, %get3A_41, %get3A_42] : memref<4x8x56x384xbf16, #tpu.memory_space<vmem>>, vector<1x8x56x384xbf16>
    %get3A_44 = vector.shape_cast %get3A_43 : vector<1x8x56x384xbf16> to vector<8x56x384xbf16>
    %reshape3A_45 = vector.shape_cast %get3A_44 : vector<8x56x384xbf16> to vector<448x384xbf16>
    %reshape3A_46 = vector.shape_cast %convert_element_type3A_38 : vector<8x56x197xbf16> to vector<448x197xbf16>
    %dot_general3A_47 = arith.constant dense<0.000000e+00> : vector<197x384xf32>
    %dot_general3A_48 = tpu.matmul %reshape3A_46, %reshape3A_45, %dot_general3A_47 {dimension_numbers = #tpu.dot_dimension_numbers<[0], [0], [1], [1], [0, 1, 1, 1], [], []>, transpose_lhs_hint = false} : vector<448x197xbf16>, vector<448x384xbf16>, vector<197x384xf32> -> vector<197x384xf32>
    %get3A_49 = arith.constant 0 : index
    %get3A_50 = arith.constant 384 : index
    %get3A_51 = vector.load %arg4[%get3A_49, %get3A_50] : memref<197x1536xf32, #tpu.memory_space<vmem>>, vector<197x384xf32>
    %sub3A_52 = arith.subf %dot_general3A_48, %get3A_51 : vector<197x384xf32>
    %swap3A_53 = arith.constant 0 : index
    %swap3A_54 = arith.constant 384 : index
    %swap3A_55 = vector.load %arg5[%swap3A_53, %swap3A_54] : memref<197x1536xf32, #tpu.memory_space<vmem>>, vector<197x384xf32>
    tpu.vector_store %arg5[%swap3A_53, %swap3A_54], %sub3A_52 {strides = array<i32>} : memref<197x1536xf32, #tpu.memory_space<vmem>>, vector<197x384xf32>,
    %get3A_56 = arith.constant 16 : index
    %get3A_57 = arith.constant 0 : index
    %get3A_58 = arith.constant 0 : index
    %get3A_59 = vector.load %arg2[%get3A_56, %get3A_57, %get3A_58] : memref<32x1x197xi32, #tpu.memory_space<vmem>>, vector<8x1x197xi32>
    %get3A_60 = arith.constant 16 : index
    %get3A_61 = arith.constant 0 : index
    %get3A_62 = arith.constant 0 : index
    %get3A_63 = vector.load %arg3[%get3A_60, %get3A_61, %get3A_62] : memref<32x1x197xf32, #tpu.memory_space<vmem>>, vector<8x1x197xf32>
    %eq3A_64 = vector.broadcast %get3A_59 : vector<8x1x197xi32> to vector<8x56x197xi32>
    %eq3A_65 = arith.cmpi eq, %eq3A_64, %iota3A : vector<8x56x197xi32>
    %jit3A_66 = arith.constant 0.000000e+00 : f32
    %broadcast_in_dim3A_67 = vector.shape_cast %get3A_63 : vector<8x1x197xf32> to vector<8x1x197xf32>
    %broadcast_in_dim3A_68 = vector.broadcast %broadcast_in_dim3A_67 : vector<8x1x197xf32> to vector<8x56x197xf32>
    %broadcast_in_dim3A_69 = vector.broadcast %jit3A_66 : f32 to vector<8x56x197xf32>
    %select_n3A_70 = arith.select %eq3A_65, %broadcast_in_dim3A_68, %broadcast_in_dim3A_69 : vector<8x56x197xi1>, vector<8x56x197xf32>
    %convert_element_type3A_71 = arith.truncf %select_n3A_70 : vector<8x56x197xf32> to vector<8x56x197xbf16>
    %get3A_72 = arith.constant 2 : index
    %get3A_73 = arith.constant 0 : index
    %get3A_74 = arith.constant 0 : index
    %get3A_75 = arith.constant 0 : index
    %get3A_76 = vector.load %arg1[%get3A_72, %get3A_73, %get3A_74, %get3A_75] : memref<4x8x56x384xbf16, #tpu.memory_space<vmem>>, vector<1x8x56x384xbf16>
    %get3A_77 = vector.shape_cast %get3A_76 : vector<1x8x56x384xbf16> to vector<8x56x384xbf16>
    %reshape3A_78 = vector.shape_cast %get3A_77 : vector<8x56x384xbf16> to vector<448x384xbf16>
    %reshape3A_79 = vector.shape_cast %convert_element_type3A_71 : vector<8x56x197xbf16> to vector<448x197xbf16>
    %dot_general3A_80 = arith.constant dense<0.000000e+00> : vector<197x384xf32>
    %dot_general3A_81 = tpu.matmul %reshape3A_79, %reshape3A_78, %dot_general3A_80 {dimension_numbers = #tpu.dot_dimension_numbers<[0], [0], [1], [1], [0, 1, 1, 1], [], []>, transpose_lhs_hint = false} : vector<448x197xbf16>, vector<448x384xbf16>, vector<197x384xf32> -> vector<197x384xf32>
    %get3A_82 = arith.constant 0 : index
    %get3A_83 = arith.constant 768 : index
    %get3A_84 = vector.load %arg4[%get3A_82, %get3A_83] : memref<197x1536xf32, #tpu.memory_space<vmem>>, vector<197x384xf32>
    %sub3A_85 = arith.subf %dot_general3A_81, %get3A_84 : vector<197x384xf32>
    %swap3A_86 = arith.constant 0 : index
    %swap3A_87 = arith.constant 768 : index
    %swap3A_88 = vector.load %arg5[%swap3A_86, %swap3A_87] : memref<197x1536xf32, #tpu.memory_space<vmem>>, vector<197x384xf32>
    tpu.vector_store %arg5[%swap3A_86, %swap3A_87], %sub3A_85 {strides = array<i32>} : memref<197x1536xf32, #tpu.memory_space<vmem>>, vector<197x384xf32>,
    %get3A_89 = arith.constant 24 : index
    %get3A_90 = arith.constant 0 : index
    %get3A_91 = arith.constant 0 : index
    %get3A_92 = vector.load %arg2[%get3A_89, %get3A_90, %get3A_91] : memref<32x1x197xi32, #tpu.memory_space<vmem>>, vector<8x1x197xi32>
    %get3A_93 = arith.constant 24 : index
    %get3A_94 = arith.constant 0 : index
    %get3A_95 = arith.constant 0 : index
    %get3A_96 = vector.load %arg3[%get3A_93, %get3A_94, %get3A_95] : memref<32x1x197xf32, #tpu.memory_space<vmem>>, vector<8x1x197xf32>
    %eq3A_97 = vector.broadcast %get3A_92 : vector<8x1x197xi32> to vector<8x56x197xi32>
    %eq3A_98 = arith.cmpi eq, %eq3A_97, %iota3A : vector<8x56x197xi32>
    %jit3A_99 = arith.constant 0.000000e+00 : f32
    %broadcast_in_dim3A_100 = vector.shape_cast %get3A_96 : vector<8x1x197xf32> to vector<8x1x197xf32>
    %broadcast_in_dim3A_101 = vector.broadcast %broadcast_in_dim3A_100 : vector<8x1x197xf32> to vector<8x56x197xf32>
    %broadcast_in_dim3A_102 = vector.broadcast %jit3A_99 : f32 to vector<8x56x197xf32>
    %select_n3A_103 = arith.select %eq3A_98, %broadcast_in_dim3A_101, %broadcast_in_dim3A_102 : vector<8x56x197xi1>, vector<8x56x197xf32>
    %convert_element_type3A_104 = arith.truncf %select_n3A_103 : vector<8x56x197xf32> to vector<8x56x197xbf16>
    %get3A_105 = arith.constant 3 : index
    %get3A_106 = arith.constant 0 : index
    %get3A_107 = arith.constant 0 : index
    %get3A_108 = arith.constant 0 : index
    %get3A_109 = vector.load %arg1[%get3A_105, %get3A_106, %get3A_107, %get3A_108] : memref<4x8x56x384xbf16, #tpu.memory_space<vmem>>, vector<1x8x56x384xbf16>
    %get3A_110 = vector.shape_cast %get3A_109 : vector<1x8x56x384xbf16> to vector<8x56x384xbf16>
    %reshape3A_111 = vector.shape_cast %get3A_110 : vector<8x56x384xbf16> to vector<448x384xbf16>
    %reshape3A_112 = vector.shape_cast %convert_element_type3A_104 : vector<8x56x197xbf16> to vector<448x197xbf16>
    %dot_general3A_113 = arith.constant dense<0.000000e+00> : vector<197x384xf32>
    %dot_general3A_114 = tpu.matmul %reshape3A_112, %reshape3A_111, %dot_general3A_113 {dimension_numbers = #tpu.dot_dimension_numbers<[0], [0], [1], [1], [0, 1, 1, 1], [], []>, transpose_lhs_hint = false} : vector<448x197xbf16>, vector<448x384xbf16>, vector<197x384xf32> -> vector<197x384xf32>
    %get3A_115 = arith.constant 0 : index
    %get3A_116 = arith.constant 1152 : index
    %get3A_117 = vector.load %arg4[%get3A_115, %get3A_116] : memref<197x1536xf32, #tpu.memory_space<vmem>>, vector<197x384xf32>
    %sub3A_118 = arith.subf %dot_general3A_114, %get3A_117 : vector<197x384xf32>
    %swap3A_119 = arith.constant 0 : index
    %swap3A_120 = arith.constant 1152 : index
    %swap3A_121 = vector.load %arg5[%swap3A_119, %swap3A_120] : memref<197x1536xf32, #tpu.memory_space<vmem>>, vector<197x384xf32>
    tpu.vector_store %arg5[%swap3A_119, %swap3A_120], %sub3A_118 {strides = array<i32>} : memref<197x1536xf32, #tpu.memory_space<vmem>>, vector<197x384xf32>,
    return
  }
  func.func @transform_0(%arg0: i32) -> (i32, i32, i32, i32) {
    %c0_i32 = arith.constant 0 : i32
    %c0_i32_0 = arith.constant 0 : i32
    %c0_i32_1 = arith.constant 0 : i32
    %c0_i32_2 = arith.constant 0 : i32
    return %arg0, %c0_i32, %c0_i32_0, %c0_i32_1 : i32, i32, i32, i32
  }
  func.func @transform_1(%arg0: i32) -> (i32, i32, i32) {
    %c0_i32 = arith.constant 0 : i32
    %c0_i32_0 = arith.constant 0 : i32
    %c0_i32_1 = arith.constant 0 : i32
    return %arg0, %c0_i32, %c0_i32_0 : i32, i32, i32
  }
  func.func @transform_2(%arg0: i32) -> (i32, i32, i32) {
    %c0_i32 = arith.constant 0 : i32
    %c0_i32_0 = arith.constant 0 : i32
    %c0_i32_1 = arith.constant 0 : i32
    return %arg0, %c0_i32, %c0_i32_0 : i32, i32, i32
  }
  func.func @transform_3(%arg0: i32) -> (i32, i32) {
    %c0_i32 = arith.constant 0 : i32
    %c0_i32_0 = arith.constant 0 : i32
    return %c0_i32, %arg0 : i32, i32
  }
  func.func @transform_4(%arg0: i32) -> (i32, i32) {
    %c0_i32 = arith.constant 0 : i32
    %c0_i32_0 = arith.constant 0 : i32
    return %c0_i32, %arg0 : i32, i32
  }
}

</mosaic_0001>

<sc_bundles>
// kernel: kernel.6.cloned.1.call-start
scs
__scs_entry_jumppad:
0x0: {  	(pc) =	sbr.rel $0x88, $3  }
0x1: {  	(tag) =	ssettag $0x0;
	lr =	simm.s32 $0x1  }
0x2: {  	[smem:$0x3F98] =	sst lr;
	_ =	strace $0xD0000000  }
0x3: {  	_ = 	snop  }
0x4: {  	_ = 	snop  }
0x5: {  	_ = 	snop  }
0x6: {  	_ = 	snop  }
0x7: {  	_ = 	snop  }
__scs_overlays_trampoline_lowered:
0x8: {  	[smem:$0x3FA7] =	sst s0  }
0x9: {  	[smem:$0x3FA8] =	sst s1  }
0xa: {  	[smem:$0x3FA9] =	sst s2  }
0xb: {  	[smem:$0x3FAA] =	sst s3  }
0xc: {  	[smem:$0x3FAB] =	sst s4  }
0xd: {  	[smem:$0x3FAC] =	sst s5  }
0xe: {  	[smem:$0x3FAD] =	sst s6  }
0xf: {  	[smem:$0x3FAE] =	sst s7  }
0x10: {  	[smem:$0x3FAF] =	sst s8  }
0x11: {  	[smem:$0x3FB0] =	sst s9;
	s0 =	simm.s32 @!p0 $0x0  }
0x12: {  	s1 =	sld [smem:$0x3F96];
	s0 =	simm.s32 @p0 $0x1  }
0x13: {  	[smem:$0x3FB1] =	sst s0;
	s0 =	simm.s32 @!p1 $0x0  }
0x14: {  	s2 =	sld [smem:$0x3F95];
	s0 =	simm.s32 @p1 $0x1  }
0x15: {  	[smem:$0x3FB2] =	sst s0;
	s0 =	simm.s32 @!p2 $0x0  }
0x16: {  	s3 =	sld [smem:$0x3FDB];
	s0 =	simm.s32 @p2 $0x1  }
0x17: {  	s4 =	simm.s32 $0x1BF5;
	[smem:$0x3FB4] =	sst s0  }
0x18: {  	s0 =	sld [smem:$0x3F97];
	_ =	swait.ge [sflag:s4], $0x0  }
0x19: {  	s7 =	sld [smem:$0x3F98]  }
0x1a: {  	s8 =	sadd.s32 $0xFFFFE003, lr  }
0x1b: {  	s9 =	sadd.s32 $0xFFFFFEF7, lr;
	s5 =	simm.s32 $0xFFFFFFFF;
	p2 =	slt.u32 s8, $0xFFFFF086  }
0x1c: {  	p1 =	slt.u32 s9, $0xF7A;
	s5 =	simm.s32 @!p2 $0x0  }
0x1d: {  	s5 =	simm.s32 @p1 $0x1;
	p0 =	seq.s32 s7, s2  }
0x1e: {  	s7 =	smul.u32 @!p0 $0xF7A, s2;
	p2 =	seq.s32 @!p0 s5, $0x0  }
0x1f: {  	s9 =	smul.u32 $0xF7A, s1;
	s8 =	simm.s32 @!p0 $0x1BF5;
	p2 =	por !p2, p0  }
0x20: {  	[sflag:s8] =	ssyncset.s32 @!p0 $0xFFFFF086;
	s6 =	sadd.s32 @!p0 s3, s7;
	s7 =	simm.s32 @!p0 $0x108  }
0x21: {  	s3 =	sadd.s32 s3, s9;
	s6 =	sadd.s32 @!p0 $0x88, s6;
	s7 =	simm.s32 @p2 $0x1082  }
0x22: {  	[simem:s7], [sflag:s8] =	dma.local @!p0 [hbm:s6], $0xF7A  }
0x23: {  	s9 =	sor.u32 $0xD0000000, s2;
	s6 =	simm.s32 $0x108;
	_ =	swait.ge @!p0 [sflag:s8], $0x0  }
0x24: {  	s3 =	sadd.s32 $0x88, s3;
	s6 =	simm.s32 @!p1 $0x1082;
	[sflag:s4] =	ssyncset.s32 $0xFFFFF086  }
0x25: {  	[simem:s6], [sflag:s4] =	dma.local [hbm:s3], $0xF7A  }
0x26: {  	[smem:$0x3F98] =	sst s1;
	(tag) =	ssettag s2;
	_ =	strace s9  }
0x27: {  	s1 =	sld [smem:$0x3FA8]  }
0x28: {  	s2 =	sld [smem:$0x3FA9]  }
0x29: {  	s4 =	sld [smem:$0x3FAB]  }
0x2a: {  	p0 =	seq.s32 s5, $0x0;
	s5 =	sld [smem:$0x3FAC]  }
0x2b: {  	s6 =	sld [smem:$0x3FAD]  }
0x2c: {  	s7 =	sld [smem:$0x3FAE]  }
0x2d: {  	s3 =	simm.s32 $0x108;
	s8 =	sld [smem:$0x3FAF]  }
0x2e: {  	s3 =	simm.s32 @!p0 $0x1082;
	s9 =	sld [smem:$0x3FB0]  }
0x2f: {  	lr =	sadd.s32 s0, s3;
	s0 =	sld [smem:$0x3FA7]  }
0x30: {  	s3 =	sld [smem:$0x3FAA]  }
0x31: {  	[smem:$0x3FB3] =	sst s10  }
0x32: {  	s10 =	sld [smem:$0x3FB1];
	_ =	sdelay $0x3  }
0x33: {  	p0 =	seq.s32 s10, $0x1;
	s10 =	sld [smem:$0x3FB3];
	_ =	sdelay $0x3  }
0x34: {  	[smem:$0x3FB3] =	sst s10  }
0x35: {  	s10 =	sld [smem:$0x3FB2];
	_ =	sdelay $0x3  }
0x36: {  	p1 =	seq.s32 s10, $0x1;
	s10 =	sld [smem:$0x3FB3];
	_ =	sdelay $0x3  }
0x37: {  	[smem:$0x3FB3] =	sst s10  }
0x38: {  	s10 =	sld [smem:$0x3FB4]  }
0x39: {  	_ = 	snop;
	(pc) =	sbr.ind lr, $3  }
0x3a: {  	_ = 	snop  }
0x3b: {  	_ = 	snop  }
0x3c: {  	p2 =	seq.s32 s10, $0x1;
	s10 =	sld [smem:$0x3FB3]  }
0x3d: {  	_ =	shalt  }
0x3e: {  	_ =	shalt  }
0x3f: {  	_ =	shalt  }
0x40: {  	_ =	shalt  }
0x41: {  	_ =	shalt  }
0x42: {  	_ =	shalt  }
0x43: {  	_ =	shalt  }
0x44: {  	_ =	shalt  }
0x45: {  	_ =	shalt  }
0x46: {  	_ =	shalt  }
0x47: {  	_ =	shalt  }
0x48: {  	_ =	shalt  }
0x49: {  	_ =	shalt  }
0x4a: {  	_ =	shalt  }
0x4b: {  	_ =	shalt  }
0x4c: {  	_ =	shalt  }
0x4d: {  	_ =	shalt  }
0x4e: {  	_ =	shalt  }
0x4f: {  	_ =	shalt  }
0x50: {  	_ =	shalt  }
0x51: {  	_ =	shalt  }
0x52: {  	_ =	shalt  }
0x53: {  	_ =	shalt  }
0x54: {  	_ =	shalt  }
0x55: {  	_ =	shalt  }
0x56: {  	_ =	shalt  }
0x57: {  	_ =	shalt  }
0x58: {  	_ =	shalt  }
0x59: {  	_ =	shalt  }
0x5a: {  	_ =	shalt  }
0x5b: {  	_ =	shalt  }
0x5c: {  	_ =	shalt  }
0x5d: {  	_ =	shalt  }
0x5e: {  	_ =	shalt  }
0x5f: {  	_ =	shalt  }
0x60: {  	_ =	shalt  }
0x61: {  	_ =	shalt  }
0x62: {  	_ =	shalt  }
0x63: {  	_ =	shalt  }
0x64: {  	_ =	shalt  }
0x65: {  	_ =	shalt  }
0x66: {  	_ =	shalt  }
0x67: {  	_ =	shalt  }
0x68: {  	_ =	shalt  }
0x69: {  	_ =	shalt  }
0x6a: {  	_ =	shalt  }
0x6b: {  	_ =	shalt  }
0x6c: {  	_ =	shalt  }
0x6d: {  	_ =	shalt  }
0x6e: {  	_ =	shalt  }
0x6f: {  	_ =	shalt  }
0x70: {  	_ =	shalt  }
0x71: {  	_ =	shalt  }
0x72: {  	_ =	shalt  }
0x73: {  	_ =	shalt  }
0x74: {  	_ =	shalt  }
0x75: {  	_ =	shalt  }
0x76: {  	_ =	shalt  }
0x77: {  	_ =	shalt  }
0x78: {  	_ =	shalt  }
0x79: {  	_ =	shalt  }
0x7a: {  	_ =	shalt  }
0x7b: {  	_ =	shalt  }
0x7c: {  	_ =	shalt  }
0x7d: {  	_ =	shalt  }
0x7e: {  	_ =	shalt  }
0x7f: {  	_ =	shalt  }
0x80: {  	_ =	shalt  }
0x81: {  	_ =	shalt  }
0x82: {  	_ =	shalt  }
0x83: {  	_ =	shalt  }
0x84: {  	_ =	shalt  }
0x85: {  	_ =	shalt  }
0x86: {  	_ =	shalt  }
0x87: {  	_ =	shalt  }
.Lfunc_end0:
.L_simem_size_0:
called_computation_lowered:
.L_overlay_start_0:
0x88: {  	s2 =	sld [smem:$0x3FD9]  }
0x89: {  	s3 =	sld [smem:$0x3FFE];
	_ =	sdelay $0x1  }
0x8a: {  	s1 =	srdreg.scid  }
0x8b: {  	s0 =	sand.u32 $0x1, s1  }
0x8c: {  	s17 =	sshll.u32 s0, $0xA;
	s2 =	sadd.s32 s3, s2  }
0x8d: {  	s2 =	sadd.s32 s2, s17  }
0x8e: {  	[smem:$0x3FBF] =	sst s2  }
0x8f: {  	_ = 	snop  }
0x90: {  	s2 =	sld [smem:$0x3FC9]  }
0x91: {  	s18 =	sld [smem:$0x3FD0];
	(tm) =	ssettm $0x1  }
0x92: {  	s4 =	sld [smem:$0x3FFB];
	_ =	sdelay $0x3  }
0x93: {  	_ =	strace s4  }
0x94: {  	s4 =	sld [smem:$0x3FFC];
	_ =	sdelay $0x3  }
0x95: {  	_ =	strace s4  }
0x96: {  	s4 =	sld [smem:$0x3FFD];
	_ =	sdelay $0x3  }
0x97: {  	_ =	strace s4  }
0x98: {  	_ =	strace $0x8FFFFFFF  }
0x99: {  	s19 =	sld [smem:$0x3FDB];
	_ =	sdelay $0x1  }
0x9a: {  	s5 =	simm.s32 $_scs_section_size  }
0x9b: {  	s6 =	simm.s32 $_size__tile_overlayer_lowered;
	s7 =	simm.s32 $_tile_overlayer_lowered  }
0x9c: {  	s22 =	simm.s32 $0x1BFF;
	s21 =	sshll.u32 s7, $0x1;
	s4 =	sadd.s32 s5, s19  }
0x9d: {  	s8 =	simm.s32 $0x0;
	s20 =	sshll.u32 s6, $0x1;
	s6 =	sadd.s32 s21, s4  }
0x9e: {  	[timem:s8], [sflag:s22] =	dma.local [hbm:s6], s20  }
0x9f: {  	_ =	swait.ge [sflag:s22], s20  }
0xa0: {  	s5 =	ssub.s32 $0x0, s20;
	[sflag:s22] =	ssyncset.done $0x0  }
0xa1: {  	[sflag:s22] =	ssyncadd.s32 s5;
	_ =	sdelay $0x1  }
0xa2: {  	s23 =	simm.s32 $0x1B8B  }
0xa3: {  	_ =	swait.ge [sflag:s23], $0x1  }
0xa4: {  	[sflag:s23] =	ssyncset.done $0x0  }
0xa5: {  	s25 =	simm.s32 $0x1B8E;
	s24 =	sld [smem:$0x3FFE];
	[sflag:s23] =	ssyncadd.s32 $0xFFFFFFFF  }
0xa6: {  	s26 =	simm.s32 $execute0_lowered;
	[smem:$0x3FD2] =	sst s25  }
0xa7: {  	s6 =	sshll.u32 s26, $0x1;
	_ =	strace $0x80000046;
	[dreg:$0x1] =	wrdreg $0xFFFFFFFF  }
0xa8: {  	s28 =	simm.s32 $_size_execute0_lowered;
	s4 =	sadd.s32 s4, s6;
	[dreg:$0x0] =	wrdreg $0x0  }
0xa9: {  	s6 =	sshll.u32 s28, $0x1;
	[dreg:$0x2] =	wrdreg s4  }
0xaa: {  	[dreg:$0x3] =	wrdreg s6  }
0xab: {  	[dreg:$0x4] =	wrdreg $0xC0  }
0xac: {  	_ =	task [dreg:s8], $0x5FFFF  }
0xad: {  	[dreg:$0x1] =	wrdreg $0xFFFFFFFF  }
0xae: {  	[dreg:$0x0] =	wrdreg $0x60  }
0xaf: {  	[dreg:$0x2] =	wrdreg s2  }
0xb0: {  	[dreg:$0x3] =	wrdreg s18  }
0xb1: {  	[dreg:$0x4] =	wrdreg s24  }
0xb2: {  	[dreg:$0x5] =	wrdreg $0x9  }
0xb3: {  	_ =	task.clear_ibuf [dreg:s8], $0x6FFFF;
	_ =	strace $0x90000046  }
0xb4: {  	s29 =	simm.s32 $0x9;
	_ =	strace $0x80000048  }
0xb5: {  	_ =	swait.ge [sflag:s29], $0x1  }
0xb6: {  	[sflag:s29] =	ssyncadd.s32 $0xFFFFFFFF  }
0xb7: {  	_ =	strace $0x90000048  }
0xb8: {  	_ =	sfence  }
0xb9: {  	s30 =	sld [smem:$0x0];
	_ =	sdelay $0x2  }
0xba: {  	s31 =	sshll.u32 s1, $0xD;
	s1 =	sshrl.u32 s1, $0x2  }
0xbb: {  	s3 =	sand.u32 $0x4000, s31;
	s1 =	sadd.s32 s1, s30  }
0xbc: {  	s0 =	sor.u32 s3, s0;
	s1 =	sshll.u32 s1, $0x11  }
0xbd: {  	s0 =	sor.u32 s1, s0  }
0xbe: {  	s0 =	sadd.s32 $0x8F2B, s0  }
0xbf: {  	[sflag:s0] =	ssyncadd.remote.s32 $0x1  }
0xc0: {  	_ =	sfence.sel $0xFFFF  }
0xc1: {  	[dreg:$0x0] =	wrdreg $0xFFFFFFFF;
	(pc) =	sbr.abs _section_cstart, $3  }
0xc2: {  	[dreg:$0x1] =	wrdreg $0xFFFFFFFF  }
0xc3: {  	_ =	task.clear_ibuf [dreg:s8], $0x2FFFF;
	_ =	strace $0x9FFFFFFF  }
0xc4: {  	(tm) =	ssettm $0x7FFFFFFF  }
0xc5: {  	_ =	shalt  }
tec
execute0_lowered:
.L_overlay_start_1:
0x0: {  	(tag) =	ssettag $0x1  }
0x1: {  	s0 =	srdreg.scid;
	s2 =	stileid.u32  }
0x2: {  	s0 =	sand.u32 $0x1, s0;
	s2 =	sshll.u32 s2, $0x1  }
0x3: {  	s1 =	rddreg [dreg:$0x0];
	s2 =	sor.u32 s0, s2  }
0x4: {  	s4 =	rddreg [dreg:$0x1];
	s6 =	smul.u32 $0x2A000, s2  }
0x5: {  	s5 =	rddreg [dreg:$0x2]  }
0x6: {  	s3 =	simm.s32 $0x0;
	s2 =	sshll.u32 s2, $0x6;
	s6 =	sshrl.u32 s6, $0x3  }
0x7: {  	[smem:$0x7FF] =	sst s3;
	s2 =	sadd.s32 s4, s2;
	s5 =	sadd.s32 s6, s5  }
0x8: {  	_ =	strace $0x80000047;
	[dreg:$0x4] =	wrdreg s2;
	s22 =	sadd.s32 $0x1200, s5  }
0x9: {  	s16 =	simm.s32 $0x200;
	s23 =	sadd.s32 $0x1C80, s5;
	[dreg:$0x5] =	wrdreg s22  }
0xa: {  	s21 =	simm.s32 $0x1;
	s24 =	sadd.s32 $0x2700, s5;
	[dreg:$0x6] =	wrdreg s23  }
0xb: {  	s10 =	simm.s32 $0x2;
	s25 =	sadd.s32 $0x3180, s5;
	[dreg:$0x7] =	wrdreg s24  }
0xc: {  	s0 =	ssub.s32 $0x2, s0;
	s26 =	sadd.s32 $0x3C00, s5;
	[dreg:$0x8] =	wrdreg s25  }
0xd: {  	s28 =	sshrl.u32 s0, $0x1;
	s29 =	sadd.s32 $0x4680, s5;
	[dreg:$0x9] =	wrdreg s26  }
0xe: {  	v2 =	vlaneseq.u32;
	s0 =	ssub.s32 s0, s28;
	s30 =	sadd.s32 $0x5100, s5;
	[dreg:$0xa] =	wrdreg s29  }
0xf: {  	vm0 =	vmmov $0xffff;
	vm1 =	vmmov $0xff;
	v1 =	vshrl.u32 v2, $0x3;
	s4 =	sadd.s32 $0x100, s1;
	s31 =	sadd.s32 $0x5B80, s5;
	[dreg:$0xb] =	wrdreg s30  }
0x10: {  	v0 =	vand.u32 $0x7, v2;
	v2 =	vor.u32 $0x8, v2;
	v1 =	vmul.u32 $0x8, v1;
	s5 =	smax.u32 s0, $0x1;
	[dreg:$0xc] =	wrdreg s31;
	s22 =	simm.s32 $0x5600  }
.LBB2_1:
0x11: {  	s11 =	rddreg [dreg:$0x4];
	s0 =	simm.s32 $0x3  }
0x12: {  	[tilespmem:s3], [sflag:$0x3] =	stream.linear.gather [hbm4b:s11+s3], $0x200, $0x38;
	[tilespmem:$0xAA00] =	vst v63  }
0x13: {  	_ =	swait.ge [sflag:s0], $0x200  }
0x14: {  	[sflag:s0] =	ssyncset.done $0x0  }
0x15: {  	[sflag:s0] =	ssyncadd.s32 $0xFFFFFE00  }
0x16: {  	v3 =	vld [tilespmem:$0x0];
	_ =	sdelay $0x4  }
0x17: {  	v4 =	vshrl.u32 v3, $0x3  }
0x18: {  	v4 =	vmul.u32 $0x18, v4  }
0x19: {  	v3 =	vand.u32 $0x7, v3  }
0x1a: {  	v3 =	vor.u32 v3, v4  }
0x1b: {  	v4 =	vperm.xlane v3, v0;
	_ =	sdelay $0x1  }
0x1c: {  	v4 =	vadd.s32 v1, v4;
	_ =	sdelay $0x1  }
0x1d: {  	v3 =	vperm.xlane v3, v2;
	_ =	sdelay $0x1  }
0x1e: {  	v3 =	vadd.s32 v1, v3  }
0x1f: {  	[tilespmem:s16], [sflag:$0x1] =	stream.indirect_vreg.gather [hbm4b:s1+s3], $0x80, v4, vm0, $0xb8;
	[tilespmem:$0xAA00] =	vst v63  }
0x20: {  	s0 =	simm.s32 $0xA00  }
0x21: {  	[tilespmem:s0], [sflag:$0x1] =	stream.indirect_vreg.gather [hbm4b:s4+s3], $0x80, v4, vm1, $0xb8;
	[tilespmem:$0xAA00] =	vst v63  }
0x22: {  	s2 =	simm.s32 $0xE00  }
0x23: {  	[tilespmem:s2], [sflag:$0x1] =	stream.indirect_vreg.gather [hbm4b:s1+s3], $0x80, v3, vm0, $0xb8;
	[tilespmem:$0xAA00] =	vst v63  }
0x24: {  	s6 =	simm.s32 $0x1600  }
0x25: {  	[tilespmem:s6], [sflag:$0x1] =	stream.indirect_vreg.gather [hbm4b:s4+s3], $0x80, v3, vm1, $0xb8;
	[tilespmem:$0xAA00] =	vst v63  }
0x26: {  	v3 =	vld [tilespmem:$0x10];
	_ =	sdelay $0x4  }
0x27: {  	v33 =	vshrl.u32 v3, $0x3  }
0x28: {  	v4 =	vmul.u32 $0x18, v33  }
0x29: {  	v3 =	vand.u32 $0x7, v3  }
0x2a: {  	v3 =	vor.u32 v3, v4  }
0x2b: {  	v4 =	vperm.xlane v3, v0;
	_ =	sdelay $0x1  }
0x2c: {  	v4 =	vadd.s32 v1, v4;
	_ =	sdelay $0x1  }
0x2d: {  	v3 =	vperm.xlane v3, v2;
	_ =	sdelay $0x1  }
0x2e: {  	s7 =	simm.s32 $0x1A00;
	v3 =	vadd.s32 v1, v3  }
0x2f: {  	[tilespmem:s7], [sflag:$0x1] =	stream.indirect_vreg.gather [hbm4b:s1+s3], $0x80, v4, vm0, $0xb8;
	[tilespmem:$0xAA00] =	vst v63  }
0x30: {  	s11 =	simm.s32 $0x2200  }
0x31: {  	[tilespmem:s11], [sflag:$0x1] =	stream.indirect_vreg.gather [hbm4b:s4+s3], $0x80, v4, vm1, $0xb8;
	[tilespmem:$0xAA00] =	vst v63  }
0x32: {  	s12 =	simm.s32 $0x2600  }
0x33: {  	[tilespmem:s12], [sflag:$0x1] =	stream.indirect_vreg.gather [hbm4b:s1+s3], $0x80, v3, vm0, $0xb8;
	[tilespmem:$0xAA00] =	vst v63  }
0x34: {  	s13 =	simm.s32 $0x2E00  }
0x35: {  	[tilespmem:s13], [sflag:$0x1] =	stream.indirect_vreg.gather [hbm4b:s4+s3], $0x80, v3, vm1, $0xb8;
	[tilespmem:$0xAA00] =	vst v63  }
0x36: {  	v3 =	vld [tilespmem:$0x20];
	_ =	sdelay $0x4  }
0x37: {  	v34 =	vshrl.u32 v3, $0x3  }
0x38: {  	v4 =	vmul.u32 $0x18, v34  }
0x39: {  	v3 =	vand.u32 $0x7, v3  }
0x3a: {  	v3 =	vor.u32 v3, v4  }
0x3b: {  	v4 =	vperm.xlane v3, v0;
	_ =	sdelay $0x1  }
0x3c: {  	v4 =	vadd.s32 v1, v4;
	_ =	sdelay $0x1  }
0x3d: {  	v3 =	vperm.xlane v3, v2;
	_ =	sdelay $0x1  }
0x3e: {  	s14 =	simm.s32 $0x3200;
	v3 =	vadd.s32 v1, v3  }
0x3f: {  	[tilespmem:s14], [sflag:$0x1] =	stream.indirect_vreg.gather [hbm4b:s1+s3], $0x80, v4, vm0, $0xb8;
	[tilespmem:$0xAA00] =	vst v63  }
0x40: {  	s15 =	simm.s32 $0x3A00  }
0x41: {  	[tilespmem:s15], [sflag:$0x1] =	stream.indirect_vreg.gather [hbm4b:s4+s3], $0x80, v4, vm1, $0xb8;
	[tilespmem:$0xAA00] =	vst v63  }
0x42: {  	s17 =	simm.s32 $0x3E00  }
0x43: {  	[tilespmem:s17], [sflag:$0x1] =	stream.indirect_vreg.gather [hbm4b:s1+s3], $0x80, v3, vm0, $0xb8;
	[tilespmem:$0xAA00] =	vst v63  }
0x44: {  	s18 =	simm.s32 $0x4600  }
0x45: {  	[tilespmem:s18], [sflag:$0x1] =	stream.indirect_vreg.gather [hbm4b:s4+s3], $0x80, v3, vm1, $0xb8;
	[tilespmem:$0xAA00] =	vst v63  }
0x46: {  	v3 =	vld.msk [tilespmem:$0x30], $0xff;
	_ =	sdelay $0x4  }
0x47: {  	v35 =	vshrl.u32 v3, $0x3  }
0x48: {  	v4 =	vmul.u32 $0x18, v35  }
0x49: {  	v3 =	vand.u32 $0x7, v3  }
0x4a: {  	v3 =	vor.u32 v3, v4  }
0x4b: {  	v3 =	vperm.xlane v3, v0;
	_ =	sdelay $0x1  }
0x4c: {  	v3 =	vadd.s32 v1, v3;
	_ =	sdelay $0x3  }
0x4d: {  	s19 =	simm.s32 $0x4A00  }
0x4e: {  	[tilespmem:s19], [sflag:$0x1] =	stream.indirect_vreg.gather [hbm4b:s1+s3], $0x80, v3, vm0, $0xb8;
	[tilespmem:$0xAA00] =	vst v63  }
0x4f: {  	s26 =	simm.s32 $0x5200  }
0x50: {  	[tilespmem:s26], [sflag:$0x1] =	stream.indirect_vreg.gather [hbm4b:s4+s3], $0x80, v3, vm1, $0xb8;
	[tilespmem:$0xAA00] =	vst v63  }
0x51: {  	_ =	swait.ge [sflag:s21], $0x5400  }
0x52: {  	[sflag:s21] =	ssyncset.done $0x0  }
0x53: {  	s28 =	rddreg [dreg:$0x5];
	[sflag:s21] =	ssyncadd.s32 $0xFFFFAC00  }
0x54: {  	[hbm4b:s28+s3] =	stream.linear.scatter [tilespmem:s16], [sflag:$0x2], $0x5400, $0x38;
	[tilespmem:$0xAA00] =	vst v63  }
0x55: {  	v3 =	vld [tilespmem:$0x38];
	_ =	sdelay $0x4  }
0x56: {  	v36 =	vshrl.u32 v3, $0x3  }
0x57: {  	v4 =	vmul.u32 $0x18, v36  }
0x58: {  	v3 =	vand.u32 $0x7, v3  }
0x59: {  	v3 =	vor.u32 v3, v4  }
0x5a: {  	v4 =	vperm.xlane v3, v0;
	_ =	sdelay $0x1  }
0x5b: {  	v4 =	vadd.s32 v1, v4;
	_ =	sdelay $0x1  }
0x5c: {  	v3 =	vperm.xlane v3, v2;
	_ =	sdelay $0x1  }
0x5d: {  	v3 =	vadd.s32 v1, v3  }
0x5e: {  	[tilespmem:s22], [sflag:$0x1] =	stream.indirect_vreg.gather [hbm4b:s1+s3], $0x80, v4, vm0, $0xb8;
	[tilespmem:$0xAA00] =	vst v63  }
0x5f: {  	s30 =	simm.s32 $0x5E00  }
0x60: {  	[tilespmem:s30], [sflag:$0x1] =	stream.indirect_vreg.gather [hbm4b:s4+s3], $0x80, v4, vm1, $0xb8;
	[tilespmem:$0xAA00] =	vst v63  }
0x61: {  	s31 =	simm.s32 $0x6200  }
0x62: {  	[tilespmem:s31], [sflag:$0x1] =	stream.indirect_vreg.gather [hbm4b:s1+s3], $0x80, v3, vm0, $0xb8;
	[tilespmem:$0xAA00] =	vst v63  }
0x63: {  	s7 =	simm.s32 $0x6A00  }
0x64: {  	[tilespmem:s7], [sflag:$0x1] =	stream.indirect_vreg.gather [hbm4b:s4+s3], $0x80, v3, vm1, $0xb8;
	[tilespmem:$0xAA00] =	vst v63  }
0x65: {  	v3 =	vld [tilespmem:$0x48];
	_ =	sdelay $0x4  }
0x66: {  	v37 =	vshrl.u32 v3, $0x3  }
0x67: {  	v4 =	vmul.u32 $0x18, v37  }
0x68: {  	v3 =	vand.u32 $0x7, v3  }
0x69: {  	v3 =	vor.u32 v3, v4  }
0x6a: {  	v4 =	vperm.xlane v3, v0;
	_ =	sdelay $0x1  }
0x6b: {  	v4 =	vadd.s32 v1, v4;
	_ =	sdelay $0x1  }
0x6c: {  	v3 =	vperm.xlane v3, v2;
	_ =	sdelay $0x1  }
0x6d: {  	s11 =	simm.s32 $0x6E00;
	v3 =	vadd.s32 v1, v3  }
0x6e: {  	[tilespmem:s11], [sflag:$0x1] =	stream.indirect_vreg.gather [hbm4b:s1+s3], $0x80, v4, vm0, $0xb8;
	[tilespmem:$0xAA00] =	vst v63  }
0x6f: {  	s14 =	simm.s32 $0x7600  }
0x70: {  	[tilespmem:s14], [sflag:$0x1] =	stream.indirect_vreg.gather [hbm4b:s4+s3], $0x80, v4, vm1, $0xb8;
	[tilespmem:$0xAA00] =	vst v63  }
0x71: {  	s15 =	simm.s32 $0x7A00  }
0x72: {  	[tilespmem:s15], [sflag:$0x1] =	stream.indirect_vreg.gather [hbm4b:s1+s3], $0x80, v3, vm0, $0xb8;
	[tilespmem:$0xAA00] =	vst v63  }
0x73: {  	s17 =	simm.s32 $0x8200  }
0x74: {  	[tilespmem:s17], [sflag:$0x1] =	stream.indirect_vreg.gather [hbm4b:s4+s3], $0x80, v3, vm1, $0xb8;
	[tilespmem:$0xAA00] =	vst v63  }
0x75: {  	v3 =	vld [tilespmem:$0x58];
	_ =	sdelay $0x4  }
0x76: {  	v38 =	vshrl.u32 v3, $0x3  }
0x77: {  	v4 =	vmul.u32 $0x18, v38  }
0x78: {  	v3 =	vand.u32 $0x7, v3  }
0x79: {  	v3 =	vor.u32 v3, v4  }
0x7a: {  	v4 =	vperm.xlane v3, v0;
	_ =	sdelay $0x1  }
0x7b: {  	v4 =	vadd.s32 v1, v4;
	_ =	sdelay $0x1  }
0x7c: {  	v3 =	vperm.xlane v3, v2;
	_ =	sdelay $0x1  }
0x7d: {  	s18 =	simm.s32 $0x8600;
	v3 =	vadd.s32 v1, v3  }
0x7e: {  	[tilespmem:s18], [sflag:$0x1] =	stream.indirect_vreg.gather [hbm4b:s1+s3], $0x80, v4, vm0, $0xb8;
	[tilespmem:$0xAA00] =	vst v63  }
0x7f: {  	s19 =	simm.s32 $0x8E00  }
0x80: {  	[tilespmem:s19], [sflag:$0x1] =	stream.indirect_vreg.gather [hbm4b:s4+s3], $0x80, v4, vm1, $0xb8;
	[tilespmem:$0xAA00] =	vst v63  }
0x81: {  	s26 =	simm.s32 $0x9200  }
0x82: {  	[tilespmem:s26], [sflag:$0x1] =	stream.indirect_vreg.gather [hbm4b:s1+s3], $0x80, v3, vm0, $0xb8;
	[tilespmem:$0xAA00] =	vst v63  }
0x83: {  	s28 =	simm.s32 $0x9A00  }
0x84: {  	[tilespmem:s28], [sflag:$0x1] =	stream.indirect_vreg.gather [hbm4b:s4+s3], $0x80, v3, vm1, $0xb8;
	[tilespmem:$0xAA00] =	vst v63  }
0x85: {  	v3 =	vld.msk [tilespmem:$0x68], $0xff;
	_ =	sdelay $0x4  }
0x86: {  	v39 =	vshrl.u32 v3, $0x3  }
0x87: {  	v4 =	vmul.u32 $0x18, v39  }
0x88: {  	v3 =	vand.u32 $0x7, v3  }
0x89: {  	v3 =	vor.u32 v3, v4  }
0x8a: {  	v3 =	vperm.xlane v3, v0;
	_ =	sdelay $0x1  }
0x8b: {  	v3 =	vadd.s32 v1, v3;
	_ =	sdelay $0x3  }
0x8c: {  	s30 =	simm.s32 $0x9E00  }
0x8d: {  	[tilespmem:s30], [sflag:$0x1] =	stream.indirect_vreg.gather [hbm4b:s1+s3], $0x80, v3, vm0, $0xb8;
	[tilespmem:$0xAA00] =	vst v63  }
0x8e: {  	s31 =	simm.s32 $0xA600  }
0x8f: {  	[tilespmem:s31], [sflag:$0x1] =	stream.indirect_vreg.gather [hbm4b:s4+s3], $0x80, v3, vm1, $0xb8;
	[tilespmem:$0xAA00] =	vst v63  }
0x90: {  	_ =	swait.ge [sflag:s21], $0x5400  }
0x91: {  	[sflag:s21] =	ssyncset.done $0x0  }
0x92: {  	s0 =	rddreg [dreg:$0x6];
	[sflag:s21] =	ssyncadd.s32 $0xFFFFAC00  }
0x93: {  	[hbm4b:s0+s3] =	stream.linear.scatter [tilespmem:s22], [sflag:$0x2], $0x5400, $0x38;
	[tilespmem:$0xAA00] =	vst v63  }
0x94: {  	_ =	swait.ge [sflag:s10], $0x5400  }
0x95: {  	[sflag:s10] =	ssyncset.done $0x0  }
0x96: {  	[sflag:s10] =	ssyncadd.s32 $0xFFFFAC00  }
0x97: {  	v3 =	vld [tilespmem:$0x70];
	_ =	sdelay $0x4  }
0x98: {  	v40 =	vshrl.u32 v3, $0x3  }
0x99: {  	v4 =	vmul.u32 $0x18, v40  }
0x9a: {  	v3 =	vand.u32 $0x7, v3  }
0x9b: {  	v3 =	vor.u32 v3, v4  }
0x9c: {  	v4 =	vperm.xlane v3, v0;
	_ =	sdelay $0x1  }
0x9d: {  	v4 =	vadd.s32 v1, v4;
	_ =	sdelay $0x1  }
0x9e: {  	v3 =	vperm.xlane v3, v2;
	_ =	sdelay $0x1  }
0x9f: {  	v3 =	vadd.s32 v1, v3  }
0xa0: {  	[tilespmem:s16], [sflag:$0x1] =	stream.indirect_vreg.gather [hbm4b:s1+s3], $0x80, v4, vm0, $0xb8;
	[tilespmem:$0xAA00] =	vst v63  }
0xa1: {  	s8 =	simm.s32 $0xA00  }
0xa2: {  	[tilespmem:s8], [sflag:$0x1] =	stream.indirect_vreg.gather [hbm4b:s4+s3], $0x80, v4, vm1, $0xb8;
	[tilespmem:$0xAA00] =	vst v63  }
0xa3: {  	s9 =	simm.s32 $0xE00  }
0xa4: {  	[tilespmem:s9], [sflag:$0x1] =	stream.indirect_vreg.gather [hbm4b:s1+s3], $0x80, v3, vm0, $0xb8;
	[tilespmem:$0xAA00] =	vst v63  }
0xa5: {  	s25 =	simm.s32 $0x1600  }
0xa6: {  	[tilespmem:s25], [sflag:$0x1] =	stream.indirect_vreg.gather [hbm4b:s4+s3], $0x80, v3, vm1, $0xb8;
	[tilespmem:$0xAA00] =	vst v63  }
0xa7: {  	v3 =	vld [tilespmem:$0x80];
	_ =	sdelay $0x4  }
0xa8: {  	v41 =	vshrl.u32 v3, $0x3  }
0xa9: {  	v4 =	vmul.u32 $0x18, v41  }
0xaa: {  	v3 =	vand.u32 $0x7, v3  }
0xab: {  	v3 =	vor.u32 v3, v4  }
0xac: {  	v4 =	vperm.xlane v3, v0;
	_ =	sdelay $0x1  }
0xad: {  	v4 =	vadd.s32 v1, v4;
	_ =	sdelay $0x1  }
0xae: {  	v3 =	vperm.xlane v3, v2;
	_ =	sdelay $0x1  }
0xaf: {  	s29 =	simm.s32 $0x1A00;
	v3 =	vadd.s32 v1, v3  }
0xb0: {  	[tilespmem:s29], [sflag:$0x1] =	stream.indirect_vreg.gather [hbm4b:s1+s3], $0x80, v4, vm0, $0xb8;
	[tilespmem:$0xAA00] =	vst v63  }
0xb1: {  	s2 =	simm.s32 $0x2200  }
0xb2: {  	[tilespmem:s2], [sflag:$0x1] =	stream.indirect_vreg.gather [hbm4b:s4+s3], $0x80, v4, vm1, $0xb8;
	[tilespmem:$0xAA00] =	vst v63  }
0xb3: {  	s6 =	simm.s32 $0x2600  }
0xb4: {  	[tilespmem:s6], [sflag:$0x1] =	stream.indirect_vreg.gather [hbm4b:s1+s3], $0x80, v3, vm0, $0xb8;
	[tilespmem:$0xAA00] =	vst v63  }
0xb5: {  	s12 =	simm.s32 $0x2E00  }
0xb6: {  	[tilespmem:s12], [sflag:$0x1] =	stream.indirect_vreg.gather [hbm4b:s4+s3], $0x80, v3, vm1, $0xb8;
	[tilespmem:$0xAA00] =	vst v63  }
0xb7: {  	v3 =	vld [tilespmem:$0x90];
	_ =	sdelay $0x4  }
0xb8: {  	v42 =	vshrl.u32 v3, $0x3  }
0xb9: {  	v4 =	vmul.u32 $0x18, v42  }
0xba: {  	v3 =	vand.u32 $0x7, v3  }
0xbb: {  	v3 =	vor.u32 v3, v4  }
0xbc: {  	v4 =	vperm.xlane v3, v0;
	_ =	sdelay $0x1  }
0xbd: {  	v4 =	vadd.s32 v1, v4;
	_ =	sdelay $0x1  }
0xbe: {  	v3 =	vperm.xlane v3, v2;
	_ =	sdelay $0x1  }
0xbf: {  	s13 =	simm.s32 $0x3200;
	v3 =	vadd.s32 v1, v3  }
0xc0: {  	[tilespmem:s13], [sflag:$0x1] =	stream.indirect_vreg.gather [hbm4b:s1+s3], $0x80, v4, vm0, $0xb8;
	[tilespmem:$0xAA00] =	vst v63  }
0xc1: {  	s20 =	simm.s32 $0x3A00  }
0xc2: {  	[tilespmem:s20], [sflag:$0x1] =	stream.indirect_vreg.gather [hbm4b:s4+s3], $0x80, v4, vm1, $0xb8;
	[tilespmem:$0xAA00] =	vst v63  }
0xc3: {  	s23 =	simm.s32 $0x3E00  }
0xc4: {  	[tilespmem:s23], [sflag:$0x1] =	stream.indirect_vreg.gather [hbm4b:s1+s3], $0x80, v3, vm0, $0xb8;
	[tilespmem:$0xAA00] =	vst v63  }
0xc5: {  	s24 =	simm.s32 $0x4600  }
0xc6: {  	[tilespmem:s24], [sflag:$0x1] =	stream.indirect_vreg.gather [hbm4b:s4+s3], $0x80, v3, vm1, $0xb8;
	[tilespmem:$0xAA00] =	vst v63  }
0xc7: {  	v3 =	vld.msk [tilespmem:$0xA0], $0xff;
	_ =	sdelay $0x4  }
0xc8: {  	v43 =	vshrl.u32 v3, $0x3  }
0xc9: {  	v4 =	vmul.u32 $0x18, v43  }
0xca: {  	v3 =	vand.u32 $0x7, v3  }
0xcb: {  	v3 =	vor.u32 v3, v4  }
0xcc: {  	v3 =	vperm.xlane v3, v0;
	_ =	sdelay $0x1  }
0xcd: {  	v3 =	vadd.s32 v1, v3;
	_ =	sdelay $0x3  }
0xce: {  	s8 =	simm.s32 $0x4A00  }
0xcf: {  	[tilespmem:s8], [sflag:$0x1] =	stream.indirect_vreg.gather [hbm4b:s1+s3], $0x80, v3, vm0, $0xb8;
	[tilespmem:$0xAA00] =	vst v63  }
0xd0: {  	s9 =	simm.s32 $0x5200  }
0xd1: {  	[tilespmem:s9], [sflag:$0x1] =	stream.indirect_vreg.gather [hbm4b:s4+s3], $0x80, v3, vm1, $0xb8;
	[tilespmem:$0xAA00] =	vst v63  }
0xd2: {  	_ =	swait.ge [sflag:s21], $0x5400  }
0xd3: {  	[sflag:s21] =	ssyncset.done $0x0  }
0xd4: {  	s13 =	rddreg [dreg:$0x7];
	[sflag:s21] =	ssyncadd.s32 $0xFFFFAC00  }
0xd5: {  	[hbm4b:s13+s3] =	stream.linear.scatter [tilespmem:s16], [sflag:$0x2], $0x5400, $0x38;
	[tilespmem:$0xAA00] =	vst v63  }
0xd6: {  	_ =	swait.ge [sflag:s10], $0x5400  }
0xd7: {  	[sflag:s10] =	ssyncset.done $0x0  }
0xd8: {  	[sflag:s10] =	ssyncadd.s32 $0xFFFFAC00  }
0xd9: {  	v3 =	vld [tilespmem:$0xA8];
	_ =	sdelay $0x4  }
0xda: {  	v44 =	vshrl.u32 v3, $0x3  }
0xdb: {  	v4 =	vmul.u32 $0x18, v44  }
0xdc: {  	v3 =	vand.u32 $0x7, v3  }
0xdd: {  	v3 =	vor.u32 v3, v4  }
0xde: {  	v4 =	vperm.xlane v3, v0;
	_ =	sdelay $0x1  }
0xdf: {  	v4 =	vadd.s32 v1, v4;
	_ =	sdelay $0x1  }
0xe0: {  	v3 =	vperm.xlane v3, v2;
	_ =	sdelay $0x1  }
0xe1: {  	v3 =	vadd.s32 v1, v3  }
0xe2: {  	[tilespmem:s22], [sflag:$0x1] =	stream.indirect_vreg.gather [hbm4b:s1+s3], $0x80, v4, vm0, $0xb8;
	[tilespmem:$0xAA00] =	vst v63  }
0xe3: {  	s2 =	simm.s32 $0x5E00  }
0xe4: {  	[tilespmem:s2], [sflag:$0x1] =	stream.indirect_vreg.gather [hbm4b:s4+s3], $0x80, v4, vm1, $0xb8;
	[tilespmem:$0xAA00] =	vst v63  }
0xe5: {  	s6 =	simm.s32 $0x6200  }
0xe6: {  	[tilespmem:s6], [sflag:$0x1] =	stream.indirect_vreg.gather [hbm4b:s1+s3], $0x80, v3, vm0, $0xb8;
	[tilespmem:$0xAA00] =	vst v63  }
0xe7: {  	s7 =	simm.s32 $0x6A00  }
0xe8: {  	[tilespmem:s7], [sflag:$0x1] =	stream.indirect_vreg.gather [hbm4b:s4+s3], $0x80, v3, vm1, $0xb8;
	[tilespmem:$0xAA00] =	vst v63  }
0xe9: {  	v3 =	vld [tilespmem:$0xB8];
	_ =	sdelay $0x4  }
0xea: {  	v45 =	vshrl.u32 v3, $0x3  }
0xeb: {  	v4 =	vmul.u32 $0x18, v45  }
0xec: {  	v3 =	vand.u32 $0x7, v3  }
0xed: {  	v3 =	vor.u32 v3, v4  }
0xee: {  	v4 =	vperm.xlane v3, v0;
	_ =	sdelay $0x1  }
0xef: {  	v4 =	vadd.s32 v1, v4;
	_ =	sdelay $0x1  }
0xf0: {  	v3 =	vperm.xlane v3, v2;
	_ =	sdelay $0x1  }
0xf1: {  	s7 =	simm.s32 $0x6E00;
	v3 =	vadd.s32 v1, v3  }
0xf2: {  	[tilespmem:s7], [sflag:$0x1] =	stream.indirect_vreg.gather [hbm4b:s1+s3], $0x80, v4, vm0, $0xb8;
	[tilespmem:$0xAA00] =	vst v63  }
0xf3: {  	s0 =	simm.s32 $0x7600  }
0xf4: {  	[tilespmem:s0], [sflag:$0x1] =	stream.indirect_vreg.gather [hbm4b:s4+s3], $0x80, v4, vm1, $0xb8;
	[tilespmem:$0xAA00] =	vst v63  }
0xf5: {  	s14 =	simm.s32 $0x7A00  }
0xf6: {  	[tilespmem:s14], [sflag:$0x1] =	stream.indirect_vreg.gather [hbm4b:s1+s3], $0x80, v3, vm0, $0xb8;
	[tilespmem:$0xAA00] =	vst v63  }
0xf7: {  	s14 =	simm.s32 $0x8200  }
0xf8: {  	[tilespmem:s14], [sflag:$0x1] =	stream.indirect_vreg.gather [hbm4b:s4+s3], $0x80, v3, vm1, $0xb8;
	[tilespmem:$0xAA00] =	vst v63  }
0xf9: {  	v3 =	vld [tilespmem:$0xC8];
	_ =	sdelay $0x4  }
0xfa: {  	v46 =	vshrl.u32 v3, $0x3  }
0xfb: {  	v4 =	vmul.u32 $0x18, v46  }
0xfc: {  	v3 =	vand.u32 $0x7, v3  }
0xfd: {  	v3 =	vor.u32 v3, v4  }
0xfe: {  	v4 =	vperm.xlane v3, v0;
	_ =	sdelay $0x1  }
0xff: {  	v4 =	vadd.s32 v1, v4;
	_ =	sdelay $0x1  }
0x100: {  	v3 =	vperm.xlane v3, v2;
	_ =	sdelay $0x1  }
0x101: {  	s17 =	simm.s32 $0x8600;
	v3 =	vadd.s32 v1, v3  }
0x102: {  	[tilespmem:s17], [sflag:$0x1] =	stream.indirect_vreg.gather [hbm4b:s1+s3], $0x80, v4, vm0, $0xb8;
	[tilespmem:$0xAA00] =	vst v63  }
0x103: {  	s18 =	simm.s32 $0x8E00  }
0x104: {  	[tilespmem:s18], [sflag:$0x1] =	stream.indirect_vreg.gather [hbm4b:s4+s3], $0x80, v4, vm1, $0xb8;
	[tilespmem:$0xAA00] =	vst v63  }
0x105: {  	s20 =	simm.s32 $0x9200  }
0x106: {  	[tilespmem:s20], [sflag:$0x1] =	stream.indirect_vreg.gather [hbm4b:s1+s3], $0x80, v3, vm0, $0xb8;
	[tilespmem:$0xAA00] =	vst v63  }
0x107: {  	s15 =	simm.s32 $0x9A00  }
0x108: {  	[tilespmem:s15], [sflag:$0x1] =	stream.indirect_vreg.gather [hbm4b:s4+s3], $0x80, v3, vm1, $0xb8;
	[tilespmem:$0xAA00] =	vst v63  }
0x109: {  	v3 =	vld.msk [tilespmem:$0xD8], $0xff;
	_ =	sdelay $0x4  }
0x10a: {  	v47 =	vshrl.u32 v3, $0x3  }
0x10b: {  	v4 =	vmul.u32 $0x18, v47  }
0x10c: {  	v3 =	vand.u32 $0x7, v3  }
0x10d: {  	v3 =	vor.u32 v3, v4  }
0x10e: {  	v3 =	vperm.xlane v3, v0;
	_ =	sdelay $0x1  }
0x10f: {  	v3 =	vadd.s32 v1, v3;
	_ =	sdelay $0x3  }
0x110: {  	s23 =	simm.s32 $0x9E00  }
0x111: {  	[tilespmem:s23], [sflag:$0x1] =	stream.indirect_vreg.gather [hbm4b:s1+s3], $0x80, v3, vm0, $0xb8;
	[tilespmem:$0xAA00] =	vst v63  }
0x112: {  	s19 =	simm.s32 $0xA600  }
0x113: {  	[tilespmem:s19], [sflag:$0x1] =	stream.indirect_vreg.gather [hbm4b:s4+s3], $0x80, v3, vm1, $0xb8;
	[tilespmem:$0xAA00] =	vst v63  }
0x114: {  	_ =	swait.ge [sflag:s21], $0x5400  }
0x115: {  	[sflag:s21] =	ssyncset.done $0x0  }
0x116: {  	s19 =	rddreg [dreg:$0x8];
	[sflag:s21] =	ssyncadd.s32 $0xFFFFAC00  }
0x117: {  	[hbm4b:s19+s3] =	stream.linear.scatter [tilespmem:s22], [sflag:$0x2], $0x5400, $0x38;
	[tilespmem:$0xAA00] =	vst v63  }
0x118: {  	_ =	swait.ge [sflag:s10], $0x5400  }
0x119: {  	[sflag:s10] =	ssyncset.done $0x0  }
0x11a: {  	[sflag:s10] =	ssyncadd.s32 $0xFFFFAC00  }
0x11b: {  	v3 =	vld [tilespmem:$0xE0];
	_ =	sdelay $0x4  }
0x11c: {  	v48 =	vshrl.u32 v3, $0x3  }
0x11d: {  	v4 =	vmul.u32 $0x18, v48  }
0x11e: {  	v3 =	vand.u32 $0x7, v3  }
0x11f: {  	v3 =	vor.u32 v3, v4  }
0x120: {  	v4 =	vperm.xlane v3, v0;
	_ =	sdelay $0x1  }
0x121: {  	v4 =	vadd.s32 v1, v4;
	_ =	sdelay $0x1  }
0x122: {  	v3 =	vperm.xlane v3, v2;
	_ =	sdelay $0x1  }
0x123: {  	v3 =	vadd.s32 v1, v3  }
0x124: {  	[tilespmem:s16], [sflag:$0x1] =	stream.indirect_vreg.gather [hbm4b:s1+s3], $0x80, v4, vm0, $0xb8;
	[tilespmem:$0xAA00] =	vst v63  }
0x125: {  	s19 =	simm.s32 $0xA00  }
0x126: {  	[tilespmem:s19], [sflag:$0x1] =	stream.indirect_vreg.gather [hbm4b:s4+s3], $0x80, v4, vm1, $0xb8;
	[tilespmem:$0xAA00] =	vst v63  }
0x127: {  	s19 =	simm.s32 $0xE00  }
0x128: {  	[tilespmem:s19], [sflag:$0x1] =	stream.indirect_vreg.gather [hbm4b:s1+s3], $0x80, v3, vm0, $0xb8;
	[tilespmem:$0xAA00] =	vst v63  }
0x129: {  	s19 =	simm.s32 $0x1600  }
0x12a: {  	[tilespmem:s19], [sflag:$0x1] =	stream.indirect_vreg.gather [hbm4b:s4+s3], $0x80, v3, vm1, $0xb8;
	[tilespmem:$0xAA00] =	vst v63  }
0x12b: {  	v3 =	vld [tilespmem:$0xF0];
	_ =	sdelay $0x4  }
0x12c: {  	v49 =	vshrl.u32 v3, $0x3  }
0x12d: {  	v4 =	vmul.u32 $0x18, v49  }
0x12e: {  	v3 =	vand.u32 $0x7, v3  }
0x12f: {  	v3 =	vor.u32 v3, v4  }
0x130: {  	v4 =	vperm.xlane v3, v0;
	_ =	sdelay $0x1  }
0x131: {  	v4 =	vadd.s32 v1, v4;
	_ =	sdelay $0x1  }
0x132: {  	v3 =	vperm.xlane v3, v2;
	_ =	sdelay $0x1  }
0x133: {  	s19 =	simm.s32 $0x1A00;
	v3 =	vadd.s32 v1, v3  }
0x134: {  	[tilespmem:s19], [sflag:$0x1] =	stream.indirect_vreg.gather [hbm4b:s1+s3], $0x80, v4, vm0, $0xb8;
	[tilespmem:$0xAA00] =	vst v63  }
0x135: {  	s25 =	simm.s32 $0x2200  }
0x136: {  	[tilespmem:s25], [sflag:$0x1] =	stream.indirect_vreg.gather [hbm4b:s4+s3], $0x80, v4, vm1, $0xb8;
	[tilespmem:$0xAA00] =	vst v63  }
0x137: {  	s29 =	simm.s32 $0x2600  }
0x138: {  	[tilespmem:s29], [sflag:$0x1] =	stream.indirect_vreg.gather [hbm4b:s1+s3], $0x80, v3, vm0, $0xb8;
	[tilespmem:$0xAA00] =	vst v63  }
0x139: {  	s30 =	simm.s32 $0x2E00  }
0x13a: {  	[tilespmem:s30], [sflag:$0x1] =	stream.indirect_vreg.gather [hbm4b:s4+s3], $0x80, v3, vm1, $0xb8;
	[tilespmem:$0xAA00] =	vst v63  }
0x13b: {  	v3 =	vld [tilespmem:$0x100];
	_ =	sdelay $0x4  }
0x13c: {  	v50 =	vshrl.u32 v3, $0x3  }
0x13d: {  	v4 =	vmul.u32 $0x18, v50  }
0x13e: {  	v3 =	vand.u32 $0x7, v3  }
0x13f: {  	v3 =	vor.u32 v3, v4  }
0x140: {  	v4 =	vperm.xlane v3, v0;
	_ =	sdelay $0x1  }
0x141: {  	v4 =	vadd.s32 v1, v4;
	_ =	sdelay $0x1  }
0x142: {  	v3 =	vperm.xlane v3, v2;
	_ =	sdelay $0x1  }
0x143: {  	s31 =	simm.s32 $0x3200;
	v3 =	vadd.s32 v1, v3  }
0x144: {  	[tilespmem:s31], [sflag:$0x1] =	stream.indirect_vreg.gather [hbm4b:s1+s3], $0x80, v4, vm0, $0xb8;
	[tilespmem:$0xAA00] =	vst v63  }
0x145: {  	s26 =	simm.s32 $0x3A00  }
0x146: {  	[tilespmem:s26], [sflag:$0x1] =	stream.indirect_vreg.gather [hbm4b:s4+s3], $0x80, v4, vm1, $0xb8;
	[tilespmem:$0xAA00] =	vst v63  }
0x147: {  	s28 =	simm.s32 $0x3E00  }
0x148: {  	[tilespmem:s28], [sflag:$0x1] =	stream.indirect_vreg.gather [hbm4b:s1+s3], $0x80, v3, vm0, $0xb8;
	[tilespmem:$0xAA00] =	vst v63  }
0x149: {  	s28 =	simm.s32 $0x4600  }
0x14a: {  	[tilespmem:s28], [sflag:$0x1] =	stream.indirect_vreg.gather [hbm4b:s4+s3], $0x80, v3, vm1, $0xb8;
	[tilespmem:$0xAA00] =	vst v63  }
0x14b: {  	v3 =	vld.msk [tilespmem:$0x110], $0xff;
	_ =	sdelay $0x4  }
0x14c: {  	v51 =	vshrl.u32 v3, $0x3  }
0x14d: {  	v4 =	vmul.u32 $0x18, v51  }
0x14e: {  	v3 =	vand.u32 $0x7, v3  }
0x14f: {  	v3 =	vor.u32 v3, v4  }
0x150: {  	v3 =	vperm.xlane v3, v0;
	_ =	sdelay $0x1  }
0x151: {  	v3 =	vadd.s32 v1, v3;
	_ =	sdelay $0x4  }
0x152: {  	[tilespmem:s8], [sflag:$0x1] =	stream.indirect_vreg.gather [hbm4b:s1+s3], $0x80, v3, vm0, $0xb8;
	[tilespmem:$0xAA00] =	vst v63  }
0x153: {  	_ = 	snop  }
0x154: {  	[tilespmem:s9], [sflag:$0x1] =	stream.indirect_vreg.gather [hbm4b:s4+s3], $0x80, v3, vm1, $0xb8;
	[tilespmem:$0xAA00] =	vst v63  }
0x155: {  	_ =	swait.ge [sflag:s21], $0x5400  }
0x156: {  	[sflag:s21] =	ssyncset.done $0x0  }
0x157: {  	s9 =	rddreg [dreg:$0x9];
	[sflag:s21] =	ssyncadd.s32 $0xFFFFAC00  }
0x158: {  	[hbm4b:s9+s3] =	stream.linear.scatter [tilespmem:s16], [sflag:$0x2], $0x5400, $0x38;
	[tilespmem:$0xAA00] =	vst v63  }
0x159: {  	_ =	swait.ge [sflag:s10], $0x5400  }
0x15a: {  	[sflag:s10] =	ssyncset.done $0x0  }
0x15b: {  	[sflag:s10] =	ssyncadd.s32 $0xFFFFAC00  }
0x15c: {  	v3 =	vld [tilespmem:$0x118];
	_ =	sdelay $0x4  }
0x15d: {  	v52 =	vshrl.u32 v3, $0x3  }
0x15e: {  	v4 =	vmul.u32 $0x18, v52  }
0x15f: {  	v3 =	vand.u32 $0x7, v3  }
0x160: {  	v3 =	vor.u32 v3, v4  }
0x161: {  	v4 =	vperm.xlane v3, v0;
	_ =	sdelay $0x1  }
0x162: {  	v4 =	vadd.s32 v1, v4;
	_ =	sdelay $0x1  }
0x163: {  	v3 =	vperm.xlane v3, v2;
	_ =	sdelay $0x1  }
0x164: {  	v3 =	vadd.s32 v1, v3  }
0x165: {  	[tilespmem:s22], [sflag:$0x1] =	stream.indirect_vreg.gather [hbm4b:s1+s3], $0x80, v4, vm0, $0xb8;
	[tilespmem:$0xAA00] =	vst v63  }
0x166: {  	_ = 	snop  }
0x167: {  	[tilespmem:s2], [sflag:$0x1] =	stream.indirect_vreg.gather [hbm4b:s4+s3], $0x80, v4, vm1, $0xb8;
	[tilespmem:$0xAA00] =	vst v63  }
0x168: {  	_ = 	snop  }
0x169: {  	[tilespmem:s6], [sflag:$0x1] =	stream.indirect_vreg.gather [hbm4b:s1+s3], $0x80, v3, vm0, $0xb8;
	[tilespmem:$0xAA00] =	vst v63  }
0x16a: {  	s24 =	simm.s32 $0x6A00  }
0x16b: {  	[tilespmem:s24], [sflag:$0x1] =	stream.indirect_vreg.gather [hbm4b:s4+s3], $0x80, v3, vm1, $0xb8;
	[tilespmem:$0xAA00] =	vst v63  }
0x16c: {  	v3 =	vld [tilespmem:$0x128];
	_ =	sdelay $0x4  }
0x16d: {  	v53 =	vshrl.u32 v3, $0x3  }
0x16e: {  	v4 =	vmul.u32 $0x18, v53  }
0x16f: {  	v3 =	vand.u32 $0x7, v3  }
0x170: {  	v3 =	vor.u32 v3, v4  }
0x171: {  	v4 =	vperm.xlane v3, v0;
	_ =	sdelay $0x1  }
0x172: {  	v4 =	vadd.s32 v1, v4;
	_ =	sdelay $0x1  }
0x173: {  	v3 =	vperm.xlane v3, v2;
	_ =	sdelay $0x1  }
0x174: {  	v3 =	vadd.s32 v1, v3  }
0x175: {  	[tilespmem:s7], [sflag:$0x1] =	stream.indirect_vreg.gather [hbm4b:s1+s3], $0x80, v4, vm0, $0xb8;
	[tilespmem:$0xAA00] =	vst v63  }
0x176: {  	_ = 	snop  }
0x177: {  	[tilespmem:s0], [sflag:$0x1] =	stream.indirect_vreg.gather [hbm4b:s4+s3], $0x80, v4, vm1, $0xb8;
	[tilespmem:$0xAA00] =	vst v63  }
0x178: {  	s12 =	simm.s32 $0x7A00  }
0x179: {  	[tilespmem:s12], [sflag:$0x1] =	stream.indirect_vreg.gather [hbm4b:s1+s3], $0x80, v3, vm0, $0xb8;
	[tilespmem:$0xAA00] =	vst v63  }
0x17a: {  	_ = 	snop  }
0x17b: {  	[tilespmem:s14], [sflag:$0x1] =	stream.indirect_vreg.gather [hbm4b:s4+s3], $0x80, v3, vm1, $0xb8;
	[tilespmem:$0xAA00] =	vst v63  }
0x17c: {  	v3 =	vld [tilespmem:$0x138];
	_ =	sdelay $0x4  }
0x17d: {  	v54 =	vshrl.u32 v3, $0x3  }
0x17e: {  	v4 =	vmul.u32 $0x18, v54  }
0x17f: {  	v3 =	vand.u32 $0x7, v3  }
0x180: {  	v3 =	vor.u32 v3, v4  }
0x181: {  	v4 =	vperm.xlane v3, v0;
	_ =	sdelay $0x1  }
0x182: {  	v4 =	vadd.s32 v1, v4;
	_ =	sdelay $0x1  }
0x183: {  	v3 =	vperm.xlane v3, v2;
	_ =	sdelay $0x1  }
0x184: {  	s13 =	simm.s32 $0x8600;
	v3 =	vadd.s32 v1, v3  }
0x185: {  	[tilespmem:s13], [sflag:$0x1] =	stream.indirect_vreg.gather [hbm4b:s1+s3], $0x80, v4, vm0, $0xb8;
	[tilespmem:$0xAA00] =	vst v63  }
0x186: {  	s18 =	simm.s32 $0x8E00  }
0x187: {  	[tilespmem:s18], [sflag:$0x1] =	stream.indirect_vreg.gather [hbm4b:s4+s3], $0x80, v4, vm1, $0xb8;
	[tilespmem:$0xAA00] =	vst v63  }
0x188: {  	s17 =	simm.s32 $0x9200  }
0x189: {  	[tilespmem:s17], [sflag:$0x1] =	stream.indirect_vreg.gather [hbm4b:s1+s3], $0x80, v3, vm0, $0xb8;
	[tilespmem:$0xAA00] =	vst v63  }
0x18a: {  	s15 =	simm.s32 $0x9A00  }
0x18b: {  	[tilespmem:s15], [sflag:$0x1] =	stream.indirect_vreg.gather [hbm4b:s4+s3], $0x80, v3, vm1, $0xb8;
	[tilespmem:$0xAA00] =	vst v63  }
0x18c: {  	v3 =	vld.msk [tilespmem:$0x148], $0xff;
	_ =	sdelay $0x4  }
0x18d: {  	v55 =	vshrl.u32 v3, $0x3  }
0x18e: {  	v4 =	vmul.u32 $0x18, v55  }
0x18f: {  	v3 =	vand.u32 $0x7, v3  }
0x190: {  	v3 =	vor.u32 v3, v4  }
0x191: {  	v3 =	vperm.xlane v3, v0;
	_ =	sdelay $0x1  }
0x192: {  	v3 =	vadd.s32 v1, v3;
	_ =	sdelay $0x3  }
0x193: {  	s20 =	simm.s32 $0x9E00  }
0x194: {  	[tilespmem:s20], [sflag:$0x1] =	stream.indirect_vreg.gather [hbm4b:s1+s3], $0x80, v3, vm0, $0xb8;
	[tilespmem:$0xAA00] =	vst v63  }
0x195: {  	s23 =	simm.s32 $0xA600  }
0x196: {  	[tilespmem:s23], [sflag:$0x1] =	stream.indirect_vreg.gather [hbm4b:s4+s3], $0x80, v3, vm1, $0xb8;
	[tilespmem:$0xAA00] =	vst v63  }
0x197: {  	_ =	swait.ge [sflag:s21], $0x5400  }
0x198: {  	[sflag:s21] =	ssyncset.done $0x0  }
0x199: {  	s18 =	rddreg [dreg:$0xa];
	[sflag:s21] =	ssyncadd.s32 $0xFFFFAC00  }
0x19a: {  	[hbm4b:s18+s3] =	stream.linear.scatter [tilespmem:s22], [sflag:$0x2], $0x5400, $0x38;
	[tilespmem:$0xAA00] =	vst v63  }
0x19b: {  	_ =	swait.ge [sflag:s10], $0x5400  }
0x19c: {  	[sflag:s10] =	ssyncset.done $0x0  }
0x19d: {  	[sflag:s10] =	ssyncadd.s32 $0xFFFFAC00  }
0x19e: {  	v3 =	vld [tilespmem:$0x150];
	_ =	sdelay $0x4  }
0x19f: {  	v56 =	vshrl.u32 v3, $0x3  }
0x1a0: {  	v4 =	vmul.u32 $0x18, v56  }
0x1a1: {  	v3 =	vand.u32 $0x7, v3  }
0x1a2: {  	v3 =	vor.u32 v3, v4  }
0x1a3: {  	v4 =	vperm.xlane v3, v0;
	_ =	sdelay $0x1  }
0x1a4: {  	v4 =	vadd.s32 v1, v4;
	_ =	sdelay $0x1  }
0x1a5: {  	v3 =	vperm.xlane v3, v2;
	_ =	sdelay $0x1  }
0x1a6: {  	v3 =	vadd.s32 v1, v3  }
0x1a7: {  	[tilespmem:s16], [sflag:$0x1] =	stream.indirect_vreg.gather [hbm4b:s1+s3], $0x80, v4, vm0, $0xb8;
	[tilespmem:$0xAA00] =	vst v63  }
0x1a8: {  	s20 =	simm.s32 $0xA00  }
0x1a9: {  	[tilespmem:s20], [sflag:$0x1] =	stream.indirect_vreg.gather [hbm4b:s4+s3], $0x80, v4, vm1, $0xb8;
	[tilespmem:$0xAA00] =	vst v63  }
0x1aa: {  	s23 =	simm.s32 $0xE00  }
0x1ab: {  	[tilespmem:s23], [sflag:$0x1] =	stream.indirect_vreg.gather [hbm4b:s1+s3], $0x80, v3, vm0, $0xb8;
	[tilespmem:$0xAA00] =	vst v63  }
0x1ac: {  	s18 =	simm.s32 $0x1600  }
0x1ad: {  	[tilespmem:s18], [sflag:$0x1] =	stream.indirect_vreg.gather [hbm4b:s4+s3], $0x80, v3, vm1, $0xb8;
	[tilespmem:$0xAA00] =	vst v63  }
0x1ae: {  	v3 =	vld [tilespmem:$0x160];
	_ =	sdelay $0x4  }
0x1af: {  	v57 =	vshrl.u32 v3, $0x3  }
0x1b0: {  	v4 =	vmul.u32 $0x18, v57  }
0x1b1: {  	v3 =	vand.u32 $0x7, v3  }
0x1b2: {  	v3 =	vor.u32 v3, v4  }
0x1b3: {  	v4 =	vperm.xlane v3, v0;
	_ =	sdelay $0x1  }
0x1b4: {  	v4 =	vadd.s32 v1, v4;
	_ =	sdelay $0x1  }
0x1b5: {  	v3 =	vperm.xlane v3, v2;
	_ =	sdelay $0x1  }
0x1b6: {  	s20 =	simm.s32 $0x1A00;
	v3 =	vadd.s32 v1, v3  }
0x1b7: {  	[tilespmem:s20], [sflag:$0x1] =	stream.indirect_vreg.gather [hbm4b:s1+s3], $0x80, v4, vm0, $0xb8;
	[tilespmem:$0xAA00] =	vst v63  }
0x1b8: {  	s25 =	simm.s32 $0x2200  }
0x1b9: {  	[tilespmem:s25], [sflag:$0x1] =	stream.indirect_vreg.gather [hbm4b:s4+s3], $0x80, v4, vm1, $0xb8;
	[tilespmem:$0xAA00] =	vst v63  }
0x1ba: {  	s29 =	simm.s32 $0x2600  }
0x1bb: {  	[tilespmem:s29], [sflag:$0x1] =	stream.indirect_vreg.gather [hbm4b:s1+s3], $0x80, v3, vm0, $0xb8;
	[tilespmem:$0xAA00] =	vst v63  }
0x1bc: {  	s30 =	simm.s32 $0x2E00  }
0x1bd: {  	[tilespmem:s30], [sflag:$0x1] =	stream.indirect_vreg.gather [hbm4b:s4+s3], $0x80, v3, vm1, $0xb8;
	[tilespmem:$0xAA00] =	vst v63  }
0x1be: {  	v3 =	vld [tilespmem:$0x170];
	_ =	sdelay $0x4  }
0x1bf: {  	v58 =	vshrl.u32 v3, $0x3  }
0x1c0: {  	v4 =	vmul.u32 $0x18, v58  }
0x1c1: {  	v3 =	vand.u32 $0x7, v3  }
0x1c2: {  	v3 =	vor.u32 v3, v4  }
0x1c3: {  	v4 =	vperm.xlane v3, v0;
	_ =	sdelay $0x1  }
0x1c4: {  	v4 =	vadd.s32 v1, v4;
	_ =	sdelay $0x1  }
0x1c5: {  	v3 =	vperm.xlane v3, v2;
	_ =	sdelay $0x1  }
0x1c6: {  	s31 =	simm.s32 $0x3200;
	v3 =	vadd.s32 v1, v3  }
0x1c7: {  	[tilespmem:s31], [sflag:$0x1] =	stream.indirect_vreg.gather [hbm4b:s1+s3], $0x80, v4, vm0, $0xb8;
	[tilespmem:$0xAA00] =	vst v63  }
0x1c8: {  	s23 =	simm.s32 $0x3A00  }
0x1c9: {  	[tilespmem:s23], [sflag:$0x1] =	stream.indirect_vreg.gather [hbm4b:s4+s3], $0x80, v4, vm1, $0xb8;
	[tilespmem:$0xAA00] =	vst v63  }
0x1ca: {  	s25 =	simm.s32 $0x3E00  }
0x1cb: {  	[tilespmem:s25], [sflag:$0x1] =	stream.indirect_vreg.gather [hbm4b:s1+s3], $0x80, v3, vm0, $0xb8;
	[tilespmem:$0xAA00] =	vst v63  }
0x1cc: {  	s29 =	simm.s32 $0x4600  }
0x1cd: {  	[tilespmem:s29], [sflag:$0x1] =	stream.indirect_vreg.gather [hbm4b:s4+s3], $0x80, v3, vm1, $0xb8;
	[tilespmem:$0xAA00] =	vst v63  }
0x1ce: {  	v3 =	vld.msk [tilespmem:$0x180], $0xff;
	_ =	sdelay $0x4  }
0x1cf: {  	v59 =	vshrl.u32 v3, $0x3  }
0x1d0: {  	v4 =	vmul.u32 $0x18, v59  }
0x1d1: {  	v3 =	vand.u32 $0x7, v3  }
0x1d2: {  	v3 =	vor.u32 v3, v4  }
0x1d3: {  	v3 =	vperm.xlane v3, v0;
	_ =	sdelay $0x1  }
0x1d4: {  	v3 =	vadd.s32 v1, v3;
	_ =	sdelay $0x3  }
0x1d5: {  	s26 =	simm.s32 $0x4A00  }
0x1d6: {  	[tilespmem:s26], [sflag:$0x1] =	stream.indirect_vreg.gather [hbm4b:s1+s3], $0x80, v3, vm0, $0xb8;
	[tilespmem:$0xAA00] =	vst v63  }
0x1d7: {  	s28 =	simm.s32 $0x5200  }
0x1d8: {  	[tilespmem:s28], [sflag:$0x1] =	stream.indirect_vreg.gather [hbm4b:s4+s3], $0x80, v3, vm1, $0xb8;
	[tilespmem:$0xAA00] =	vst v63  }
0x1d9: {  	_ =	swait.ge [sflag:s21], $0x5400  }
0x1da: {  	[sflag:s21] =	ssyncset.done $0x0  }
0x1db: {  	s30 =	rddreg [dreg:$0xb];
	[sflag:s21] =	ssyncadd.s32 $0xFFFFAC00  }
0x1dc: {  	[hbm4b:s30+s3] =	stream.linear.scatter [tilespmem:s16], [sflag:$0x2], $0x5400, $0x38;
	[tilespmem:$0xAA00] =	vst v63  }
0x1dd: {  	_ =	swait.ge [sflag:s10], $0x5400  }
0x1de: {  	[sflag:s10] =	ssyncset.done $0x0  }
0x1df: {  	[sflag:s10] =	ssyncadd.s32 $0xFFFFAC00  }
0x1e0: {  	v3 =	vld [tilespmem:$0x188];
	_ =	sdelay $0x4  }
0x1e1: {  	v60 =	vshrl.u32 v3, $0x3  }
0x1e2: {  	v4 =	vmul.u32 $0x18, v60  }
0x1e3: {  	v3 =	vand.u32 $0x7, v3  }
0x1e4: {  	v3 =	vor.u32 v3, v4  }
0x1e5: {  	v4 =	vperm.xlane v3, v0;
	_ =	sdelay $0x1  }
0x1e6: {  	v4 =	vadd.s32 v1, v4;
	_ =	sdelay $0x1  }
0x1e7: {  	v3 =	vperm.xlane v3, v2;
	_ =	sdelay $0x1  }
0x1e8: {  	v3 =	vadd.s32 v1, v3  }
0x1e9: {  	[tilespmem:s22], [sflag:$0x1] =	stream.indirect_vreg.gather [hbm4b:s1+s3], $0x80, v4, vm0, $0xb8;
	[tilespmem:$0xAA00] =	vst v63  }
0x1ea: {  	s2 =	simm.s32 $0x5E00  }
0x1eb: {  	[tilespmem:s2], [sflag:$0x1] =	stream.indirect_vreg.gather [hbm4b:s4+s3], $0x80, v4, vm1, $0xb8;
	[tilespmem:$0xAA00] =	vst v63  }
0x1ec: {  	s6 =	simm.s32 $0x6200  }
0x1ed: {  	[tilespmem:s6], [sflag:$0x1] =	stream.indirect_vreg.gather [hbm4b:s1+s3], $0x80, v3, vm0, $0xb8;
	[tilespmem:$0xAA00] =	vst v63  }
0x1ee: {  	s24 =	simm.s32 $0x6A00  }
0x1ef: {  	[tilespmem:s24], [sflag:$0x1] =	stream.indirect_vreg.gather [hbm4b:s4+s3], $0x80, v3, vm1, $0xb8;
	[tilespmem:$0xAA00] =	vst v63  }
0x1f0: {  	v3 =	vld [tilespmem:$0x198];
	_ =	sdelay $0x4  }
0x1f1: {  	v61 =	vshrl.u32 v3, $0x3  }
0x1f2: {  	v4 =	vmul.u32 $0x18, v61  }
0x1f3: {  	v3 =	vand.u32 $0x7, v3  }
0x1f4: {  	v3 =	vor.u32 v3, v4  }
0x1f5: {  	v4 =	vperm.xlane v3, v0;
	_ =	sdelay $0x1  }
0x1f6: {  	v4 =	vadd.s32 v1, v4;
	_ =	sdelay $0x1  }
0x1f7: {  	v3 =	vperm.xlane v3, v2;
	_ =	sdelay $0x1  }
0x1f8: {  	s7 =	simm.s32 $0x6E00;
	v3 =	vadd.s32 v1, v3  }
0x1f9: {  	[tilespmem:s7], [sflag:$0x1] =	stream.indirect_vreg.gather [hbm4b:s1+s3], $0x80, v4, vm0, $0xb8;
	[tilespmem:$0xAA00] =	vst v63  }
0x1fa: {  	s0 =	simm.s32 $0x7600  }
0x1fb: {  	[tilespmem:s0], [sflag:$0x1] =	stream.indirect_vreg.gather [hbm4b:s4+s3], $0x80, v4, vm1, $0xb8;
	[tilespmem:$0xAA00] =	vst v63  }
0x1fc: {  	s8 =	simm.s32 $0x7A00  }
0x1fd: {  	[tilespmem:s8], [sflag:$0x1] =	stream.indirect_vreg.gather [hbm4b:s1+s3], $0x80, v3, vm0, $0xb8;
	[tilespmem:$0xAA00] =	vst v63  }
0x1fe: {  	s9 =	simm.s32 $0x8200  }
0x1ff: {  	[tilespmem:s9], [sflag:$0x1] =	stream.indirect_vreg.gather [hbm4b:s4+s3], $0x80, v3, vm1, $0xb8;
	[tilespmem:$0xAA00] =	vst v63  }
0x200: {  	v3 =	vld [tilespmem:$0x1A8];
	_ =	sdelay $0x4  }
0x201: {  	v62 =	vshrl.u32 v3, $0x3  }
0x202: {  	v4 =	vmul.u32 $0x18, v62  }
0x203: {  	v3 =	vand.u32 $0x7, v3  }
0x204: {  	v3 =	vor.u32 v3, v4  }
0x205: {  	v4 =	vperm.xlane v3, v0;
	_ =	sdelay $0x1  }
0x206: {  	v4 =	vadd.s32 v1, v4;
	_ =	sdelay $0x1  }
0x207: {  	v3 =	vperm.xlane v3, v2;
	_ =	sdelay $0x1  }
0x208: {  	s12 =	simm.s32 $0x8600;
	v3 =	vadd.s32 v1, v3  }
0x209: {  	[tilespmem:s12], [sflag:$0x1] =	stream.indirect_vreg.gather [hbm4b:s1+s3], $0x80, v4, vm0, $0xb8;
	[tilespmem:$0xAA00] =	vst v63  }
0x20a: {  	s19 =	simm.s32 $0x8E00  }
0x20b: {  	[tilespmem:s19], [sflag:$0x1] =	stream.indirect_vreg.gather [hbm4b:s4+s3], $0x80, v4, vm1, $0xb8;
	[tilespmem:$0xAA00] =	vst v63  }
0x20c: {  	s14 =	simm.s32 $0x9200  }
0x20d: {  	[tilespmem:s14], [sflag:$0x1] =	stream.indirect_vreg.gather [hbm4b:s1+s3], $0x80, v3, vm0, $0xb8;
	[tilespmem:$0xAA00] =	vst v63  }
0x20e: {  	s13 =	simm.s32 $0x9A00  }
0x20f: {  	[tilespmem:s13], [sflag:$0x1] =	stream.indirect_vreg.gather [hbm4b:s4+s3], $0x80, v3, vm1, $0xb8;
	[tilespmem:$0xAA00] =	vst v63  }
0x210: {  	v3 =	vld.msk [tilespmem:$0x1B8], $0xff;
	_ =	sdelay $0x4  }
0x211: {  	v63 =	vshrl.u32 v3, $0x3  }
0x212: {  	v4 =	vmul.u32 $0x18, v63  }
0x213: {  	v3 =	vand.u32 $0x7, v3  }
0x214: {  	v3 =	vor.u32 v3, v4  }
0x215: {  	v3 =	vperm.xlane v3, v0;
	_ =	sdelay $0x1  }
0x216: {  	v3 =	vadd.s32 v1, v3;
	_ =	sdelay $0x3  }
0x217: {  	s15 =	simm.s32 $0x9E00  }
0x218: {  	[tilespmem:s15], [sflag:$0x1] =	stream.indirect_vreg.gather [hbm4b:s1+s3], $0x80, v3, vm0, $0xb8;
	[tilespmem:$0xAA00] =	vst v63  }
0x219: {  	s17 =	simm.s32 $0xA600  }
0x21a: {  	[tilespmem:s17], [sflag:$0x1] =	stream.indirect_vreg.gather [hbm4b:s4+s3], $0x80, v3, vm1, $0xb8;
	[tilespmem:$0xAA00] =	vst v63  }
0x21b: {  	_ =	swait.ge [sflag:s21], $0x5400  }
0x21c: {  	[sflag:s21] =	ssyncset.done $0x0  }
0x21d: {  	s31 =	rddreg [dreg:$0xc];
	[sflag:s21] =	ssyncadd.s32 $0xFFFFAC00  }
0x21e: {  	[hbm4b:s31+s3] =	stream.linear.scatter [tilespmem:s22], [sflag:$0x2], $0x5400, $0x38;
	[tilespmem:$0xAA00] =	vst v63  }
0x21f: {  	p0 =	sne.s32 s5, $0x1;
	_ =	swait.ge [sflag:s10], $0x5400  }
.Ltmp0:
0x220: {  	[sflag:s10] =	ssyncset.done $0x0;
	(pc) =	sbr.rel @p0 .LBB2_1-.Ltmp0, $4  }
0x221: {  	[sflag:s10] =	ssyncadd.s32 $0xFFFFAC00  }
0x222: {  	_ =	swait.ge [sflag:s10], $0x5400  }
0x223: {  	[sflag:s10] =	ssyncset.done $0x0  }
0x224: {  	s5 =	sadd.s32 $0xFFFFFFFF, s5;
	[sflag:s10] =	ssyncadd.s32 $0xFFFFAC00  }
0x225: {  	_ =	sfence.sel $0x180000  }
0x226: {  	[bflag:$0x0] =	sbarrier.arrive $0xFFFF  }
0x227: {  	_ =	strace $0x90000047  }
0x228: {  	s0 =	stileid.u32;
	[bflag:$0x2] =	sbarrier.arrive $0xFFFF  }
0x229: {  	p0 =	sne.s32 s0, $0x0;
	s0 =	rddreg [dreg:$0x3]  }
0x22a: {  	s0 =	sadd.s32 @!p0 $0x100000, s0  }
0x22b: {  	[sflag:s0] =	ssyncadd.tile.s32 @!p0 $0x1;
	_ =	shalt  }
.Lfunc_end2:
_tile_overlayer_lowered:
.L_overlay_start_2:
0x22c: {  	(tag) =	ssettag $0x2  }
0x22d: {  	s0 =	rddreg [dreg:$0x0];
	s2 =	stileid.u32  }
0x22e: {  	s1 =	rddreg [dreg:$0x1];
	p0 =	sne.s32 s2, $0x0  }
0x22f: {  	s3 =	rddreg [dreg:$0x2];
	[bflag:$0x3] =	sbarrier.arrive $0xFFFF;
	s2 =	simm.s32 @!p0 $0x1C03  }
0x230: {  	[timem:s3], [sflag:s2] =	dma.local @!p0 [hbm:s0], s1  }
0x231: {  	s0 =	simm.s32 @!p0 $0x3  }
0x232: {  	_ =	swait.ge @!p0 [sflag:s0], s1  }
0x233: {  	s1 =	ssub.s32 @!p0 $0x0, s1;
	[sflag:s0] =	ssyncset.done @!p0 $0x0  }
0x234: {  	[sflag:s0] =	ssyncadd.s32 @!p0 s1  }
0x235: {  	[bflag:$0x3] =	sbarrier.arrive $0xFFFF  }
0x236: {  	_ =	shalt  }

</sc_bundles>
